<compile_context>
chip_gen: v7x
topology: tpu7x:2x2x1
jax: 0.10.2.dev20260603
libtpu: 0.0.44.dev20260713+nightly
codegen_flags: <defaults>
</compile_context>

<pallas_src>
import functools

import jax
import jax.numpy as jnp
from jax import lax
from jax.experimental import pallas as pl
from jax.experimental.pallas import tpu as pltpu
from jax.experimental.pallas import tpu_sc as plsc

N = 8
DEPTH = 3
DIM = 1024
BLK = 1024

PREC = jax.lax.Precision.DEFAULT

_NW = 32
_K = 48

def _nt(a, b):
    return jax.lax.dot_general(a, b, (((1,), (1,)), ((), ())),
                               preferred_element_type=jnp.float32,
                               precision=PREC)


def _nn(a, b):
    return jax.lax.dot_general(a, b, (((1,), (0,)), ((), ())),
                               preferred_element_type=jnp.float32,
                               precision=PREC)


def _route_kernel(x_ref, w0_ref, w1_ref, w2_ref, ws_ref, idx_ref):
    f32 = jnp.float32
    xb = x_ref[...]
    T = xb.shape[0]
    NEG = f32(-1e30)
    cols8 = jax.lax.broadcasted_iota(jnp.int32, (T, N), 1)

    a0 = _nt(xb, w0_ref[...])
    m0 = jnp.max(a0, axis=1, keepdims=True)
    k0 = jnp.min(jnp.where(a0 == m0, cols8, N), axis=1, keepdims=True)
    oh0 = (cols8 == k0).astype(f32)
    x1 = xb + _nn(oh0, ws_ref[...])

    a1 = _nt(x1, w1_ref[...])
    cols64 = jax.lax.broadcasted_iota(jnp.int32, (T, N * N), 1)
    a1m = jnp.where((cols64 >> 3) == k0, a1, NEG)
    m1 = jnp.max(a1m, axis=1, keepdims=True)
    c1 = jnp.min(jnp.where(a1m == m1, cols64, N * N), axis=1, keepdims=True)
    x2 = x1 + _nn((cols8 == (c1 & 7)).astype(f32), ws_ref[...])

    a2 = _nt(x2, w2_ref[...])
    cols512 = jax.lax.broadcasted_iota(jnp.int32, (T, N * N * N), 1)
    a2m = jnp.where((cols512 >> 3) == c1, a2, NEG)
    m2 = jnp.max(a2m, axis=1, keepdims=True)
    c2 = jnp.min(jnp.where(a2m == m2, cols512, N * N * N), axis=1,
                 keepdims=True)

    idx_ref[0] = jnp.concatenate([k0, c1 + N, c2 + (N + N * N)], axis=1)


def _route(x, w0, w1, w2, ws):
    B = x.shape[0]
    grid = (B // BLK,)
    full = lambda shape: pl.BlockSpec(shape, lambda i: (0,) * len(shape))
    return pl.pallas_call(
        _route_kernel,
        grid=grid,
        in_specs=[
            pl.BlockSpec((BLK, DIM), lambda i: (i, 0)),
            full((N, DIM)), full((N * N, DIM)), full((N * N * N, DIM)),
            full((N, DIM)),
        ],
        out_specs=pl.BlockSpec((1, BLK, DEPTH), lambda i: (i, 0, 0)),
        out_shape=jax.ShapeDtypeStruct((B // BLK, BLK, DEPTH), jnp.int32),
    )(x, w0, w1, w2, ws)


def _make_sc_gather(rows_total, nch):
    mesh = plsc.VectorSubcoreMesh(core_axis_name="c", subcore_axis_name="s")

    @functools.partial(
        pl.kernel, mesh=mesh,
        out_type=jax.ShapeDtypeStruct((rows_total, DIM), jnp.float32),
        scratch_types=[
            pltpu.VMEM((nch, _K), jnp.int32),
            pltpu.VMEM((_K, DIM), jnp.float32),
            pltpu.VMEM((_K, DIM), jnp.float32),
            pltpu.SemaphoreType.DMA,
            pltpu.SemaphoreType.DMA,
        ],
    )
    def sc_gather(vtab_hbm, idx_hbm, out_hbm, idx_v, rows0, rows1,
                  sem0, sem1):
        wid = lax.axis_index("s") * 2 + lax.axis_index("c")
        pltpu.sync_copy(idx_hbm.at[wid], idx_v)
        base = wid * (nch * _K)
        bufs = (rows0, rows1)
        sems = (sem0, sem1)
        cps = [None, None]
        cps[0] = pltpu.async_copy(vtab_hbm.at[idx_v.at[0]], rows0, sem0)
        for j in range(nch):
            if j + 1 < nch:
                cps[(j + 1) % 2] = pltpu.async_copy(
                    vtab_hbm.at[idx_v.at[j + 1]], bufs[(j + 1) % 2],
                    sems[(j + 1) % 2])
            cps[j % 2].wait()
            pltpu.sync_copy(bufs[j % 2], out_hbm.at[pl.ds(base + j * _K, _K)])

    return sc_gather


def kernel(x, level0_data, level0_values, level1_data, level1_values,
           level2_data, level2_values, W_state):
    B = x.shape[0]
    w0 = level0_data.reshape(N, DIM)
    w1 = level1_data.reshape(N * N, DIM)
    w2 = level2_data.reshape(N * N * N, DIM)
    vtab = jnp.concatenate([level0_values.reshape(N, DIM),
                            level1_values.reshape(N * N, DIM),
                            level2_values.reshape(N * N * N, DIM)],
                           axis=0).astype(jnp.bfloat16).astype(jnp.float32)

    idx = _route(x, w0, w1, w2, W_state)
    rows_total = DEPTH * B
    nch = rows_total // (_NW * _K)
    idx_flat = idx.reshape(B, DEPTH).T.reshape(_NW, nch, _K)
    out = _make_sc_gather(rows_total, nch)(vtab, idx_flat)
    return out.reshape(DEPTH, B, 1, DIM)

# --- scband reference (transcript-rebuilt; emitter-appended) ---
"""Pipeline reference for scband-filter-constructor-tree-14250701488165 (READ-ONLY COPY).

The authoritative reference and input builder live on the scoring server;
editing this copy changes nothing except your own understanding.
"""

import jax, jax.numpy as jnp
import numpy as np
import math

N = 8
DEPTH = 3
DIM = 1024
B = 8192

def setup_inputs(seed: int = 0) -> dict:
    key = jax.random.key(seed)
    ks = jax.random.split(key, 8)
    s = 1.0 / math.sqrt(DIM)
    inp = {
        'x': jax.random.normal(ks[0], (B, DIM), dtype=jnp.float32),
        'level0_data': jax.random.normal(ks[1], (1, N, DIM), dtype=jnp.float32) * s,
        'level0_values': jax.random.normal(ks[2], (1, N, DIM), dtype=jnp.float32) * s,
        'level1_data': jax.random.normal(ks[3], (N, N, DIM), dtype=jnp.float32) * s,
        'level1_values': jax.random.normal(ks[4], (N, N, DIM), dtype=jnp.float32) * s,
        'level2_data': jax.random.normal(ks[5], (N * N, N, DIM), dtype=jnp.float32) * s,
        'level2_values': jax.random.normal(ks[6], (N * N, N, DIM), dtype=jnp.float32) * s,
        'W_state': jax.random.normal(ks[7], (N, DIM), dtype=jnp.float32) * s,
    }
    return inp

def reference(x, level0_data, level0_values, level1_data, level1_values, level2_data, level2_values, W_state):
    levels = [(level0_data, level0_values), (level1_data, level1_values), (level2_data, level2_values)]
    b = x.shape[0]
    idx = jnp.zeros((b,), dtype=jnp.int32)  # active node index at current tree level
    k_sample = jnp.zeros((b, N), dtype=x.dtype)
    prev_keys = jnp.ones((b, 1, 1), dtype=x.dtype)
    val_list = []
    for d in range(DEPTH):
        # state_transform
        x = x + k_sample @ W_state
        ld, lv = levels[d]
        # gather per-token node parameters (SparseCore-style gather)
        filter_data = jnp.take(ld, idx, axis=0)      # [B, N, DIM]
        values_data = jnp.take(lv, idx, axis=0)      # [B, N, DIM]
        # keys_model: dot-product logits + stochastic multinomial (straight-through one-hot)
        logits = jnp.einsum('bd,bnd->bn', x, filter_data)
        probs = jax.nn.softmax(logits, axis=-1)
        int_keys = jnp.argmax(probs, axis=-1)
        one_hot = jax.nn.one_hot(int_keys, N, dtype=x.dtype)
        k_sample = one_hot + probs - jax.lax.stop_gradient(probs)
        # values_model
        values = jnp.einsum('bn,bnd->bd', k_sample, values_data)[:, None, :] * prev_keys
        prev_keys = prev_keys * jnp.max(k_sample, axis=-1)[:, None, None]
        val_list.append(values)
        # descend: child node index in next level's flattened node table
        idx = idx * N + int_keys.astype(jnp.int32)
    return jnp.stack(val_list)  # [DEPTH, B, 1, DIM]

if __name__ == "__main__":
    import jax
    _d = setup_inputs()
    print(jax.jit(kernel)(*tuple(_d.values())))

</pallas_src>

<mosaic_0001>
#map = affine_map<(d0, d1) -> (0, 0)>
#map1 = affine_map<(d0, d1) -> (0, 0, 0)>
module attributes {stable_mosaic.version = 14 : i64} {
  func.func @sc_gather(%arg0: i32, %arg1: i32, %arg2: memref<584x1024xf32, #tpu.memory_space<hbm>>, %arg3: memref<32x16x48xi32, #tpu.memory_space<hbm>>, %arg4: memref<24576x1024xf32, #tpu.memory_space<hbm>>, %arg5: memref<16x48xi32, #tpu.memory_space<vmem>>, %arg6: memref<48x1024xf32, #tpu.memory_space<vmem>>, %arg7: memref<48x1024xf32, #tpu.memory_space<vmem>>, %arg8: memref<!tpu.dma_semaphore, #tpu.memory_space<semaphore_mem>>, %arg9: memref<!tpu.dma_semaphore, #tpu.memory_space<semaphore_mem>>) attributes {dimension_semantics = [#tpu.dimension_semantics<core_parallel>, #tpu.dimension_semantics<subcore_parallel>], iteration_bounds = array<i64: 2, 16>, scalar_prefetch = 0 : i64, scratch_operands = 5 : i64, tpu.core_type = #tpu.core_type<sc_vector_subcore>, window_params = [{transform_indices = #map}, {transform_indices = #map1}, {transform_indices = #map}]} {
    %mul3A = arith.constant 2 : i32
    %mul3A_0 = arith.muli %arg1, %mul3A : i32
    %add3A = arith.addi %mul3A_0, %arg0 : i32
    "tpu.region"() ({
      %run_scoped3A = tpu.sem_alloc : memref<!tpu.dma_semaphore, #tpu.memory_space<semaphore_mem>>
      %dma_start3A_257 = arith.constant 0 : i32
      %dma_start3A_258 = arith.constant 0 : i32
      %dma_start3A_259 = tpu.memref_slice %arg3[%add3A, %dma_start3A_257, %dma_start3A_258] : memref<32x16x48xi32, #tpu.memory_space<hbm>> -> memref<1x16x48xi32, #tpu.memory_space<hbm>>
      %dma_start3A_260 = tpu.memref_squeeze %dma_start3A_259 : memref<1x16x48xi32, #tpu.memory_space<hbm>> -> memref<16x48xi32, #tpu.memory_space<hbm>>
      %dma_start3A_261 = arith.constant 0 : i32
      %dma_start3A_262 = arith.constant 0 : i32
      %dma_start3A_263 = tpu.memref_slice %arg3[%add3A, %dma_start3A_261, %dma_start3A_262] : memref<32x16x48xi32, #tpu.memory_space<hbm>> -> memref<1x16x48xi32, #tpu.memory_space<hbm>>
      %dma_start3A_264 = tpu.memref_squeeze %dma_start3A_263 : memref<1x16x48xi32, #tpu.memory_space<hbm>> -> memref<16x48xi32, #tpu.memory_space<hbm>>
      tpu.enqueue_dma source(%dma_start3A_264 : memref<16x48xi32, #tpu.memory_space<hbm>>) target(%arg5 : memref<16x48xi32, #tpu.memory_space<vmem>>) target_semaphore(%run_scoped3A : memref<!tpu.dma_semaphore, #tpu.memory_space<semaphore_mem>>)
      %dma_wait3A_265 = arith.constant 0 : i32
      %dma_wait3A_266 = arith.constant 0 : i32
      %dma_wait3A_267 = tpu.memref_slice %arg3[%add3A, %dma_wait3A_265, %dma_wait3A_266] : memref<32x16x48xi32, #tpu.memory_space<hbm>> -> memref<1x16x48xi32, #tpu.memory_space<hbm>>
      %dma_wait3A_268 = tpu.memref_squeeze %dma_wait3A_267 : memref<1x16x48xi32, #tpu.memory_space<hbm>> -> memref<16x48xi32, #tpu.memory_space<hbm>>
      %dma_wait3A_269 = arith.constant 0 : i32
      %dma_wait3A_270 = arith.constant 0 : i32
      %dma_wait3A_271 = tpu.memref_slice %arg3[%add3A, %dma_wait3A_269, %dma_wait3A_270] : memref<32x16x48xi32, #tpu.memory_space<hbm>> -> memref<1x16x48xi32, #tpu.memory_space<hbm>>
      %dma_wait3A_272 = tpu.memref_squeeze %dma_wait3A_271 : memref<1x16x48xi32, #tpu.memory_space<hbm>> -> memref<16x48xi32, #tpu.memory_space<hbm>>
      tpu.wait_dma2 semaphore(%run_scoped3A : memref<!tpu.dma_semaphore, #tpu.memory_space<semaphore_mem>>) src(%dma_wait3A_272 : memref<16x48xi32, #tpu.memory_space<hbm>>) dst(%arg5 : memref<16x48xi32, #tpu.memory_space<vmem>>)
      tpu.yield
    }) : () -> ()
    %mul3A_1 = arith.constant 768 : i32
    %mul3A_2 = arith.muli %add3A, %mul3A_1 : i32
    %dma_start3A = arith.constant 0 : i32
    %dma_start3A_3 = arith.constant 0 : i32
    %dma_start3A_4 = tpu.memref_slice %arg5[%dma_start3A, %dma_start3A_3] : memref<16x48xi32, #tpu.memory_space<vmem>> -> memref<1x48xi32, #tpu.memory_space<vmem>>
    %dma_start3A_5 = tpu.memref_squeeze %dma_start3A_4 : memref<1x48xi32, #tpu.memory_space<vmem>> -> memref<48xi32, #tpu.memory_space<vmem>>
    %dma_start3A_6 = arith.constant 0 : i32
    %dma_start3A_7 = arith.constant 0 : i32
    %dma_start3A_8 = tpu.memref_slice %arg2[%dma_start3A_6, %dma_start3A_7] : memref<584x1024xf32, #tpu.memory_space<hbm>> -> memref<584x1024xf32, #tpu.memory_space<hbm>>
    tpu.enqueue_indirect_dma source(%dma_start3A_8 : memref<584x1024xf32, #tpu.memory_space<hbm>>) target(%arg6 : memref<48x1024xf32, #tpu.memory_space<vmem>>) offsets(%dma_start3A_5 : memref<48xi32, #tpu.memory_space<vmem>>) semaphore(%arg8 : memref<!tpu.dma_semaphore, #tpu.memory_space<semaphore_mem>>)
    %dma_start3A_9 = arith.constant 1 : i32
    %dma_start3A_10 = arith.constant 0 : i32
    %dma_start3A_11 = tpu.memref_slice %arg5[%dma_start3A_9, %dma_start3A_10] : memref<16x48xi32, #tpu.memory_space<vmem>> -> memref<1x48xi32, #tpu.memory_space<vmem>>
    %dma_start3A_12 = tpu.memref_squeeze %dma_start3A_11 : memref<1x48xi32, #tpu.memory_space<vmem>> -> memref<48xi32, #tpu.memory_space<vmem>>
    %dma_start3A_13 = arith.constant 0 : i32
    %dma_start3A_14 = arith.constant 0 : i32
    %dma_start3A_15 = tpu.memref_slice %arg2[%dma_start3A_13, %dma_start3A_14] : memref<584x1024xf32, #tpu.memory_space<hbm>> -> memref<584x1024xf32, #tpu.memory_space<hbm>>
    tpu.enqueue_indirect_dma source(%dma_start3A_15 : memref<584x1024xf32, #tpu.memory_space<hbm>>) target(%arg7 : memref<48x1024xf32, #tpu.memory_space<vmem>>) offsets(%dma_start3A_12 : memref<48xi32, #tpu.memory_space<vmem>>) semaphore(%arg9 : memref<!tpu.dma_semaphore, #tpu.memory_space<semaphore_mem>>)
    %dma_wait3A = arith.constant 0 : i32
    %dma_wait3A_16 = arith.constant 0 : i32
    %dma_wait3A_17 = tpu.memref_slice %arg5[%dma_wait3A, %dma_wait3A_16] : memref<16x48xi32, #tpu.memory_space<vmem>> -> memref<1x48xi32, #tpu.memory_space<vmem>>
    %dma_wait3A_18 = tpu.memref_squeeze %dma_wait3A_17 : memref<1x48xi32, #tpu.memory_space<vmem>> -> memref<48xi32, #tpu.memory_space<vmem>>
    %dma_wait3A_19 = arith.constant 0 : i32
    %dma_wait3A_20 = arith.constant 0 : i32
    %dma_wait3A_21 = tpu.memref_slice %arg2[%dma_wait3A_19, %dma_wait3A_20] : memref<584x1024xf32, #tpu.memory_space<hbm>> -> memref<584x1024xf32, #tpu.memory_space<hbm>>
    tpu.wait_indirect_dma semaphore(%arg8 : memref<!tpu.dma_semaphore, #tpu.memory_space<semaphore_mem>>) src(%dma_wait3A_21 : memref<584x1024xf32, #tpu.memory_space<hbm>>) dst(%arg6 : memref<48x1024xf32, #tpu.memory_space<vmem>>)
    %add3A_22 = arith.constant 0 : i32
    %add3A_23 = arith.addi %mul3A_2, %add3A_22 : i32
    "tpu.region"() ({
      %run_scoped3A = tpu.sem_alloc : memref<!tpu.dma_semaphore, #tpu.memory_space<semaphore_mem>>
      %dma_start3A_257 = arith.constant 0 : i32
      %dma_start3A_258 = tpu.memref_slice %arg4[%add3A_23, %dma_start3A_257] : memref<24576x1024xf32, #tpu.memory_space<hbm>> -> memref<48x1024xf32, #tpu.memory_space<hbm>>
      %dma_start3A_259 = arith.constant 0 : i32
      %dma_start3A_260 = tpu.memref_slice %arg4[%add3A_23, %dma_start3A_259] : memref<24576x1024xf32, #tpu.memory_space<hbm>> -> memref<48x1024xf32, #tpu.memory_space<hbm>>
      tpu.enqueue_dma source(%arg6 : memref<48x1024xf32, #tpu.memory_space<vmem>>) target(%dma_start3A_260 : memref<48x1024xf32, #tpu.memory_space<hbm>>) target_semaphore(%run_scoped3A : memref<!tpu.dma_semaphore, #tpu.memory_space<semaphore_mem>>)
      %dma_wait3A_261 = arith.constant 0 : i32
      %dma_wait3A_262 = tpu.memref_slice %arg4[%add3A_23, %dma_wait3A_261] : memref<24576x1024xf32, #tpu.memory_space<hbm>> -> memref<48x1024xf32, #tpu.memory_space<hbm>>
      %dma_wait3A_263 = arith.constant 0 : i32
      %dma_wait3A_264 = tpu.memref_slice %arg4[%add3A_23, %dma_wait3A_263] : memref<24576x1024xf32, #tpu.memory_space<hbm>> -> memref<48x1024xf32, #tpu.memory_space<hbm>>
      tpu.wait_dma2 semaphore(%run_scoped3A : memref<!tpu.dma_semaphore, #tpu.memory_space<semaphore_mem>>) src(%arg6 : memref<48x1024xf32, #tpu.memory_space<vmem>>) dst(%dma_wait3A_264 : memref<48x1024xf32, #tpu.memory_space<hbm>>)
      tpu.yield
    }) : () -> ()
    %dma_start3A_24 = arith.constant 2 : i32
    %dma_start3A_25 = arith.constant 0 : i32
    %dma_start3A_26 = tpu.memref_slice %arg5[%dma_start3A_24, %dma_start3A_25] : memref<16x48xi32, #tpu.memory_space<vmem>> -> memref<1x48xi32, #tpu.memory_space<vmem>>
    %dma_start3A_27 = tpu.memref_squeeze %dma_start3A_26 : memref<1x48xi32, #tpu.memory_space<vmem>> -> memref<48xi32, #tpu.memory_space<vmem>>
    %dma_start3A_28 = arith.constant 0 : i32
    %dma_start3A_29 = arith.constant 0 : i32
    %dma_start3A_30 = tpu.memref_slice %arg2[%dma_start3A_28, %dma_start3A_29] : memref<584x1024xf32, #tpu.memory_space<hbm>> -> memref<584x1024xf32, #tpu.memory_space<hbm>>
    tpu.enqueue_indirect_dma source(%dma_start3A_30 : memref<584x1024xf32, #tpu.memory_space<hbm>>) target(%arg6 : memref<48x1024xf32, #tpu.memory_space<vmem>>) offsets(%dma_start3A_27 : memref<48xi32, #tpu.memory_space<vmem>>) semaphore(%arg8 : memref<!tpu.dma_semaphore, #tpu.memory_space<semaphore_mem>>)
    %dma_wait3A_31 = arith.constant 1 : i32
    %dma_wait3A_32 = arith.constant 0 : i32
    %dma_wait3A_33 = tpu.memref_slice %arg5[%dma_wait3A_31, %dma_wait3A_32] : memref<16x48xi32, #tpu.memory_space<vmem>> -> memref<1x48xi32, #tpu.memory_space<vmem>>
    %dma_wait3A_34 = tpu.memref_squeeze %dma_wait3A_33 : memref<1x48xi32, #tpu.memory_space<vmem>> -> memref<48xi32, #tpu.memory_space<vmem>>
    %dma_wait3A_35 = arith.constant 0 : i32
    %dma_wait3A_36 = arith.constant 0 : i32
    %dma_wait3A_37 = tpu.memref_slice %arg2[%dma_wait3A_35, %dma_wait3A_36] : memref<584x1024xf32, #tpu.memory_space<hbm>> -> memref<584x1024xf32, #tpu.memory_space<hbm>>
    tpu.wait_indirect_dma semaphore(%arg9 : memref<!tpu.dma_semaphore, #tpu.memory_space<semaphore_mem>>) src(%dma_wait3A_37 : memref<584x1024xf32, #tpu.memory_space<hbm>>) dst(%arg7 : memref<48x1024xf32, #tpu.memory_space<vmem>>)
    %add3A_38 = arith.constant 48 : i32
    %add3A_39 = arith.addi %mul3A_2, %add3A_38 : i32
    "tpu.region"() ({
      %run_scoped3A = tpu.sem_alloc : memref<!tpu.dma_semaphore, #tpu.memory_space<semaphore_mem>>
      %dma_start3A_257 = arith.constant 0 : i32
      %dma_start3A_258 = tpu.memref_slice %arg4[%add3A_39, %dma_start3A_257] : memref<24576x1024xf32, #tpu.memory_space<hbm>> -> memref<48x1024xf32, #tpu.memory_space<hbm>>
      %dma_start3A_259 = arith.constant 0 : i32
      %dma_start3A_260 = tpu.memref_slice %arg4[%add3A_39, %dma_start3A_259] : memref<24576x1024xf32, #tpu.memory_space<hbm>> -> memref<48x1024xf32, #tpu.memory_space<hbm>>
      tpu.enqueue_dma source(%arg7 : memref<48x1024xf32, #tpu.memory_space<vmem>>) target(%dma_start3A_260 : memref<48x1024xf32, #tpu.memory_space<hbm>>) target_semaphore(%run_scoped3A : memref<!tpu.dma_semaphore, #tpu.memory_space<semaphore_mem>>)
      %dma_wait3A_261 = arith.constant 0 : i32
      %dma_wait3A_262 = tpu.memref_slice %arg4[%add3A_39, %dma_wait3A_261] : memref<24576x1024xf32, #tpu.memory_space<hbm>> -> memref<48x1024xf32, #tpu.memory_space<hbm>>
      %dma_wait3A_263 = arith.constant 0 : i32
      %dma_wait3A_264 = tpu.memref_slice %arg4[%add3A_39, %dma_wait3A_263] : memref<24576x1024xf32, #tpu.memory_space<hbm>> -> memref<48x1024xf32, #tpu.memory_space<hbm>>
      tpu.wait_dma2 semaphore(%run_scoped3A : memref<!tpu.dma_semaphore, #tpu.memory_space<semaphore_mem>>) src(%arg7 : memref<48x1024xf32, #tpu.memory_space<vmem>>) dst(%dma_wait3A_264 : memref<48x1024xf32, #tpu.memory_space<hbm>>)
      tpu.yield
    }) : () -> ()
    %dma_start3A_40 = arith.constant 3 : i32
    %dma_start3A_41 = arith.constant 0 : i32
    %dma_start3A_42 = tpu.memref_slice %arg5[%dma_start3A_40, %dma_start3A_41] : memref<16x48xi32, #tpu.memory_space<vmem>> -> memref<1x48xi32, #tpu.memory_space<vmem>>
    %dma_start3A_43 = tpu.memref_squeeze %dma_start3A_42 : memref<1x48xi32, #tpu.memory_space<vmem>> -> memref<48xi32, #tpu.memory_space<vmem>>
    %dma_start3A_44 = arith.constant 0 : i32
    %dma_start3A_45 = arith.constant 0 : i32
    %dma_start3A_46 = tpu.memref_slice %arg2[%dma_start3A_44, %dma_start3A_45] : memref<584x1024xf32, #tpu.memory_space<hbm>> -> memref<584x1024xf32, #tpu.memory_space<hbm>>
    tpu.enqueue_indirect_dma source(%dma_start3A_46 : memref<584x1024xf32, #tpu.memory_space<hbm>>) target(%arg7 : memref<48x1024xf32, #tpu.memory_space<vmem>>) offsets(%dma_start3A_43 : memref<48xi32, #tpu.memory_space<vmem>>) semaphore(%arg9 : memref<!tpu.dma_semaphore, #tpu.memory_space<semaphore_mem>>)
    %dma_wait3A_47 = arith.constant 2 : i32
    %dma_wait3A_48 = arith.constant 0 : i32
    %dma_wait3A_49 = tpu.memref_slice %arg5[%dma_wait3A_47, %dma_wait3A_48] : memref<16x48xi32, #tpu.memory_space<vmem>> -> memref<1x48xi32, #tpu.memory_space<vmem>>
    %dma_wait3A_50 = tpu.memref_squeeze %dma_wait3A_49 : memref<1x48xi32, #tpu.memory_space<vmem>> -> memref<48xi32, #tpu.memory_space<vmem>>
    %dma_wait3A_51 = arith.constant 0 : i32
    %dma_wait3A_52 = arith.constant 0 : i32
    %dma_wait3A_53 = tpu.memref_slice %arg2[%dma_wait3A_51, %dma_wait3A_52] : memref<584x1024xf32, #tpu.memory_space<hbm>> -> memref<584x1024xf32, #tpu.memory_space<hbm>>
    tpu.wait_indirect_dma semaphore(%arg8 : memref<!tpu.dma_semaphore, #tpu.memory_space<semaphore_mem>>) src(%dma_wait3A_53 : memref<584x1024xf32, #tpu.memory_space<hbm>>) dst(%arg6 : memref<48x1024xf32, #tpu.memory_space<vmem>>)
    %add3A_54 = arith.constant 96 : i32
    %add3A_55 = arith.addi %mul3A_2, %add3A_54 : i32
    "tpu.region"() ({
      %run_scoped3A = tpu.sem_alloc : memref<!tpu.dma_semaphore, #tpu.memory_space<semaphore_mem>>
      %dma_start3A_257 = arith.constant 0 : i32
      %dma_start3A_258 = tpu.memref_slice %arg4[%add3A_55, %dma_start3A_257] : memref<24576x1024xf32, #tpu.memory_space<hbm>> -> memref<48x1024xf32, #tpu.memory_space<hbm>>
      %dma_start3A_259 = arith.constant 0 : i32
      %dma_start3A_260 = tpu.memref_slice %arg4[%add3A_55, %dma_start3A_259] : memref<24576x1024xf32, #tpu.memory_space<hbm>> -> memref<48x1024xf32, #tpu.memory_space<hbm>>
      tpu.enqueue_dma source(%arg6 : memref<48x1024xf32, #tpu.memory_space<vmem>>) target(%dma_start3A_260 : memref<48x1024xf32, #tpu.memory_space<hbm>>) target_semaphore(%run_scoped3A : memref<!tpu.dma_semaphore, #tpu.memory_space<semaphore_mem>>)
      %dma_wait3A_261 = arith.constant 0 : i32
      %dma_wait3A_262 = tpu.memref_slice %arg4[%add3A_55, %dma_wait3A_261] : memref<24576x1024xf32, #tpu.memory_space<hbm>> -> memref<48x1024xf32, #tpu.memory_space<hbm>>
      %dma_wait3A_263 = arith.constant 0 : i32
      %dma_wait3A_264 = tpu.memref_slice %arg4[%add3A_55, %dma_wait3A_263] : memref<24576x1024xf32, #tpu.memory_space<hbm>> -> memref<48x1024xf32, #tpu.memory_space<hbm>>
      tpu.wait_dma2 semaphore(%run_scoped3A : memref<!tpu.dma_semaphore, #tpu.memory_space<semaphore_mem>>) src(%arg6 : memref<48x1024xf32, #tpu.memory_space<vmem>>) dst(%dma_wait3A_264 : memref<48x1024xf32, #tpu.memory_space<hbm>>)
      tpu.yield
    }) : () -> ()
    %dma_start3A_56 = arith.constant 4 : i32
    %dma_start3A_57 = arith.constant 0 : i32
    %dma_start3A_58 = tpu.memref_slice %arg5[%dma_start3A_56, %dma_start3A_57] : memref<16x48xi32, #tpu.memory_space<vmem>> -> memref<1x48xi32, #tpu.memory_space<vmem>>
    %dma_start3A_59 = tpu.memref_squeeze %dma_start3A_58 : memref<1x48xi32, #tpu.memory_space<vmem>> -> memref<48xi32, #tpu.memory_space<vmem>>
    %dma_start3A_60 = arith.constant 0 : i32
    %dma_start3A_61 = arith.constant 0 : i32
    %dma_start3A_62 = tpu.memref_slice %arg2[%dma_start3A_60, %dma_start3A_61] : memref<584x1024xf32, #tpu.memory_space<hbm>> -> memref<584x1024xf32, #tpu.memory_space<hbm>>
    tpu.enqueue_indirect_dma source(%dma_start3A_62 : memref<584x1024xf32, #tpu.memory_space<hbm>>) target(%arg6 : memref<48x1024xf32, #tpu.memory_space<vmem>>) offsets(%dma_start3A_59 : memref<48xi32, #tpu.memory_space<vmem>>) semaphore(%arg8 : memref<!tpu.dma_semaphore, #tpu.memory_space<semaphore_mem>>)
    %dma_wait3A_63 = arith.constant 3 : i32
    %dma_wait3A_64 = arith.constant 0 : i32
    %dma_wait3A_65 = tpu.memref_slice %arg5[%dma_wait3A_63, %dma_wait3A_64] : memref<16x48xi32, #tpu.memory_space<vmem>> -> memref<1x48xi32, #tpu.memory_space<vmem>>
    %dma_wait3A_66 = tpu.memref_squeeze %dma_wait3A_65 : memref<1x48xi32, #tpu.memory_space<vmem>> -> memref<48xi32, #tpu.memory_space<vmem>>
    %dma_wait3A_67 = arith.constant 0 : i32
    %dma_wait3A_68 = arith.constant 0 : i32
    %dma_wait3A_69 = tpu.memref_slice %arg2[%dma_wait3A_67, %dma_wait3A_68] : memref<584x1024xf32, #tpu.memory_space<hbm>> -> memref<584x1024xf32, #tpu.memory_space<hbm>>
    tpu.wait_indirect_dma semaphore(%arg9 : memref<!tpu.dma_semaphore, #tpu.memory_space<semaphore_mem>>) src(%dma_wait3A_69 : memref<584x1024xf32, #tpu.memory_space<hbm>>) dst(%arg7 : memref<48x1024xf32, #tpu.memory_space<vmem>>)
    %add3A_70 = arith.constant 144 : i32
    %add3A_71 = arith.addi %mul3A_2, %add3A_70 : i32
    "tpu.region"() ({
      %run_scoped3A = tpu.sem_alloc : memref<!tpu.dma_semaphore, #tpu.memory_space<semaphore_mem>>
      %dma_start3A_257 = arith.constant 0 : i32
      %dma_start3A_258 = tpu.memref_slice %arg4[%add3A_71, %dma_start3A_257] : memref<24576x1024xf32, #tpu.memory_space<hbm>> -> memref<48x1024xf32, #tpu.memory_space<hbm>>
      %dma_start3A_259 = arith.constant 0 : i32
      %dma_start3A_260 = tpu.memref_slice %arg4[%add3A_71, %dma_start3A_259] : memref<24576x1024xf32, #tpu.memory_space<hbm>> -> memref<48x1024xf32, #tpu.memory_space<hbm>>
      tpu.enqueue_dma source(%arg7 : memref<48x1024xf32, #tpu.memory_space<vmem>>) target(%dma_start3A_260 : memref<48x1024xf32, #tpu.memory_space<hbm>>) target_semaphore(%run_scoped3A : memref<!tpu.dma_semaphore, #tpu.memory_space<semaphore_mem>>)
      %dma_wait3A_261 = arith.constant 0 : i32
      %dma_wait3A_262 = tpu.memref_slice %arg4[%add3A_71, %dma_wait3A_261] : memref<24576x1024xf32, #tpu.memory_space<hbm>> -> memref<48x1024xf32, #tpu.memory_space<hbm>>
      %dma_wait3A_263 = arith.constant 0 : i32
      %dma_wait3A_264 = tpu.memref_slice %arg4[%add3A_71, %dma_wait3A_263] : memref<24576x1024xf32, #tpu.memory_space<hbm>> -> memref<48x1024xf32, #tpu.memory_space<hbm>>
      tpu.wait_dma2 semaphore(%run_scoped3A : memref<!tpu.dma_semaphore, #tpu.memory_space<semaphore_mem>>) src(%arg7 : memref<48x1024xf32, #tpu.memory_space<vmem>>) dst(%dma_wait3A_264 : memref<48x1024xf32, #tpu.memory_space<hbm>>)
      tpu.yield
    }) : () -> ()
    %dma_start3A_72 = arith.constant 5 : i32
    %dma_start3A_73 = arith.constant 0 : i32
    %dma_start3A_74 = tpu.memref_slice %arg5[%dma_start3A_72, %dma_start3A_73] : memref<16x48xi32, #tpu.memory_space<vmem>> -> memref<1x48xi32, #tpu.memory_space<vmem>>
    %dma_start3A_75 = tpu.memref_squeeze %dma_start3A_74 : memref<1x48xi32, #tpu.memory_space<vmem>> -> memref<48xi32, #tpu.memory_space<vmem>>
    %dma_start3A_76 = arith.constant 0 : i32
    %dma_start3A_77 = arith.constant 0 : i32
    %dma_start3A_78 = tpu.memref_slice %arg2[%dma_start3A_76, %dma_start3A_77] : memref<584x1024xf32, #tpu.memory_space<hbm>> -> memref<584x1024xf32, #tpu.memory_space<hbm>>
    tpu.enqueue_indirect_dma source(%dma_start3A_78 : memref<584x1024xf32, #tpu.memory_space<hbm>>) target(%arg7 : memref<48x1024xf32, #tpu.memory_space<vmem>>) offsets(%dma_start3A_75 : memref<48xi32, #tpu.memory_space<vmem>>) semaphore(%arg9 : memref<!tpu.dma_semaphore, #tpu.memory_space<semaphore_mem>>)
    %dma_wait3A_79 = arith.constant 4 : i32
    %dma_wait3A_80 = arith.constant 0 : i32
    %dma_wait3A_81 = tpu.memref_slice %arg5[%dma_wait3A_79, %dma_wait3A_80] : memref<16x48xi32, #tpu.memory_space<vmem>> -> memref<1x48xi32, #tpu.memory_space<vmem>>
    %dma_wait3A_82 = tpu.memref_squeeze %dma_wait3A_81 : memref<1x48xi32, #tpu.memory_space<vmem>> -> memref<48xi32, #tpu.memory_space<vmem>>
    %dma_wait3A_83 = arith.constant 0 : i32
    %dma_wait3A_84 = arith.constant 0 : i32
    %dma_wait3A_85 = tpu.memref_slice %arg2[%dma_wait3A_83, %dma_wait3A_84] : memref<584x1024xf32, #tpu.memory_space<hbm>> -> memref<584x1024xf32, #tpu.memory_space<hbm>>
    tpu.wait_indirect_dma semaphore(%arg8 : memref<!tpu.dma_semaphore, #tpu.memory_space<semaphore_mem>>) src(%dma_wait3A_85 : memref<584x1024xf32, #tpu.memory_space<hbm>>) dst(%arg6 : memref<48x1024xf32, #tpu.memory_space<vmem>>)
    %add3A_86 = arith.constant 192 : i32
    %add3A_87 = arith.addi %mul3A_2, %add3A_86 : i32
    "tpu.region"() ({
      %run_scoped3A = tpu.sem_alloc : memref<!tpu.dma_semaphore, #tpu.memory_space<semaphore_mem>>
      %dma_start3A_257 = arith.constant 0 : i32
      %dma_start3A_258 = tpu.memref_slice %arg4[%add3A_87, %dma_start3A_257] : memref<24576x1024xf32, #tpu.memory_space<hbm>> -> memref<48x1024xf32, #tpu.memory_space<hbm>>
      %dma_start3A_259 = arith.constant 0 : i32
      %dma_start3A_260 = tpu.memref_slice %arg4[%add3A_87, %dma_start3A_259] : memref<24576x1024xf32, #tpu.memory_space<hbm>> -> memref<48x1024xf32, #tpu.memory_space<hbm>>
      tpu.enqueue_dma source(%arg6 : memref<48x1024xf32, #tpu.memory_space<vmem>>) target(%dma_start3A_260 : memref<48x1024xf32, #tpu.memory_space<hbm>>) target_semaphore(%run_scoped3A : memref<!tpu.dma_semaphore, #tpu.memory_space<semaphore_mem>>)
      %dma_wait3A_261 = arith.constant 0 : i32
      %dma_wait3A_262 = tpu.memref_slice %arg4[%add3A_87, %dma_wait3A_261] : memref<24576x1024xf32, #tpu.memory_space<hbm>> -> memref<48x1024xf32, #tpu.memory_space<hbm>>
      %dma_wait3A_263 = arith.constant 0 : i32
      %dma_wait3A_264 = tpu.memref_slice %arg4[%add3A_87, %dma_wait3A_263] : memref<24576x1024xf32, #tpu.memory_space<hbm>> -> memref<48x1024xf32, #tpu.memory_space<hbm>>
      tpu.wait_dma2 semaphore(%run_scoped3A : memref<!tpu.dma_semaphore, #tpu.memory_space<semaphore_mem>>) src(%arg6 : memref<48x1024xf32, #tpu.memory_space<vmem>>) dst(%dma_wait3A_264 : memref<48x1024xf32, #tpu.memory_space<hbm>>)
      tpu.yield
    }) : () -> ()
    %dma_start3A_88 = arith.constant 6 : i32
    %dma_start3A_89 = arith.constant 0 : i32
    %dma_start3A_90 = tpu.memref_slice %arg5[%dma_start3A_88, %dma_start3A_89] : memref<16x48xi32, #tpu.memory_space<vmem>> -> memref<1x48xi32, #tpu.memory_space<vmem>>
    %dma_start3A_91 = tpu.memref_squeeze %dma_start3A_90 : memref<1x48xi32, #tpu.memory_space<vmem>> -> memref<48xi32, #tpu.memory_space<vmem>>
    %dma_start3A_92 = arith.constant 0 : i32
    %dma_start3A_93 = arith.constant 0 : i32
    %dma_start3A_94 = tpu.memref_slice %arg2[%dma_start3A_92, %dma_start3A_93] : memref<584x1024xf32, #tpu.memory_space<hbm>> -> memref<584x1024xf32, #tpu.memory_space<hbm>>
    tpu.enqueue_indirect_dma source(%dma_start3A_94 : memref<584x1024xf32, #tpu.memory_space<hbm>>) target(%arg6 : memref<48x1024xf32, #tpu.memory_space<vmem>>) offsets(%dma_start3A_91 : memref<48xi32, #tpu.memory_space<vmem>>) semaphore(%arg8 : memref<!tpu.dma_semaphore, #tpu.memory_space<semaphore_mem>>)
    %dma_wait3A_95 = arith.constant 5 : i32
    %dma_wait3A_96 = arith.constant 0 : i32
    %dma_wait3A_97 = tpu.memref_slice %arg5[%dma_wait3A_95, %dma_wait3A_96] : memref<16x48xi32, #tpu.memory_space<vmem>> -> memref<1x48xi32, #tpu.memory_space<vmem>>
    %dma_wait3A_98 = tpu.memref_squeeze %dma_wait3A_97 : memref<1x48xi32, #tpu.memory_space<vmem>> -> memref<48xi32, #tpu.memory_space<vmem>>
    %dma_wait3A_99 = arith.constant 0 : i32
    %dma_wait3A_100 = arith.constant 0 : i32
    %dma_wait3A_101 = tpu.memref_slice %arg2[%dma_wait3A_99, %dma_wait3A_100] : memref<584x1024xf32, #tpu.memory_space<hbm>> -> memref<584x1024xf32, #tpu.memory_space<hbm>>
    tpu.wait_indirect_dma semaphore(%arg9 : memref<!tpu.dma_semaphore, #tpu.memory_space<semaphore_mem>>) src(%dma_wait3A_101 : memref<584x1024xf32, #tpu.memory_space<hbm>>) dst(%arg7 : memref<48x1024xf32, #tpu.memory_space<vmem>>)
    %add3A_102 = arith.constant 240 : i32
    %add3A_103 = arith.addi %mul3A_2, %add3A_102 : i32
    "tpu.region"() ({
      %run_scoped3A = tpu.sem_alloc : memref<!tpu.dma_semaphore, #tpu.memory_space<semaphore_mem>>
      %dma_start3A_257 = arith.constant 0 : i32
      %dma_start3A_258 = tpu.memref_slice %arg4[%add3A_103, %dma_start3A_257] : memref<24576x1024xf32, #tpu.memory_space<hbm>> -> memref<48x1024xf32, #tpu.memory_space<hbm>>
      %dma_start3A_259 = arith.constant 0 : i32
      %dma_start3A_260 = tpu.memref_slice %arg4[%add3A_103, %dma_start3A_259] : memref<24576x1024xf32, #tpu.memory_space<hbm>> -> memref<48x1024xf32, #tpu.memory_space<hbm>>
      tpu.enqueue_dma source(%arg7 : memref<48x1024xf32, #tpu.memory_space<vmem>>) target(%dma_start3A_260 : memref<48x1024xf32, #tpu.memory_space<hbm>>) target_semaphore(%run_scoped3A : memref<!tpu.dma_semaphore, #tpu.memory_space<semaphore_mem>>)
      %dma_wait3A_261 = arith.constant 0 : i32
      %dma_wait3A_262 = tpu.memref_slice %arg4[%add3A_103, %dma_wait3A_261] : memref<24576x1024xf32, #tpu.memory_space<hbm>> -> memref<48x1024xf32, #tpu.memory_space<hbm>>
      %dma_wait3A_263 = arith.constant 0 : i32
      %dma_wait3A_264 = tpu.memref_slice %arg4[%add3A_103, %dma_wait3A_263] : memref<24576x1024xf32, #tpu.memory_space<hbm>> -> memref<48x1024xf32, #tpu.memory_space<hbm>>
      tpu.wait_dma2 semaphore(%run_scoped3A : memref<!tpu.dma_semaphore, #tpu.memory_space<semaphore_mem>>) src(%arg7 : memref<48x1024xf32, #tpu.memory_space<vmem>>) dst(%dma_wait3A_264 : memref<48x1024xf32, #tpu.memory_space<hbm>>)
      tpu.yield
    }) : () -> ()
    %dma_start3A_104 = arith.constant 7 : i32
    %dma_start3A_105 = arith.constant 0 : i32
    %dma_start3A_106 = tpu.memref_slice %arg5[%dma_start3A_104, %dma_start3A_105] : memref<16x48xi32, #tpu.memory_space<vmem>> -> memref<1x48xi32, #tpu.memory_space<vmem>>
    %dma_start3A_107 = tpu.memref_squeeze %dma_start3A_106 : memref<1x48xi32, #tpu.memory_space<vmem>> -> memref<48xi32, #tpu.memory_space<vmem>>
    %dma_start3A_108 = arith.constant 0 : i32
    %dma_start3A_109 = arith.constant 0 : i32
    %dma_start3A_110 = tpu.memref_slice %arg2[%dma_start3A_108, %dma_start3A_109] : memref<584x1024xf32, #tpu.memory_space<hbm>> -> memref<584x1024xf32, #tpu.memory_space<hbm>>
    tpu.enqueue_indirect_dma source(%dma_start3A_110 : memref<584x1024xf32, #tpu.memory_space<hbm>>) target(%arg7 : memref<48x1024xf32, #tpu.memory_space<vmem>>) offsets(%dma_start3A_107 : memref<48xi32, #tpu.memory_space<vmem>>) semaphore(%arg9 : memref<!tpu.dma_semaphore, #tpu.memory_space<semaphore_mem>>)
    %dma_wait3A_111 = arith.constant 6 : i32
    %dma_wait3A_112 = arith.constant 0 : i32
    %dma_wait3A_113 = tpu.memref_slice %arg5[%dma_wait3A_111, %dma_wait3A_112] : memref<16x48xi32, #tpu.memory_space<vmem>> -> memref<1x48xi32, #tpu.memory_space<vmem>>
    %dma_wait3A_114 = tpu.memref_squeeze %dma_wait3A_113 : memref<1x48xi32, #tpu.memory_space<vmem>> -> memref<48xi32, #tpu.memory_space<vmem>>
    %dma_wait3A_115 = arith.constant 0 : i32
    %dma_wait3A_116 = arith.constant 0 : i32
    %dma_wait3A_117 = tpu.memref_slice %arg2[%dma_wait3A_115, %dma_wait3A_116] : memref<584x1024xf32, #tpu.memory_space<hbm>> -> memref<584x1024xf32, #tpu.memory_space<hbm>>
    tpu.wait_indirect_dma semaphore(%arg8 : memref<!tpu.dma_semaphore, #tpu.memory_space<semaphore_mem>>) src(%dma_wait3A_117 : memref<584x1024xf32, #tpu.memory_space<hbm>>) dst(%arg6 : memref<48x1024xf32, #tpu.memory_space<vmem>>)
    %add3A_118 = arith.constant 288 : i32
    %add3A_119 = arith.addi %mul3A_2, %add3A_118 : i32
    "tpu.region"() ({
      %run_scoped3A = tpu.sem_alloc : memref<!tpu.dma_semaphore, #tpu.memory_space<semaphore_mem>>
      %dma_start3A_257 = arith.constant 0 : i32
      %dma_start3A_258 = tpu.memref_slice %arg4[%add3A_119, %dma_start3A_257] : memref<24576x1024xf32, #tpu.memory_space<hbm>> -> memref<48x1024xf32, #tpu.memory_space<hbm>>
      %dma_start3A_259 = arith.constant 0 : i32
      %dma_start3A_260 = tpu.memref_slice %arg4[%add3A_119, %dma_start3A_259] : memref<24576x1024xf32, #tpu.memory_space<hbm>> -> memref<48x1024xf32, #tpu.memory_space<hbm>>
      tpu.enqueue_dma source(%arg6 : memref<48x1024xf32, #tpu.memory_space<vmem>>) target(%dma_start3A_260 : memref<48x1024xf32, #tpu.memory_space<hbm>>) target_semaphore(%run_scoped3A : memref<!tpu.dma_semaphore, #tpu.memory_space<semaphore_mem>>)
      %dma_wait3A_261 = arith.constant 0 : i32
      %dma_wait3A_262 = tpu.memref_slice %arg4[%add3A_119, %dma_wait3A_261] : memref<24576x1024xf32, #tpu.memory_space<hbm>> -> memref<48x1024xf32, #tpu.memory_space<hbm>>
      %dma_wait3A_263 = arith.constant 0 : i32
      %dma_wait3A_264 = tpu.memref_slice %arg4[%add3A_119, %dma_wait3A_263] : memref<24576x1024xf32, #tpu.memory_space<hbm>> -> memref<48x1024xf32, #tpu.memory_space<hbm>>
      tpu.wait_dma2 semaphore(%run_scoped3A : memref<!tpu.dma_semaphore, #tpu.memory_space<semaphore_mem>>) src(%arg6 : memref<48x1024xf32, #tpu.memory_space<vmem>>) dst(%dma_wait3A_264 : memref<48x1024xf32, #tpu.memory_space<hbm>>)
      tpu.yield
    }) : () -> ()
    %dma_start3A_120 = arith.constant 8 : i32
    %dma_start3A_121 = arith.constant 0 : i32
    %dma_start3A_122 = tpu.memref_slice %arg5[%dma_start3A_120, %dma_start3A_121] : memref<16x48xi32, #tpu.memory_space<vmem>> -> memref<1x48xi32, #tpu.memory_space<vmem>>
    %dma_start3A_123 = tpu.memref_squeeze %dma_start3A_122 : memref<1x48xi32, #tpu.memory_space<vmem>> -> memref<48xi32, #tpu.memory_space<vmem>>
    %dma_start3A_124 = arith.constant 0 : i32
    %dma_start3A_125 = arith.constant 0 : i32
    %dma_start3A_126 = tpu.memref_slice %arg2[%dma_start3A_124, %dma_start3A_125] : memref<584x1024xf32, #tpu.memory_space<hbm>> -> memref<584x1024xf32, #tpu.memory_space<hbm>>
    tpu.enqueue_indirect_dma source(%dma_start3A_126 : memref<584x1024xf32, #tpu.memory_space<hbm>>) target(%arg6 : memref<48x1024xf32, #tpu.memory_space<vmem>>) offsets(%dma_start3A_123 : memref<48xi32, #tpu.memory_space<vmem>>) semaphore(%arg8 : memref<!tpu.dma_semaphore, #tpu.memory_space<semaphore_mem>>)
    %dma_wait3A_127 = arith.constant 7 : i32
    %dma_wait3A_128 = arith.constant 0 : i32
    %dma_wait3A_129 = tpu.memref_slice %arg5[%dma_wait3A_127, %dma_wait3A_128] : memref<16x48xi32, #tpu.memory_space<vmem>> -> memref<1x48xi32, #tpu.memory_space<vmem>>
    %dma_wait3A_130 = tpu.memref_squeeze %dma_wait3A_129 : memref<1x48xi32, #tpu.memory_space<vmem>> -> memref<48xi32, #tpu.memory_space<vmem>>
    %dma_wait3A_131 = arith.constant 0 : i32
    %dma_wait3A_132 = arith.constant 0 : i32
    %dma_wait3A_133 = tpu.memref_slice %arg2[%dma_wait3A_131, %dma_wait3A_132] : memref<584x1024xf32, #tpu.memory_space<hbm>> -> memref<584x1024xf32, #tpu.memory_space<hbm>>
    tpu.wait_indirect_dma semaphore(%arg9 : memref<!tpu.dma_semaphore, #tpu.memory_space<semaphore_mem>>) src(%dma_wait3A_133 : memref<584x1024xf32, #tpu.memory_space<hbm>>) dst(%arg7 : memref<48x1024xf32, #tpu.memory_space<vmem>>)
    %add3A_134 = arith.constant 336 : i32
    %add3A_135 = arith.addi %mul3A_2, %add3A_134 : i32
    "tpu.region"() ({
      %run_scoped3A = tpu.sem_alloc : memref<!tpu.dma_semaphore, #tpu.memory_space<semaphore_mem>>
      %dma_start3A_257 = arith.constant 0 : i32
      %dma_start3A_258 = tpu.memref_slice %arg4[%add3A_135, %dma_start3A_257] : memref<24576x1024xf32, #tpu.memory_space<hbm>> -> memref<48x1024xf32, #tpu.memory_space<hbm>>
      %dma_start3A_259 = arith.constant 0 : i32
      %dma_start3A_260 = tpu.memref_slice %arg4[%add3A_135, %dma_start3A_259] : memref<24576x1024xf32, #tpu.memory_space<hbm>> -> memref<48x1024xf32, #tpu.memory_space<hbm>>
      tpu.enqueue_dma source(%arg7 : memref<48x1024xf32, #tpu.memory_space<vmem>>) target(%dma_start3A_260 : memref<48x1024xf32, #tpu.memory_space<hbm>>) target_semaphore(%run_scoped3A : memref<!tpu.dma_semaphore, #tpu.memory_space<semaphore_mem>>)
      %dma_wait3A_261 = arith.constant 0 : i32
      %dma_wait3A_262 = tpu.memref_slice %arg4[%add3A_135, %dma_wait3A_261] : memref<24576x1024xf32, #tpu.memory_space<hbm>> -> memref<48x1024xf32, #tpu.memory_space<hbm>>
      %dma_wait3A_263 = arith.constant 0 : i32
      %dma_wait3A_264 = tpu.memref_slice %arg4[%add3A_135, %dma_wait3A_263] : memref<24576x1024xf32, #tpu.memory_space<hbm>> -> memref<48x1024xf32, #tpu.memory_space<hbm>>
      tpu.wait_dma2 semaphore(%run_scoped3A : memref<!tpu.dma_semaphore, #tpu.memory_space<semaphore_mem>>) src(%arg7 : memref<48x1024xf32, #tpu.memory_space<vmem>>) dst(%dma_wait3A_264 : memref<48x1024xf32, #tpu.memory_space<hbm>>)
      tpu.yield
    }) : () -> ()
    %dma_start3A_136 = arith.constant 9 : i32
    %dma_start3A_137 = arith.constant 0 : i32
    %dma_start3A_138 = tpu.memref_slice %arg5[%dma_start3A_136, %dma_start3A_137] : memref<16x48xi32, #tpu.memory_space<vmem>> -> memref<1x48xi32, #tpu.memory_space<vmem>>
    %dma_start3A_139 = tpu.memref_squeeze %dma_start3A_138 : memref<1x48xi32, #tpu.memory_space<vmem>> -> memref<48xi32, #tpu.memory_space<vmem>>
    %dma_start3A_140 = arith.constant 0 : i32
    %dma_start3A_141 = arith.constant 0 : i32
    %dma_start3A_142 = tpu.memref_slice %arg2[%dma_start3A_140, %dma_start3A_141] : memref<584x1024xf32, #tpu.memory_space<hbm>> -> memref<584x1024xf32, #tpu.memory_space<hbm>>
    tpu.enqueue_indirect_dma source(%dma_start3A_142 : memref<584x1024xf32, #tpu.memory_space<hbm>>) target(%arg7 : memref<48x1024xf32, #tpu.memory_space<vmem>>) offsets(%dma_start3A_139 : memref<48xi32, #tpu.memory_space<vmem>>) semaphore(%arg9 : memref<!tpu.dma_semaphore, #tpu.memory_space<semaphore_mem>>)
    %dma_wait3A_143 = arith.constant 8 : i32
    %dma_wait3A_144 = arith.constant 0 : i32
    %dma_wait3A_145 = tpu.memref_slice %arg5[%dma_wait3A_143, %dma_wait3A_144] : memref<16x48xi32, #tpu.memory_space<vmem>> -> memref<1x48xi32, #tpu.memory_space<vmem>>
    %dma_wait3A_146 = tpu.memref_squeeze %dma_wait3A_145 : memref<1x48xi32, #tpu.memory_space<vmem>> -> memref<48xi32, #tpu.memory_space<vmem>>
    %dma_wait3A_147 = arith.constant 0 : i32
    %dma_wait3A_148 = arith.constant 0 : i32
    %dma_wait3A_149 = tpu.memref_slice %arg2[%dma_wait3A_147, %dma_wait3A_148] : memref<584x1024xf32, #tpu.memory_space<hbm>> -> memref<584x1024xf32, #tpu.memory_space<hbm>>
    tpu.wait_indirect_dma semaphore(%arg8 : memref<!tpu.dma_semaphore, #tpu.memory_space<semaphore_mem>>) src(%dma_wait3A_149 : memref<584x1024xf32, #tpu.memory_space<hbm>>) dst(%arg6 : memref<48x1024xf32, #tpu.memory_space<vmem>>)
    %add3A_150 = arith.constant 384 : i32
    %add3A_151 = arith.addi %mul3A_2, %add3A_150 : i32
    "tpu.region"() ({
      %run_scoped3A = tpu.sem_alloc : memref<!tpu.dma_semaphore, #tpu.memory_space<semaphore_mem>>
      %dma_start3A_257 = arith.constant 0 : i32
      %dma_start3A_258 = tpu.memref_slice %arg4[%add3A_151, %dma_start3A_257] : memref<24576x1024xf32, #tpu.memory_space<hbm>> -> memref<48x1024xf32, #tpu.memory_space<hbm>>
      %dma_start3A_259 = arith.constant 0 : i32
      %dma_start3A_260 = tpu.memref_slice %arg4[%add3A_151, %dma_start3A_259] : memref<24576x1024xf32, #tpu.memory_space<hbm>> -> memref<48x1024xf32, #tpu.memory_space<hbm>>
      tpu.enqueue_dma source(%arg6 : memref<48x1024xf32, #tpu.memory_space<vmem>>) target(%dma_start3A_260 : memref<48x1024xf32, #tpu.memory_space<hbm>>) target_semaphore(%run_scoped3A : memref<!tpu.dma_semaphore, #tpu.memory_space<semaphore_mem>>)
      %dma_wait3A_261 = arith.constant 0 : i32
      %dma_wait3A_262 = tpu.memref_slice %arg4[%add3A_151, %dma_wait3A_261] : memref<24576x1024xf32, #tpu.memory_space<hbm>> -> memref<48x1024xf32, #tpu.memory_space<hbm>>
      %dma_wait3A_263 = arith.constant 0 : i32
      %dma_wait3A_264 = tpu.memref_slice %arg4[%add3A_151, %dma_wait3A_263] : memref<24576x1024xf32, #tpu.memory_space<hbm>> -> memref<48x1024xf32, #tpu.memory_space<hbm>>
      tpu.wait_dma2 semaphore(%run_scoped3A : memref<!tpu.dma_semaphore, #tpu.memory_space<semaphore_mem>>) src(%arg6 : memref<48x1024xf32, #tpu.memory_space<vmem>>) dst(%dma_wait3A_264 : memref<48x1024xf32, #tpu.memory_space<hbm>>)
      tpu.yield
    }) : () -> ()
    %dma_start3A_152 = arith.constant 10 : i32
    %dma_start3A_153 = arith.constant 0 : i32
    %dma_start3A_154 = tpu.memref_slice %arg5[%dma_start3A_152, %dma_start3A_153] : memref<16x48xi32, #tpu.memory_space<vmem>> -> memref<1x48xi32, #tpu.memory_space<vmem>>
    %dma_start3A_155 = tpu.memref_squeeze %dma_start3A_154 : memref<1x48xi32, #tpu.memory_space<vmem>> -> memref<48xi32, #tpu.memory_space<vmem>>
    %dma_start3A_156 = arith.constant 0 : i32
    %dma_start3A_157 = arith.constant 0 : i32
    %dma_start3A_158 = tpu.memref_slice %arg2[%dma_start3A_156, %dma_start3A_157] : memref<584x1024xf32, #tpu.memory_space<hbm>> -> memref<584x1024xf32, #tpu.memory_space<hbm>>
    tpu.enqueue_indirect_dma source(%dma_start3A_158 : memref<584x1024xf32, #tpu.memory_space<hbm>>) target(%arg6 : memref<48x1024xf32, #tpu.memory_space<vmem>>) offsets(%dma_start3A_155 : memref<48xi32, #tpu.memory_space<vmem>>) semaphore(%arg8 : memref<!tpu.dma_semaphore, #tpu.memory_space<semaphore_mem>>)
    %dma_wait3A_159 = arith.constant 9 : i32
    %dma_wait3A_160 = arith.constant 0 : i32
    %dma_wait3A_161 = tpu.memref_slice %arg5[%dma_wait3A_159, %dma_wait3A_160] : memref<16x48xi32, #tpu.memory_space<vmem>> -> memref<1x48xi32, #tpu.memory_space<vmem>>
    %dma_wait3A_162 = tpu.memref_squeeze %dma_wait3A_161 : memref<1x48xi32, #tpu.memory_space<vmem>> -> memref<48xi32, #tpu.memory_space<vmem>>
    %dma_wait3A_163 = arith.constant 0 : i32
    %dma_wait3A_164 = arith.constant 0 : i32
    %dma_wait3A_165 = tpu.memref_slice %arg2[%dma_wait3A_163, %dma_wait3A_164] : memref<584x1024xf32, #tpu.memory_space<hbm>> -> memref<584x1024xf32, #tpu.memory_space<hbm>>
    tpu.wait_indirect_dma semaphore(%arg9 : memref<!tpu.dma_semaphore, #tpu.memory_space<semaphore_mem>>) src(%dma_wait3A_165 : memref<584x1024xf32, #tpu.memory_space<hbm>>) dst(%arg7 : memref<48x1024xf32, #tpu.memory_space<vmem>>)
    %add3A_166 = arith.constant 432 : i32
    %add3A_167 = arith.addi %mul3A_2, %add3A_166 : i32
    "tpu.region"() ({
      %run_scoped3A = tpu.sem_alloc : memref<!tpu.dma_semaphore, #tpu.memory_space<semaphore_mem>>
      %dma_start3A_257 = arith.constant 0 : i32
      %dma_start3A_258 = tpu.memref_slice %arg4[%add3A_167, %dma_start3A_257] : memref<24576x1024xf32, #tpu.memory_space<hbm>> -> memref<48x1024xf32, #tpu.memory_space<hbm>>
      %dma_start3A_259 = arith.constant 0 : i32
      %dma_start3A_260 = tpu.memref_slice %arg4[%add3A_167, %dma_start3A_259] : memref<24576x1024xf32, #tpu.memory_space<hbm>> -> memref<48x1024xf32, #tpu.memory_space<hbm>>
      tpu.enqueue_dma source(%arg7 : memref<48x1024xf32, #tpu.memory_space<vmem>>) target(%dma_start3A_260 : memref<48x1024xf32, #tpu.memory_space<hbm>>) target_semaphore(%run_scoped3A : memref<!tpu.dma_semaphore, #tpu.memory_space<semaphore_mem>>)
      %dma_wait3A_261 = arith.constant 0 : i32
      %dma_wait3A_262 = tpu.memref_slice %arg4[%add3A_167, %dma_wait3A_261] : memref<24576x1024xf32, #tpu.memory_space<hbm>> -> memref<48x1024xf32, #tpu.memory_space<hbm>>
      %dma_wait3A_263 = arith.constant 0 : i32
      %dma_wait3A_264 = tpu.memref_slice %arg4[%add3A_167, %dma_wait3A_263] : memref<24576x1024xf32, #tpu.memory_space<hbm>> -> memref<48x1024xf32, #tpu.memory_space<hbm>>
      tpu.wait_dma2 semaphore(%run_scoped3A : memref<!tpu.dma_semaphore, #tpu.memory_space<semaphore_mem>>) src(%arg7 : memref<48x1024xf32, #tpu.memory_space<vmem>>) dst(%dma_wait3A_264 : memref<48x1024xf32, #tpu.memory_space<hbm>>)
      tpu.yield
    }) : () -> ()
    %dma_start3A_168 = arith.constant 11 : i32
    %dma_start3A_169 = arith.constant 0 : i32
    %dma_start3A_170 = tpu.memref_slice %arg5[%dma_start3A_168, %dma_start3A_169] : memref<16x48xi32, #tpu.memory_space<vmem>> -> memref<1x48xi32, #tpu.memory_space<vmem>>
    %dma_start3A_171 = tpu.memref_squeeze %dma_start3A_170 : memref<1x48xi32, #tpu.memory_space<vmem>> -> memref<48xi32, #tpu.memory_space<vmem>>
    %dma_start3A_172 = arith.constant 0 : i32
    %dma_start3A_173 = arith.constant 0 : i32
    %dma_start3A_174 = tpu.memref_slice %arg2[%dma_start3A_172, %dma_start3A_173] : memref<584x1024xf32, #tpu.memory_space<hbm>> -> memref<584x1024xf32, #tpu.memory_space<hbm>>
    tpu.enqueue_indirect_dma source(%dma_start3A_174 : memref<584x1024xf32, #tpu.memory_space<hbm>>) target(%arg7 : memref<48x1024xf32, #tpu.memory_space<vmem>>) offsets(%dma_start3A_171 : memref<48xi32, #tpu.memory_space<vmem>>) semaphore(%arg9 : memref<!tpu.dma_semaphore, #tpu.memory_space<semaphore_mem>>)
    %dma_wait3A_175 = arith.constant 10 : i32
    %dma_wait3A_176 = arith.constant 0 : i32
    %dma_wait3A_177 = tpu.memref_slice %arg5[%dma_wait3A_175, %dma_wait3A_176] : memref<16x48xi32, #tpu.memory_space<vmem>> -> memref<1x48xi32, #tpu.memory_space<vmem>>
    %dma_wait3A_178 = tpu.memref_squeeze %dma_wait3A_177 : memref<1x48xi32, #tpu.memory_space<vmem>> -> memref<48xi32, #tpu.memory_space<vmem>>
    %dma_wait3A_179 = arith.constant 0 : i32
    %dma_wait3A_180 = arith.constant 0 : i32
    %dma_wait3A_181 = tpu.memref_slice %arg2[%dma_wait3A_179, %dma_wait3A_180] : memref<584x1024xf32, #tpu.memory_space<hbm>> -> memref<584x1024xf32, #tpu.memory_space<hbm>>
    tpu.wait_indirect_dma semaphore(%arg8 : memref<!tpu.dma_semaphore, #tpu.memory_space<semaphore_mem>>) src(%dma_wait3A_181 : memref<584x1024xf32, #tpu.memory_space<hbm>>) dst(%arg6 : memref<48x1024xf32, #tpu.memory_space<vmem>>)
    %add3A_182 = arith.constant 480 : i32
    %add3A_183 = arith.addi %mul3A_2, %add3A_182 : i32
    "tpu.region"() ({
      %run_scoped3A = tpu.sem_alloc : memref<!tpu.dma_semaphore, #tpu.memory_space<semaphore_mem>>
      %dma_start3A_257 = arith.constant 0 : i32
      %dma_start3A_258 = tpu.memref_slice %arg4[%add3A_183, %dma_start3A_257] : memref<24576x1024xf32, #tpu.memory_space<hbm>> -> memref<48x1024xf32, #tpu.memory_space<hbm>>
      %dma_start3A_259 = arith.constant 0 : i32
      %dma_start3A_260 = tpu.memref_slice %arg4[%add3A_183, %dma_start3A_259] : memref<24576x1024xf32, #tpu.memory_space<hbm>> -> memref<48x1024xf32, #tpu.memory_space<hbm>>
      tpu.enqueue_dma source(%arg6 : memref<48x1024xf32, #tpu.memory_space<vmem>>) target(%dma_start3A_260 : memref<48x1024xf32, #tpu.memory_space<hbm>>) target_semaphore(%run_scoped3A : memref<!tpu.dma_semaphore, #tpu.memory_space<semaphore_mem>>)
      %dma_wait3A_261 = arith.constant 0 : i32
      %dma_wait3A_262 = tpu.memref_slice %arg4[%add3A_183, %dma_wait3A_261] : memref<24576x1024xf32, #tpu.memory_space<hbm>> -> memref<48x1024xf32, #tpu.memory_space<hbm>>
      %dma_wait3A_263 = arith.constant 0 : i32
      %dma_wait3A_264 = tpu.memref_slice %arg4[%add3A_183, %dma_wait3A_263] : memref<24576x1024xf32, #tpu.memory_space<hbm>> -> memref<48x1024xf32, #tpu.memory_space<hbm>>
      tpu.wait_dma2 semaphore(%run_scoped3A : memref<!tpu.dma_semaphore, #tpu.memory_space<semaphore_mem>>) src(%arg6 : memref<48x1024xf32, #tpu.memory_space<vmem>>) dst(%dma_wait3A_264 : memref<48x1024xf32, #tpu.memory_space<hbm>>)
      tpu.yield
    }) : () -> ()
    %dma_start3A_184 = arith.constant 12 : i32
    %dma_start3A_185 = arith.constant 0 : i32
    %dma_start3A_186 = tpu.memref_slice %arg5[%dma_start3A_184, %dma_start3A_185] : memref<16x48xi32, #tpu.memory_space<vmem>> -> memref<1x48xi32, #tpu.memory_space<vmem>>
    %dma_start3A_187 = tpu.memref_squeeze %dma_start3A_186 : memref<1x48xi32, #tpu.memory_space<vmem>> -> memref<48xi32, #tpu.memory_space<vmem>>
    %dma_start3A_188 = arith.constant 0 : i32
    %dma_start3A_189 = arith.constant 0 : i32
    %dma_start3A_190 = tpu.memref_slice %arg2[%dma_start3A_188, %dma_start3A_189] : memref<584x1024xf32, #tpu.memory_space<hbm>> -> memref<584x1024xf32, #tpu.memory_space<hbm>>
    tpu.enqueue_indirect_dma source(%dma_start3A_190 : memref<584x1024xf32, #tpu.memory_space<hbm>>) target(%arg6 : memref<48x1024xf32, #tpu.memory_space<vmem>>) offsets(%dma_start3A_187 : memref<48xi32, #tpu.memory_space<vmem>>) semaphore(%arg8 : memref<!tpu.dma_semaphore, #tpu.memory_space<semaphore_mem>>)
    %dma_wait3A_191 = arith.constant 11 : i32
    %dma_wait3A_192 = arith.constant 0 : i32
    %dma_wait3A_193 = tpu.memref_slice %arg5[%dma_wait3A_191, %dma_wait3A_192] : memref<16x48xi32, #tpu.memory_space<vmem>> -> memref<1x48xi32, #tpu.memory_space<vmem>>
    %dma_wait3A_194 = tpu.memref_squeeze %dma_wait3A_193 : memref<1x48xi32, #tpu.memory_space<vmem>> -> memref<48xi32, #tpu.memory_space<vmem>>
    %dma_wait3A_195 = arith.constant 0 : i32
    %dma_wait3A_196 = arith.constant 0 : i32
    %dma_wait3A_197 = tpu.memref_slice %arg2[%dma_wait3A_195, %dma_wait3A_196] : memref<584x1024xf32, #tpu.memory_space<hbm>> -> memref<584x1024xf32, #tpu.memory_space<hbm>>
    tpu.wait_indirect_dma semaphore(%arg9 : memref<!tpu.dma_semaphore, #tpu.memory_space<semaphore_mem>>) src(%dma_wait3A_197 : memref<584x1024xf32, #tpu.memory_space<hbm>>) dst(%arg7 : memref<48x1024xf32, #tpu.memory_space<vmem>>)
    %add3A_198 = arith.constant 528 : i32
    %add3A_199 = arith.addi %mul3A_2, %add3A_198 : i32
    "tpu.region"() ({
      %run_scoped3A = tpu.sem_alloc : memref<!tpu.dma_semaphore, #tpu.memory_space<semaphore_mem>>
      %dma_start3A_257 = arith.constant 0 : i32
      %dma_start3A_258 = tpu.memref_slice %arg4[%add3A_199, %dma_start3A_257] : memref<24576x1024xf32, #tpu.memory_space<hbm>> -> memref<48x1024xf32, #tpu.memory_space<hbm>>
      %dma_start3A_259 = arith.constant 0 : i32
      %dma_start3A_260 = tpu.memref_slice %arg4[%add3A_199, %dma_start3A_259] : memref<24576x1024xf32, #tpu.memory_space<hbm>> -> memref<48x1024xf32, #tpu.memory_space<hbm>>
      tpu.enqueue_dma source(%arg7 : memref<48x1024xf32, #tpu.memory_space<vmem>>) target(%dma_start3A_260 : memref<48x1024xf32, #tpu.memory_space<hbm>>) target_semaphore(%run_scoped3A : memref<!tpu.dma_semaphore, #tpu.memory_space<semaphore_mem>>)
      %dma_wait3A_261 = arith.constant 0 : i32
      %dma_wait3A_262 = tpu.memref_slice %arg4[%add3A_199, %dma_wait3A_261] : memref<24576x1024xf32, #tpu.memory_space<hbm>> -> memref<48x1024xf32, #tpu.memory_space<hbm>>
      %dma_wait3A_263 = arith.constant 0 : i32
      %dma_wait3A_264 = tpu.memref_slice %arg4[%add3A_199, %dma_wait3A_263] : memref<24576x1024xf32, #tpu.memory_space<hbm>> -> memref<48x1024xf32, #tpu.memory_space<hbm>>
      tpu.wait_dma2 semaphore(%run_scoped3A : memref<!tpu.dma_semaphore, #tpu.memory_space<semaphore_mem>>) src(%arg7 : memref<48x1024xf32, #tpu.memory_space<vmem>>) dst(%dma_wait3A_264 : memref<48x1024xf32, #tpu.memory_space<hbm>>)
      tpu.yield
    }) : () -> ()
    %dma_start3A_200 = arith.constant 13 : i32
    %dma_start3A_201 = arith.constant 0 : i32
    %dma_start3A_202 = tpu.memref_slice %arg5[%dma_start3A_200, %dma_start3A_201] : memref<16x48xi32, #tpu.memory_space<vmem>> -> memref<1x48xi32, #tpu.memory_space<vmem>>
    %dma_start3A_203 = tpu.memref_squeeze %dma_start3A_202 : memref<1x48xi32, #tpu.memory_space<vmem>> -> memref<48xi32, #tpu.memory_space<vmem>>
    %dma_start3A_204 = arith.constant 0 : i32
    %dma_start3A_205 = arith.constant 0 : i32
    %dma_start3A_206 = tpu.memref_slice %arg2[%dma_start3A_204, %dma_start3A_205] : memref<584x1024xf32, #tpu.memory_space<hbm>> -> memref<584x1024xf32, #tpu.memory_space<hbm>>
    tpu.enqueue_indirect_dma source(%dma_start3A_206 : memref<584x1024xf32, #tpu.memory_space<hbm>>) target(%arg7 : memref<48x1024xf32, #tpu.memory_space<vmem>>) offsets(%dma_start3A_203 : memref<48xi32, #tpu.memory_space<vmem>>) semaphore(%arg9 : memref<!tpu.dma_semaphore, #tpu.memory_space<semaphore_mem>>)
    %dma_wait3A_207 = arith.constant 12 : i32
    %dma_wait3A_208 = arith.constant 0 : i32
    %dma_wait3A_209 = tpu.memref_slice %arg5[%dma_wait3A_207, %dma_wait3A_208] : memref<16x48xi32, #tpu.memory_space<vmem>> -> memref<1x48xi32, #tpu.memory_space<vmem>>
    %dma_wait3A_210 = tpu.memref_squeeze %dma_wait3A_209 : memref<1x48xi32, #tpu.memory_space<vmem>> -> memref<48xi32, #tpu.memory_space<vmem>>
    %dma_wait3A_211 = arith.constant 0 : i32
    %dma_wait3A_212 = arith.constant 0 : i32
    %dma_wait3A_213 = tpu.memref_slice %arg2[%dma_wait3A_211, %dma_wait3A_212] : memref<584x1024xf32, #tpu.memory_space<hbm>> -> memref<584x1024xf32, #tpu.memory_space<hbm>>
    tpu.wait_indirect_dma semaphore(%arg8 : memref<!tpu.dma_semaphore, #tpu.memory_space<semaphore_mem>>) src(%dma_wait3A_213 : memref<584x1024xf32, #tpu.memory_space<hbm>>) dst(%arg6 : memref<48x1024xf32, #tpu.memory_space<vmem>>)
    %add3A_214 = arith.constant 576 : i32
    %add3A_215 = arith.addi %mul3A_2, %add3A_214 : i32
    "tpu.region"() ({
      %run_scoped3A = tpu.sem_alloc : memref<!tpu.dma_semaphore, #tpu.memory_space<semaphore_mem>>
      %dma_start3A_257 = arith.constant 0 : i32
      %dma_start3A_258 = tpu.memref_slice %arg4[%add3A_215, %dma_start3A_257] : memref<24576x1024xf32, #tpu.memory_space<hbm>> -> memref<48x1024xf32, #tpu.memory_space<hbm>>
      %dma_start3A_259 = arith.constant 0 : i32
      %dma_start3A_260 = tpu.memref_slice %arg4[%add3A_215, %dma_start3A_259] : memref<24576x1024xf32, #tpu.memory_space<hbm>> -> memref<48x1024xf32, #tpu.memory_space<hbm>>
      tpu.enqueue_dma source(%arg6 : memref<48x1024xf32, #tpu.memory_space<vmem>>) target(%dma_start3A_260 : memref<48x1024xf32, #tpu.memory_space<hbm>>) target_semaphore(%run_scoped3A : memref<!tpu.dma_semaphore, #tpu.memory_space<semaphore_mem>>)
      %dma_wait3A_261 = arith.constant 0 : i32
      %dma_wait3A_262 = tpu.memref_slice %arg4[%add3A_215, %dma_wait3A_261] : memref<24576x1024xf32, #tpu.memory_space<hbm>> -> memref<48x1024xf32, #tpu.memory_space<hbm>>
      %dma_wait3A_263 = arith.constant 0 : i32
      %dma_wait3A_264 = tpu.memref_slice %arg4[%add3A_215, %dma_wait3A_263] : memref<24576x1024xf32, #tpu.memory_space<hbm>> -> memref<48x1024xf32, #tpu.memory_space<hbm>>
      tpu.wait_dma2 semaphore(%run_scoped3A : memref<!tpu.dma_semaphore, #tpu.memory_space<semaphore_mem>>) src(%arg6 : memref<48x1024xf32, #tpu.memory_space<vmem>>) dst(%dma_wait3A_264 : memref<48x1024xf32, #tpu.memory_space<hbm>>)
      tpu.yield
    }) : () -> ()
    %dma_start3A_216 = arith.constant 14 : i32
    %dma_start3A_217 = arith.constant 0 : i32
    %dma_start3A_218 = tpu.memref_slice %arg5[%dma_start3A_216, %dma_start3A_217] : memref<16x48xi32, #tpu.memory_space<vmem>> -> memref<1x48xi32, #tpu.memory_space<vmem>>
    %dma_start3A_219 = tpu.memref_squeeze %dma_start3A_218 : memref<1x48xi32, #tpu.memory_space<vmem>> -> memref<48xi32, #tpu.memory_space<vmem>>
    %dma_start3A_220 = arith.constant 0 : i32
    %dma_start3A_221 = arith.constant 0 : i32
    %dma_start3A_222 = tpu.memref_slice %arg2[%dma_start3A_220, %dma_start3A_221] : memref<584x1024xf32, #tpu.memory_space<hbm>> -> memref<584x1024xf32, #tpu.memory_space<hbm>>
    tpu.enqueue_indirect_dma source(%dma_start3A_222 : memref<584x1024xf32, #tpu.memory_space<hbm>>) target(%arg6 : memref<48x1024xf32, #tpu.memory_space<vmem>>) offsets(%dma_start3A_219 : memref<48xi32, #tpu.memory_space<vmem>>) semaphore(%arg8 : memref<!tpu.dma_semaphore, #tpu.memory_space<semaphore_mem>>)
    %dma_wait3A_223 = arith.constant 13 : i32
    %dma_wait3A_224 = arith.constant 0 : i32
    %dma_wait3A_225 = tpu.memref_slice %arg5[%dma_wait3A_223, %dma_wait3A_224] : memref<16x48xi32, #tpu.memory_space<vmem>> -> memref<1x48xi32, #tpu.memory_space<vmem>>
    %dma_wait3A_226 = tpu.memref_squeeze %dma_wait3A_225 : memref<1x48xi32, #tpu.memory_space<vmem>> -> memref<48xi32, #tpu.memory_space<vmem>>
    %dma_wait3A_227 = arith.constant 0 : i32
    %dma_wait3A_228 = arith.constant 0 : i32
    %dma_wait3A_229 = tpu.memref_slice %arg2[%dma_wait3A_227, %dma_wait3A_228] : memref<584x1024xf32, #tpu.memory_space<hbm>> -> memref<584x1024xf32, #tpu.memory_space<hbm>>
    tpu.wait_indirect_dma semaphore(%arg9 : memref<!tpu.dma_semaphore, #tpu.memory_space<semaphore_mem>>) src(%dma_wait3A_229 : memref<584x1024xf32, #tpu.memory_space<hbm>>) dst(%arg7 : memref<48x1024xf32, #tpu.memory_space<vmem>>)
    %add3A_230 = arith.constant 624 : i32
    %add3A_231 = arith.addi %mul3A_2, %add3A_230 : i32
    "tpu.region"() ({
      %run_scoped3A = tpu.sem_alloc : memref<!tpu.dma_semaphore, #tpu.memory_space<semaphore_mem>>
      %dma_start3A_257 = arith.constant 0 : i32
      %dma_start3A_258 = tpu.memref_slice %arg4[%add3A_231, %dma_start3A_257] : memref<24576x1024xf32, #tpu.memory_space<hbm>> -> memref<48x1024xf32, #tpu.memory_space<hbm>>
      %dma_start3A_259 = arith.constant 0 : i32
      %dma_start3A_260 = tpu.memref_slice %arg4[%add3A_231, %dma_start3A_259] : memref<24576x1024xf32, #tpu.memory_space<hbm>> -> memref<48x1024xf32, #tpu.memory_space<hbm>>
      tpu.enqueue_dma source(%arg7 : memref<48x1024xf32, #tpu.memory_space<vmem>>) target(%dma_start3A_260 : memref<48x1024xf32, #tpu.memory_space<hbm>>) target_semaphore(%run_scoped3A : memref<!tpu.dma_semaphore, #tpu.memory_space<semaphore_mem>>)
      %dma_wait3A_261 = arith.constant 0 : i32
      %dma_wait3A_262 = tpu.memref_slice %arg4[%add3A_231, %dma_wait3A_261] : memref<24576x1024xf32, #tpu.memory_space<hbm>> -> memref<48x1024xf32, #tpu.memory_space<hbm>>
      %dma_wait3A_263 = arith.constant 0 : i32
      %dma_wait3A_264 = tpu.memref_slice %arg4[%add3A_231, %dma_wait3A_263] : memref<24576x1024xf32, #tpu.memory_space<hbm>> -> memref<48x1024xf32, #tpu.memory_space<hbm>>
      tpu.wait_dma2 semaphore(%run_scoped3A : memref<!tpu.dma_semaphore, #tpu.memory_space<semaphore_mem>>) src(%arg7 : memref<48x1024xf32, #tpu.memory_space<vmem>>) dst(%dma_wait3A_264 : memref<48x1024xf32, #tpu.memory_space<hbm>>)
      tpu.yield
    }) : () -> ()
    %dma_start3A_232 = arith.constant 15 : i32
    %dma_start3A_233 = arith.constant 0 : i32
    %dma_start3A_234 = tpu.memref_slice %arg5[%dma_start3A_232, %dma_start3A_233] : memref<16x48xi32, #tpu.memory_space<vmem>> -> memref<1x48xi32, #tpu.memory_space<vmem>>
    %dma_start3A_235 = tpu.memref_squeeze %dma_start3A_234 : memref<1x48xi32, #tpu.memory_space<vmem>> -> memref<48xi32, #tpu.memory_space<vmem>>
    %dma_start3A_236 = arith.constant 0 : i32
    %dma_start3A_237 = arith.constant 0 : i32
    %dma_start3A_238 = tpu.memref_slice %arg2[%dma_start3A_236, %dma_start3A_237] : memref<584x1024xf32, #tpu.memory_space<hbm>> -> memref<584x1024xf32, #tpu.memory_space<hbm>>
    tpu.enqueue_indirect_dma source(%dma_start3A_238 : memref<584x1024xf32, #tpu.memory_space<hbm>>) target(%arg7 : memref<48x1024xf32, #tpu.memory_space<vmem>>) offsets(%dma_start3A_235 : memref<48xi32, #tpu.memory_space<vmem>>) semaphore(%arg9 : memref<!tpu.dma_semaphore, #tpu.memory_space<semaphore_mem>>)
    %dma_wait3A_239 = arith.constant 14 : i32
    %dma_wait3A_240 = arith.constant 0 : i32
    %dma_wait3A_241 = tpu.memref_slice %arg5[%dma_wait3A_239, %dma_wait3A_240] : memref<16x48xi32, #tpu.memory_space<vmem>> -> memref<1x48xi32, #tpu.memory_space<vmem>>
    %dma_wait3A_242 = tpu.memref_squeeze %dma_wait3A_241 : memref<1x48xi32, #tpu.memory_space<vmem>> -> memref<48xi32, #tpu.memory_space<vmem>>
    %dma_wait3A_243 = arith.constant 0 : i32
    %dma_wait3A_244 = arith.constant 0 : i32
    %dma_wait3A_245 = tpu.memref_slice %arg2[%dma_wait3A_243, %dma_wait3A_244] : memref<584x1024xf32, #tpu.memory_space<hbm>> -> memref<584x1024xf32, #tpu.memory_space<hbm>>
    tpu.wait_indirect_dma semaphore(%arg8 : memref<!tpu.dma_semaphore, #tpu.memory_space<semaphore_mem>>) src(%dma_wait3A_245 : memref<584x1024xf32, #tpu.memory_space<hbm>>) dst(%arg6 : memref<48x1024xf32, #tpu.memory_space<vmem>>)
    %add3A_246 = arith.constant 672 : i32
    %add3A_247 = arith.addi %mul3A_2, %add3A_246 : i32
    "tpu.region"() ({
      %run_scoped3A = tpu.sem_alloc : memref<!tpu.dma_semaphore, #tpu.memory_space<semaphore_mem>>
      %dma_start3A_257 = arith.constant 0 : i32
      %dma_start3A_258 = tpu.memref_slice %arg4[%add3A_247, %dma_start3A_257] : memref<24576x1024xf32, #tpu.memory_space<hbm>> -> memref<48x1024xf32, #tpu.memory_space<hbm>>
      %dma_start3A_259 = arith.constant 0 : i32
      %dma_start3A_260 = tpu.memref_slice %arg4[%add3A_247, %dma_start3A_259] : memref<24576x1024xf32, #tpu.memory_space<hbm>> -> memref<48x1024xf32, #tpu.memory_space<hbm>>
      tpu.enqueue_dma source(%arg6 : memref<48x1024xf32, #tpu.memory_space<vmem>>) target(%dma_start3A_260 : memref<48x1024xf32, #tpu.memory_space<hbm>>) target_semaphore(%run_scoped3A : memref<!tpu.dma_semaphore, #tpu.memory_space<semaphore_mem>>)
      %dma_wait3A_261 = arith.constant 0 : i32
      %dma_wait3A_262 = tpu.memref_slice %arg4[%add3A_247, %dma_wait3A_261] : memref<24576x1024xf32, #tpu.memory_space<hbm>> -> memref<48x1024xf32, #tpu.memory_space<hbm>>
      %dma_wait3A_263 = arith.constant 0 : i32
      %dma_wait3A_264 = tpu.memref_slice %arg4[%add3A_247, %dma_wait3A_263] : memref<24576x1024xf32, #tpu.memory_space<hbm>> -> memref<48x1024xf32, #tpu.memory_space<hbm>>
      tpu.wait_dma2 semaphore(%run_scoped3A : memref<!tpu.dma_semaphore, #tpu.memory_space<semaphore_mem>>) src(%arg6 : memref<48x1024xf32, #tpu.memory_space<vmem>>) dst(%dma_wait3A_264 : memref<48x1024xf32, #tpu.memory_space<hbm>>)
      tpu.yield
    }) : () -> ()
    %dma_wait3A_248 = arith.constant 15 : i32
    %dma_wait3A_249 = arith.constant 0 : i32
    %dma_wait3A_250 = tpu.memref_slice %arg5[%dma_wait3A_248, %dma_wait3A_249] : memref<16x48xi32, #tpu.memory_space<vmem>> -> memref<1x48xi32, #tpu.memory_space<vmem>>
    %dma_wait3A_251 = tpu.memref_squeeze %dma_wait3A_250 : memref<1x48xi32, #tpu.memory_space<vmem>> -> memref<48xi32, #tpu.memory_space<vmem>>
    %dma_wait3A_252 = arith.constant 0 : i32
    %dma_wait3A_253 = arith.constant 0 : i32
    %dma_wait3A_254 = tpu.memref_slice %arg2[%dma_wait3A_252, %dma_wait3A_253] : memref<584x1024xf32, #tpu.memory_space<hbm>> -> memref<584x1024xf32, #tpu.memory_space<hbm>>
    tpu.wait_indirect_dma semaphore(%arg9 : memref<!tpu.dma_semaphore, #tpu.memory_space<semaphore_mem>>) src(%dma_wait3A_254 : memref<584x1024xf32, #tpu.memory_space<hbm>>) dst(%arg7 : memref<48x1024xf32, #tpu.memory_space<vmem>>)
    %add3A_255 = arith.constant 720 : i32
    %add3A_256 = arith.addi %mul3A_2, %add3A_255 : i32
    "tpu.region"() ({
      %run_scoped3A = tpu.sem_alloc : memref<!tpu.dma_semaphore, #tpu.memory_space<semaphore_mem>>
      %dma_start3A_257 = arith.constant 0 : i32
      %dma_start3A_258 = tpu.memref_slice %arg4[%add3A_256, %dma_start3A_257] : memref<24576x1024xf32, #tpu.memory_space<hbm>> -> memref<48x1024xf32, #tpu.memory_space<hbm>>
      %dma_start3A_259 = arith.constant 0 : i32
      %dma_start3A_260 = tpu.memref_slice %arg4[%add3A_256, %dma_start3A_259] : memref<24576x1024xf32, #tpu.memory_space<hbm>> -> memref<48x1024xf32, #tpu.memory_space<hbm>>
      tpu.enqueue_dma source(%arg7 : memref<48x1024xf32, #tpu.memory_space<vmem>>) target(%dma_start3A_260 : memref<48x1024xf32, #tpu.memory_space<hbm>>) target_semaphore(%run_scoped3A : memref<!tpu.dma_semaphore, #tpu.memory_space<semaphore_mem>>)
      %dma_wait3A_261 = arith.constant 0 : i32
      %dma_wait3A_262 = tpu.memref_slice %arg4[%add3A_256, %dma_wait3A_261] : memref<24576x1024xf32, #tpu.memory_space<hbm>> -> memref<48x1024xf32, #tpu.memory_space<hbm>>
      %dma_wait3A_263 = arith.constant 0 : i32
      %dma_wait3A_264 = tpu.memref_slice %arg4[%add3A_256, %dma_wait3A_263] : memref<24576x1024xf32, #tpu.memory_space<hbm>> -> memref<48x1024xf32, #tpu.memory_space<hbm>>
      tpu.wait_dma2 semaphore(%run_scoped3A : memref<!tpu.dma_semaphore, #tpu.memory_space<semaphore_mem>>) src(%arg7 : memref<48x1024xf32, #tpu.memory_space<vmem>>) dst(%dma_wait3A_264 : memref<48x1024xf32, #tpu.memory_space<hbm>>)
      tpu.yield
    }) : () -> ()
    return
  }
}

module attributes {stable_mosaic.version = 14 : i64} {
  func.func @_route_kernel(%arg0: i32, %arg1: memref<1024x1024xf32, #tpu.memory_space<vmem>>, %arg2: memref<8x1024xf32, #tpu.memory_space<vmem>>, %arg3: memref<64x1024xf32, #tpu.memory_space<vmem>>, %arg4: memref<512x1024xf32, #tpu.memory_space<vmem>>, %arg5: memref<8x1024xf32, #tpu.memory_space<vmem>>, %arg6: memref<1x1024x3xi32, #tpu.memory_space<vmem>>) attributes {dimension_semantics = [#tpu.dimension_semantics<arbitrary>], iteration_bounds = array<i64: 8>, scalar_prefetch = 0 : i64, scratch_operands = 0 : i64, tpu.core_type = #tpu.core_type<tc>, window_params = [{transform_indices = @transform_0, window_bounds = array<i64: 1024, 1024>}, {pipeline_mode = #tpu.pipeline_mode<synchronous>, transform_indices = @transform_1, window_bounds = array<i64: 8, 1024>}, {pipeline_mode = #tpu.pipeline_mode<synchronous>, transform_indices = @transform_2, window_bounds = array<i64: 64, 1024>}, {pipeline_mode = #tpu.pipeline_mode<synchronous>, transform_indices = @transform_3, window_bounds = array<i64: 512, 1024>}, {pipeline_mode = #tpu.pipeline_mode<synchronous>, transform_indices = @transform_4, window_bounds = array<i64: 8, 1024>}, {transform_indices = @transform_5, window_bounds = array<i64: 1, 1024, 3>}]} {
    %get3A = arith.constant 0 : index
    %get3A_0 = arith.constant 0 : index
    %get3A_1 = vector.load %arg1[%get3A, %get3A_0] : memref<1024x1024xf32, #tpu.memory_space<vmem>>, vector<1024x1024xf32>
    %iota3A = tpu.iota {dimensions = array<i32: 1>} : vector<1024x8xi32>
    %get3A_2 = arith.constant 0 : index
    %get3A_3 = arith.constant 0 : index
    %get3A_4 = vector.load %arg2[%get3A_2, %get3A_3] : memref<8x1024xf32, #tpu.memory_space<vmem>>, vector<8x1024xf32>
    %dot_general3A = arith.constant dense<0.000000e+00> : vector<1024x8xf32>
    %dot_general3A_5 = tpu.matmul %get3A_1, %get3A_4, %dot_general3A {dimension_numbers = #tpu.dot_dimension_numbers<[1], [1], [0], [0], [0, 0, 1, 0], [], []>, transpose_lhs_hint = false} : vector<1024x1024xf32>, vector<8x1024xf32>, vector<1024x8xf32> -> vector<1024x8xf32>
    %reduce_max3A = arith.constant dense<0xFF800000> : vector<1024xf32>
    %reduce_max3A_6 = vector.multi_reduction <maximumf>, %dot_general3A_5, %reduce_max3A [1] : vector<1024x8xf32> to vector<1024xf32>
    %broadcast_in_dim3A = vector.shape_cast %reduce_max3A_6 : vector<1024xf32> to vector<1024x1xf32>
    %eq3A = vector.broadcast %broadcast_in_dim3A : vector<1024x1xf32> to vector<1024x8xf32>
    %eq3A_7 = arith.cmpf oeq, %dot_general3A_5, %eq3A : vector<1024x8xf32>
    %jit3A = arith.constant 8 : i32
    %broadcast_in_dim3A_8 = vector.broadcast %jit3A : i32 to vector<1024x8xi32>
    %select_n3A = arith.select %eq3A_7, %iota3A, %broadcast_in_dim3A_8 : vector<1024x8xi1>, vector<1024x8xi32>
    %reduce_min3A = arith.constant dense<2147483647> : vector<1024xi32>
    %reduce_min3A_9 = vector.multi_reduction <minsi>, %select_n3A, %reduce_min3A [1] : vector<1024x8xi32> to vector<1024xi32>
    %broadcast_in_dim3A_10 = vector.shape_cast %reduce_min3A_9 : vector<1024xi32> to vector<1024x1xi32>
    %eq3A_11 = vector.broadcast %broadcast_in_dim3A_10 : vector<1024x1xi32> to vector<1024x8xi32>
    %eq3A_12 = arith.cmpi eq, %iota3A, %eq3A_11 : vector<1024x8xi32>
    %convert_element_type3A = arith.extui %eq3A_12 : vector<1024x8xi1> to vector<1024x8xi32>
    %convert_element_type3A_13 = arith.sitofp %convert_element_type3A : vector<1024x8xi32> to vector<1024x8xf32>
    %get3A_14 = arith.constant 0 : index
    %get3A_15 = arith.constant 0 : index
    %get3A_16 = vector.load %arg5[%get3A_14, %get3A_15] : memref<8x1024xf32, #tpu.memory_space<vmem>>, vector<8x1024xf32>
    %dot_general3A_17 = arith.constant dense<0.000000e+00> : vector<1024x1024xf32>
    %dot_general3A_18 = tpu.matmul %convert_element_type3A_13, %get3A_16, %dot_general3A_17 {dimension_numbers = #tpu.dot_dimension_numbers<[1], [0], [0], [1], [0, 0, 1, 1], [], []>, transpose_lhs_hint = false} : vector<1024x8xf32>, vector<8x1024xf32>, vector<1024x1024xf32> -> vector<1024x1024xf32>
    %add3A = arith.addf %get3A_1, %dot_general3A_18 : vector<1024x1024xf32>
    %get3A_19 = arith.constant 0 : index
    %get3A_20 = arith.constant 0 : index
    %get3A_21 = vector.load %arg3[%get3A_19, %get3A_20] : memref<64x1024xf32, #tpu.memory_space<vmem>>, vector<64x1024xf32>
    %dot_general3A_22 = arith.constant dense<0.000000e+00> : vector<1024x64xf32>
    %dot_general3A_23 = tpu.matmul %add3A, %get3A_21, %dot_general3A_22 {dimension_numbers = #tpu.dot_dimension_numbers<[1], [1], [0], [0], [0, 0, 1, 0], [], []>, transpose_lhs_hint = false} : vector<1024x1024xf32>, vector<64x1024xf32>, vector<1024x64xf32> -> vector<1024x64xf32>
    %iota3A_24 = tpu.iota {dimensions = array<i32: 1>} : vector<1024x64xi32>
    %shift_right_arithmetic3A = arith.constant 3 : i32
    %shift_right_arithmetic3A_25 = vector.broadcast %shift_right_arithmetic3A : i32 to vector<1024x64xi32>
    %shift_right_arithmetic3A_26 = arith.shrsi %iota3A_24, %shift_right_arithmetic3A_25 : vector<1024x64xi32>
    %eq3A_27 = vector.broadcast %broadcast_in_dim3A_10 : vector<1024x1xi32> to vector<1024x64xi32>
    %eq3A_28 = arith.cmpi eq, %shift_right_arithmetic3A_26, %eq3A_27 : vector<1024x64xi32>
    %jit3A_29 = arith.constant -1.000000e+30 : f32
    %broadcast_in_dim3A_30 = vector.broadcast %jit3A_29 : f32 to vector<1024x64xf32>
    %select_n3A_31 = arith.select %eq3A_28, %dot_general3A_23, %broadcast_in_dim3A_30 : vector<1024x64xi1>, vector<1024x64xf32>
    %reduce_max3A_32 = arith.constant dense<0xFF800000> : vector<1024xf32>
    %reduce_max3A_33 = vector.multi_reduction <maximumf>, %select_n3A_31, %reduce_max3A_32 [1] : vector<1024x64xf32> to vector<1024xf32>
    %broadcast_in_dim3A_34 = vector.shape_cast %reduce_max3A_33 : vector<1024xf32> to vector<1024x1xf32>
    %eq3A_35 = vector.broadcast %broadcast_in_dim3A_34 : vector<1024x1xf32> to vector<1024x64xf32>
    %eq3A_36 = arith.cmpf oeq, %select_n3A_31, %eq3A_35 : vector<1024x64xf32>
    %jit3A_37 = arith.constant 64 : i32
    %broadcast_in_dim3A_38 = vector.broadcast %jit3A_37 : i32 to vector<1024x64xi32>
    %select_n3A_39 = arith.select %eq3A_36, %iota3A_24, %broadcast_in_dim3A_38 : vector<1024x64xi1>, vector<1024x64xi32>
    %reduce_min3A_40 = arith.constant dense<2147483647> : vector<1024xi32>
    %reduce_min3A_41 = vector.multi_reduction <minsi>, %select_n3A_39, %reduce_min3A_40 [1] : vector<1024x64xi32> to vector<1024xi32>
    %broadcast_in_dim3A_42 = vector.shape_cast %reduce_min3A_41 : vector<1024xi32> to vector<1024x1xi32>
    %and3A = arith.constant 7 : i32
    %and3A_43 = vector.broadcast %and3A : i32 to vector<1024x1xi32>
    %and3A_44 = arith.andi %broadcast_in_dim3A_42, %and3A_43 : vector<1024x1xi32>
    %eq3A_45 = vector.broadcast %and3A_44 : vector<1024x1xi32> to vector<1024x8xi32>
    %eq3A_46 = arith.cmpi eq, %iota3A, %eq3A_45 : vector<1024x8xi32>
    %convert_element_type3A_47 = arith.extui %eq3A_46 : vector<1024x8xi1> to vector<1024x8xi32>
    %convert_element_type3A_48 = arith.sitofp %convert_element_type3A_47 : vector<1024x8xi32> to vector<1024x8xf32>
    %get3A_49 = arith.constant 0 : index
    %get3A_50 = arith.constant 0 : index
    %get3A_51 = vector.load %arg5[%get3A_49, %get3A_50] : memref<8x1024xf32, #tpu.memory_space<vmem>>, vector<8x1024xf32>
    %dot_general3A_52 = arith.constant dense<0.000000e+00> : vector<1024x1024xf32>
    %dot_general3A_53 = tpu.matmul %convert_element_type3A_48, %get3A_51, %dot_general3A_52 {dimension_numbers = #tpu.dot_dimension_numbers<[1], [0], [0], [1], [0, 0, 1, 1], [], []>, transpose_lhs_hint = false} : vector<1024x8xf32>, vector<8x1024xf32>, vector<1024x1024xf32> -> vector<1024x1024xf32>
    %add3A_54 = arith.addf %add3A, %dot_general3A_53 : vector<1024x1024xf32>
    %get3A_55 = arith.constant 0 : index
    %get3A_56 = arith.constant 0 : index
    %get3A_57 = vector.load %arg4[%get3A_55, %get3A_56] : memref<512x1024xf32, #tpu.memory_space<vmem>>, vector<512x1024xf32>
    %dot_general3A_58 = arith.constant dense<0.000000e+00> : vector<1024x512xf32>
    %dot_general3A_59 = tpu.matmul %add3A_54, %get3A_57, %dot_general3A_58 {dimension_numbers = #tpu.dot_dimension_numbers<[1], [1], [0], [0], [0, 0, 1, 0], [], []>, transpose_lhs_hint = false} : vector<1024x1024xf32>, vector<512x1024xf32>, vector<1024x512xf32> -> vector<1024x512xf32>
    %iota3A_60 = tpu.iota {dimensions = array<i32: 1>} : vector<1024x512xi32>
    %shift_right_arithmetic3A_61 = arith.constant 3 : i32
    %shift_right_arithmetic3A_62 = vector.broadcast %shift_right_arithmetic3A_61 : i32 to vector<1024x512xi32>
    %shift_right_arithmetic3A_63 = arith.shrsi %iota3A_60, %shift_right_arithmetic3A_62 : vector<1024x512xi32>
    %eq3A_64 = vector.broadcast %broadcast_in_dim3A_42 : vector<1024x1xi32> to vector<1024x512xi32>
    %eq3A_65 = arith.cmpi eq, %shift_right_arithmetic3A_63, %eq3A_64 : vector<1024x512xi32>
    %jit3A_66 = arith.constant -1.000000e+30 : f32
    %broadcast_in_dim3A_67 = vector.broadcast %jit3A_66 : f32 to vector<1024x512xf32>
    %select_n3A_68 = arith.select %eq3A_65, %dot_general3A_59, %broadcast_in_dim3A_67 : vector<1024x512xi1>, vector<1024x512xf32>
    %reduce_max3A_69 = arith.constant dense<0xFF800000> : vector<1024xf32>
    %reduce_max3A_70 = vector.multi_reduction <maximumf>, %select_n3A_68, %reduce_max3A_69 [1] : vector<1024x512xf32> to vector<1024xf32>
    %broadcast_in_dim3A_71 = vector.shape_cast %reduce_max3A_70 : vector<1024xf32> to vector<1024x1xf32>
    %eq3A_72 = vector.broadcast %broadcast_in_dim3A_71 : vector<1024x1xf32> to vector<1024x512xf32>
    %eq3A_73 = arith.cmpf oeq, %select_n3A_68, %eq3A_72 : vector<1024x512xf32>
    %jit3A_74 = arith.constant 512 : i32
    %broadcast_in_dim3A_75 = vector.broadcast %jit3A_74 : i32 to vector<1024x512xi32>
    %select_n3A_76 = arith.select %eq3A_73, %iota3A_60, %broadcast_in_dim3A_75 : vector<1024x512xi1>, vector<1024x512xi32>
    %reduce_min3A_77 = arith.constant dense<2147483647> : vector<1024xi32>
    %reduce_min3A_78 = vector.multi_reduction <minsi>, %select_n3A_76, %reduce_min3A_77 [1] : vector<1024x512xi32> to vector<1024xi32>
    %broadcast_in_dim3A_79 = vector.shape_cast %reduce_min3A_78 : vector<1024xi32> to vector<1024x1xi32>
    %add3A_80 = arith.constant 8 : i32
    %add3A_81 = vector.broadcast %add3A_80 : i32 to vector<1024x1xi32>
    %add3A_82 = arith.addi %broadcast_in_dim3A_42, %add3A_81 : vector<1024x1xi32>
    %add3A_83 = arith.constant 72 : i32
    %add3A_84 = vector.broadcast %add3A_83 : i32 to vector<1024x1xi32>
    %add3A_85 = arith.addi %broadcast_in_dim3A_79, %add3A_84 : vector<1024x1xi32>
    %concatenate3A = tpu.concatenate %broadcast_in_dim3A_10, %add3A_82, %add3A_85 in 1 : vector<1024x1xi32>, vector<1024x1xi32>, vector<1024x1xi32> -> vector<1024x3xi32>
    %swap3A = arith.constant 0 : index
    %swap3A_86 = arith.constant 0 : index
    %swap3A_87 = arith.constant 0 : index
    %swap3A_88 = vector.load %arg6[%swap3A, %swap3A_86, %swap3A_87] : memref<1x1024x3xi32, #tpu.memory_space<vmem>>, vector<1x1024x3xi32>
    %swap3A_89 = vector.shape_cast %swap3A_88 : vector<1x1024x3xi32> to vector<1024x3xi32>
    %swap3A_90 = vector.shape_cast %concatenate3A : vector<1024x3xi32> to vector<1x1024x3xi32>
    tpu.vector_store %arg6[%swap3A, %swap3A_86, %swap3A_87], %swap3A_90 {strides = array<i32>} : memref<1x1024x3xi32, #tpu.memory_space<vmem>>, vector<1x1024x3xi32>,
    return
  }
  func.func @transform_0(%arg0: i32) -> (i32, i32) {
    %c0_i32 = arith.constant 0 : i32
    %c0_i32_0 = arith.constant 0 : i32
    return %arg0, %c0_i32 : i32, i32
  }
  func.func @transform_1(%arg0: i32) -> (i32, i32) {
    %c0_i32 = arith.constant 0 : i32
    %c0_i32_0 = arith.constant 0 : i32
    %c0_i32_1 = arith.constant 0 : i32
    return %c0_i32, %c0_i32_0 : i32, i32
  }
  func.func @transform_2(%arg0: i32) -> (i32, i32) {
    %c0_i32 = arith.constant 0 : i32
    %c0_i32_0 = arith.constant 0 : i32
    %c0_i32_1 = arith.constant 0 : i32
    return %c0_i32, %c0_i32_0 : i32, i32
  }
  func.func @transform_3(%arg0: i32) -> (i32, i32) {
    %c0_i32 = arith.constant 0 : i32
    %c0_i32_0 = arith.constant 0 : i32
    %c0_i32_1 = arith.constant 0 : i32
    return %c0_i32, %c0_i32_0 : i32, i32
  }
  func.func @transform_4(%arg0: i32) -> (i32, i32) {
    %c0_i32 = arith.constant 0 : i32
    %c0_i32_0 = arith.constant 0 : i32
    %c0_i32_1 = arith.constant 0 : i32
    return %c0_i32, %c0_i32_0 : i32, i32
  }
  func.func @transform_5(%arg0: i32) -> (i32, i32, i32) {
    %c0_i32 = arith.constant 0 : i32
    %c0_i32_0 = arith.constant 0 : i32
    %c0_i32_1 = arith.constant 0 : i32
    return %arg0, %c0_i32, %c0_i32_0 : i32, i32, i32
  }
}

</mosaic_0001>

<sc_bundles>
// kernel: kernel.4.cloned.1.call-start
scs
__scs_entry_jumppad:
0x0: {  	(pc) =	sbr.rel $0x88, $3  }
0x1: {  	(tag) =	ssettag $0x0;
	lr =	simm.s32 $0x1  }
0x2: {  	[smem:$0x3F99] =	sst lr;
	_ =	strace $0xD0000000  }
0x3: {  	_ = 	snop  }
0x4: {  	_ = 	snop  }
0x5: {  	_ = 	snop  }
0x6: {  	_ = 	snop  }
0x7: {  	_ = 	snop  }
__scs_overlays_trampoline_lowered:
0x8: {  	[smem:$0x3FA8] =	sst s0  }
0x9: {  	[smem:$0x3FA9] =	sst s1  }
0xa: {  	[smem:$0x3FAA] =	sst s2  }
0xb: {  	[smem:$0x3FAB] =	sst s3  }
0xc: {  	[smem:$0x3FAC] =	sst s4  }
0xd: {  	[smem:$0x3FAD] =	sst s5  }
0xe: {  	[smem:$0x3FAE] =	sst s6  }
0xf: {  	[smem:$0x3FAF] =	sst s7  }
0x10: {  	[smem:$0x3FB0] =	sst s8  }
0x11: {  	[smem:$0x3FB1] =	sst s9;
	s0 =	simm.s32 @!p0 $0x0  }
0x12: {  	s1 =	sld [smem:$0x3F97];
	s0 =	simm.s32 @p0 $0x1  }
0x13: {  	[smem:$0x3FB2] =	sst s0;
	s0 =	simm.s32 @!p1 $0x0  }
0x14: {  	s2 =	sld [smem:$0x3F96];
	s0 =	simm.s32 @p1 $0x1  }
0x15: {  	[smem:$0x3FB3] =	sst s0;
	s0 =	simm.s32 @!p2 $0x0  }
0x16: {  	s3 =	sld [smem:$0x3FDB];
	s0 =	simm.s32 @p2 $0x1  }
0x17: {  	s4 =	simm.s32 $0x1BF5;
	[smem:$0x3FB5] =	sst s0  }
0x18: {  	s0 =	sld [smem:$0x3F98];
	_ =	swait.ge [sflag:s4], $0x0  }
0x19: {  	s7 =	sld [smem:$0x3F99]  }
0x1a: {  	s8 =	sadd.s32 $0xFFFFE003, lr  }
0x1b: {  	s9 =	sadd.s32 $0xFFFFFEF7, lr;
	s5 =	simm.s32 $0xFFFFFFFF;
	p2 =	slt.u32 s8, $0xFFFFF086  }
0x1c: {  	p1 =	slt.u32 s9, $0xF7A;
	s5 =	simm.s32 @!p2 $0x0  }
0x1d: {  	s5 =	simm.s32 @p1 $0x1;
	p0 =	seq.s32 s7, s2  }
0x1e: {  	s7 =	smul.u32 @!p0 $0xF7A, s2;
	p2 =	seq.s32 @!p0 s5, $0x0  }
0x1f: {  	s9 =	smul.u32 $0xF7A, s1;
	s8 =	simm.s32 @!p0 $0x1BF5;
	p2 =	por !p2, p0  }
0x20: {  	[sflag:s8] =	ssyncset.s32 @!p0 $0xFFFFF086;
	s6 =	sadd.s32 @!p0 s3, s7;
	s7 =	simm.s32 @!p0 $0x108  }
0x21: {  	s3 =	sadd.s32 s3, s9;
	s6 =	sadd.s32 @!p0 $0x88, s6;
	s7 =	simm.s32 @p2 $0x1082  }
0x22: {  	[simem:s7], [sflag:s8] =	dma.local @!p0 [hbm:s6], $0xF7A  }
0x23: {  	s9 =	sor.u32 $0xD0000000, s2;
	s6 =	simm.s32 $0x108;
	_ =	swait.ge @!p0 [sflag:s8], $0x0  }
0x24: {  	s3 =	sadd.s32 $0x88, s3;
	s6 =	simm.s32 @!p1 $0x1082;
	[sflag:s4] =	ssyncset.s32 $0xFFFFF086  }
0x25: {  	[simem:s6], [sflag:s4] =	dma.local [hbm:s3], $0xF7A  }
0x26: {  	[smem:$0x3F99] =	sst s1;
	(tag) =	ssettag s2;
	_ =	strace s9  }
0x27: {  	s1 =	sld [smem:$0x3FA9]  }
0x28: {  	s2 =	sld [smem:$0x3FAA]  }
0x29: {  	s4 =	sld [smem:$0x3FAC]  }
0x2a: {  	p0 =	seq.s32 s5, $0x0;
	s5 =	sld [smem:$0x3FAD]  }
0x2b: {  	s6 =	sld [smem:$0x3FAE]  }
0x2c: {  	s7 =	sld [smem:$0x3FAF]  }
0x2d: {  	s3 =	simm.s32 $0x108;
	s8 =	sld [smem:$0x3FB0]  }
0x2e: {  	s3 =	simm.s32 @!p0 $0x1082;
	s9 =	sld [smem:$0x3FB1]  }
0x2f: {  	lr =	sadd.s32 s0, s3;
	s0 =	sld [smem:$0x3FA8]  }
0x30: {  	s3 =	sld [smem:$0x3FAB]  }
0x31: {  	[smem:$0x3FB4] =	sst s10  }
0x32: {  	s10 =	sld [smem:$0x3FB2];
	_ =	sdelay $0x3  }
0x33: {  	p0 =	seq.s32 s10, $0x1;
	s10 =	sld [smem:$0x3FB4];
	_ =	sdelay $0x3  }
0x34: {  	[smem:$0x3FB4] =	sst s10  }
0x35: {  	s10 =	sld [smem:$0x3FB3];
	_ =	sdelay $0x3  }
0x36: {  	p1 =	seq.s32 s10, $0x1;
	s10 =	sld [smem:$0x3FB4];
	_ =	sdelay $0x3  }
0x37: {  	[smem:$0x3FB4] =	sst s10  }
0x38: {  	s10 =	sld [smem:$0x3FB5]  }
0x39: {  	_ = 	snop;
	(pc) =	sbr.ind lr, $3  }
0x3a: {  	_ = 	snop  }
0x3b: {  	_ = 	snop  }
0x3c: {  	p2 =	seq.s32 s10, $0x1;
	s10 =	sld [smem:$0x3FB4]  }
0x3d: {  	_ =	shalt  }
0x3e: {  	_ =	shalt  }
0x3f: {  	_ =	shalt  }
0x40: {  	_ =	shalt  }
0x41: {  	_ =	shalt  }
0x42: {  	_ =	shalt  }
0x43: {  	_ =	shalt  }
0x44: {  	_ =	shalt  }
0x45: {  	_ =	shalt  }
0x46: {  	_ =	shalt  }
0x47: {  	_ =	shalt  }
0x48: {  	_ =	shalt  }
0x49: {  	_ =	shalt  }
0x4a: {  	_ =	shalt  }
0x4b: {  	_ =	shalt  }
0x4c: {  	_ =	shalt  }
0x4d: {  	_ =	shalt  }
0x4e: {  	_ =	shalt  }
0x4f: {  	_ =	shalt  }
0x50: {  	_ =	shalt  }
0x51: {  	_ =	shalt  }
0x52: {  	_ =	shalt  }
0x53: {  	_ =	shalt  }
0x54: {  	_ =	shalt  }
0x55: {  	_ =	shalt  }
0x56: {  	_ =	shalt  }
0x57: {  	_ =	shalt  }
0x58: {  	_ =	shalt  }
0x59: {  	_ =	shalt  }
0x5a: {  	_ =	shalt  }
0x5b: {  	_ =	shalt  }
0x5c: {  	_ =	shalt  }
0x5d: {  	_ =	shalt  }
0x5e: {  	_ =	shalt  }
0x5f: {  	_ =	shalt  }
0x60: {  	_ =	shalt  }
0x61: {  	_ =	shalt  }
0x62: {  	_ =	shalt  }
0x63: {  	_ =	shalt  }
0x64: {  	_ =	shalt  }
0x65: {  	_ =	shalt  }
0x66: {  	_ =	shalt  }
0x67: {  	_ =	shalt  }
0x68: {  	_ =	shalt  }
0x69: {  	_ =	shalt  }
0x6a: {  	_ =	shalt  }
0x6b: {  	_ =	shalt  }
0x6c: {  	_ =	shalt  }
0x6d: {  	_ =	shalt  }
0x6e: {  	_ =	shalt  }
0x6f: {  	_ =	shalt  }
0x70: {  	_ =	shalt  }
0x71: {  	_ =	shalt  }
0x72: {  	_ =	shalt  }
0x73: {  	_ =	shalt  }
0x74: {  	_ =	shalt  }
0x75: {  	_ =	shalt  }
0x76: {  	_ =	shalt  }
0x77: {  	_ =	shalt  }
0x78: {  	_ =	shalt  }
0x79: {  	_ =	shalt  }
0x7a: {  	_ =	shalt  }
0x7b: {  	_ =	shalt  }
0x7c: {  	_ =	shalt  }
0x7d: {  	_ =	shalt  }
0x7e: {  	_ =	shalt  }
0x7f: {  	_ =	shalt  }
0x80: {  	_ =	shalt  }
0x81: {  	_ =	shalt  }
0x82: {  	_ =	shalt  }
0x83: {  	_ =	shalt  }
0x84: {  	_ =	shalt  }
0x85: {  	_ =	shalt  }
0x86: {  	_ =	shalt  }
0x87: {  	_ =	shalt  }
.Lfunc_end0:
.L_simem_size_0:
called_computation.1_lowered:
.L_overlay_start_0:
0x88: {  	s2 =	sld [smem:$0x3FD9]  }
0x89: {  	s3 =	sld [smem:$0x3FFE];
	_ =	sdelay $0x1  }
0x8a: {  	s1 =	srdreg.scid  }
0x8b: {  	s0 =	sand.u32 $0x1, s1  }
0x8c: {  	s17 =	sshll.u32 s0, $0xA;
	s2 =	sadd.s32 s3, s2  }
0x8d: {  	s2 =	sadd.s32 s2, s17  }
0x8e: {  	[smem:$0x3FC0] =	sst s2  }
0x8f: {  	_ = 	snop  }
0x90: {  	s2 =	sld [smem:$0x3FD0];
	(tm) =	ssettm $0x1  }
0x91: {  	s18 =	sld [smem:$0x3FFB];
	_ =	sdelay $0x3  }
0x92: {  	_ =	strace s18  }
0x93: {  	s3 =	sld [smem:$0x3FFC];
	_ =	sdelay $0x3  }
0x94: {  	_ =	strace s3  }
0x95: {  	s3 =	sld [smem:$0x3FFD];
	_ =	sdelay $0x3  }
0x96: {  	_ =	strace s3  }
0x97: {  	_ =	strace $0x8FFFFFFF  }
0x98: {  	s19 =	sld [smem:$0x3FDB];
	_ =	sdelay $0x1  }
0x99: {  	s4 =	simm.s32 $_scs_section_size  }
0x9a: {  	s5 =	simm.s32 $_size__tile_overlayer_lowered;
	s6 =	simm.s32 $_tile_overlayer_lowered  }
0x9b: {  	s22 =	simm.s32 $0x1BFF;
	s21 =	sshll.u32 s6, $0x1;
	s3 =	sadd.s32 s4, s19  }
0x9c: {  	s7 =	simm.s32 $0x0;
	s20 =	sshll.u32 s5, $0x1;
	s5 =	sadd.s32 s21, s3  }
0x9d: {  	[timem:s7], [sflag:s22] =	dma.local [hbm:s5], s20  }
0x9e: {  	_ =	swait.ge [sflag:s22], s20  }
0x9f: {  	s4 =	ssub.s32 $0x0, s20;
	[sflag:s22] =	ssyncset.done $0x0  }
0xa0: {  	[sflag:s22] =	ssyncadd.s32 s4;
	_ =	sdelay $0x1  }
0xa1: {  	s23 =	simm.s32 $0x1B8B  }
0xa2: {  	_ =	swait.ge [sflag:s23], $0x1  }
0xa3: {  	[sflag:s23] =	ssyncset.done $0x0  }
0xa4: {  	s25 =	simm.s32 $0x1B8E;
	s24 =	sld [smem:$0x3FFE];
	[sflag:s23] =	ssyncadd.s32 $0xFFFFFFFF  }
0xa5: {  	s26 =	simm.s32 $execute0_lowered;
	[smem:$0x3FD2] =	sst s25  }
0xa6: {  	s5 =	sshll.u32 s26, $0x1;
	_ =	strace $0x80000046;
	[dreg:$0x1] =	wrdreg $0xFFFFFFFF  }
0xa7: {  	s28 =	simm.s32 $_size_execute0_lowered;
	s3 =	sadd.s32 s3, s5;
	[dreg:$0x0] =	wrdreg $0x0  }
0xa8: {  	s5 =	sshll.u32 s28, $0x1;
	[dreg:$0x2] =	wrdreg s3  }
0xa9: {  	[dreg:$0x3] =	wrdreg s5  }
0xaa: {  	[dreg:$0x4] =	wrdreg $0xC0  }
0xab: {  	_ =	task [dreg:s7], $0x5FFFF  }
0xac: {  	[dreg:$0x1] =	wrdreg $0xFFFFFFFF  }
0xad: {  	[dreg:$0x0] =	wrdreg $0x60  }
0xae: {  	[dreg:$0x2] =	wrdreg s2  }
0xaf: {  	[dreg:$0x3] =	wrdreg s24  }
0xb0: {  	[dreg:$0x4] =	wrdreg $0x9  }
0xb1: {  	_ =	task.clear_ibuf [dreg:s7], $0x5FFFF;
	_ =	strace $0x90000046  }
0xb2: {  	s29 =	simm.s32 $0x9;
	_ =	strace $0x80000048  }
0xb3: {  	_ =	swait.ge [sflag:s29], $0x1  }
0xb4: {  	[sflag:s29] =	ssyncadd.s32 $0xFFFFFFFF  }
0xb5: {  	_ =	strace $0x90000048  }
0xb6: {  	_ =	sfence  }
0xb7: {  	s30 =	sld [smem:$0x0];
	_ =	sdelay $0x2  }
0xb8: {  	s31 =	sshll.u32 s1, $0xD;
	s1 =	sshrl.u32 s1, $0x2  }
0xb9: {  	s3 =	sand.u32 $0x4000, s31;
	s1 =	sadd.s32 s1, s30  }
0xba: {  	s0 =	sor.u32 s3, s0;
	s1 =	sshll.u32 s1, $0x11  }
0xbb: {  	s0 =	sor.u32 s1, s0  }
0xbc: {  	s0 =	sadd.s32 $0x8F2B, s0  }
0xbd: {  	[sflag:s0] =	ssyncadd.remote.s32 $0x1  }
0xbe: {  	_ =	sfence.sel $0xFFFF  }
0xbf: {  	[dreg:$0x0] =	wrdreg $0xFFFFFFFF;
	(pc) =	sbr.abs _section_cstart, $3  }
0xc0: {  	[dreg:$0x1] =	wrdreg $0xFFFFFFFF  }
0xc1: {  	_ =	task.clear_ibuf [dreg:s7], $0x2FFFF;
	_ =	strace $0x9FFFFFFF  }
0xc2: {  	(tm) =	ssettm $0x7FFFFFFF  }
0xc3: {  	_ =	shalt  }
tec
execute0_lowered:
.L_overlay_start_1:
0x0: {  	(tag) =	ssettag $0x1  }
0x1: {  	s0 =	srdreg.scid;
	s3 =	stileid.u32  }
0x2: {  	s0 =	sand.u32 $0x1, s0;
	s3 =	sshll.u32 s3, $0x1  }
0x3: {  	s2 =	rddreg [dreg:$0x0];
	s4 =	sor.u32 s0, s3  }
0x4: {  	s1 =	rddreg [dreg:$0x1];
	s5 =	sshll.u32 s4, $0x8  }
0x5: {  	s3 =	simm.s32 $0x0;
	s6 =	smul.u32 $0x18000, s4;
	s5 =	sadd.s32 s5, s1  }
0x6: {  	[smem:$0x7FF] =	sst s3;
	s1 =	sadd.s32 $0x3000, s1;
	s5 =	sadd.s32 $0x1000, s5  }
0x7: {  	_ =	strace $0x80000047;
	s6 =	sadd.s32 s1, s6;
	[dreg:$0x3] =	wrdreg s5  }
0x8: {  	s17 =	sadd.s32 $0x1800, s6;
	[dreg:$0x13] =	wrdreg s6  }
0x9: {  	s4 =	smul.u32 $0xC0000, s4;
	s18 =	sadd.s32 $0x3000, s6;
	[dreg:$0x4] =	wrdreg s17  }
0xa: {  	s19 =	sadd.s32 $0x4800, s6;
	[dreg:$0x5] =	wrdreg s18  }
0xb: {  	s4 =	sshrl.u32 s4, $0x3;
	s20 =	sadd.s32 $0x6000, s6;
	[dreg:$0x6] =	wrdreg s19  }
0xc: {  	s21 =	sadd.s32 $0x7800, s6;
	s1 =	sadd.s32 s1, s4;
	[dreg:$0x7] =	wrdreg s20  }
0xd: {  	s9 =	simm.s32 $0x3;
	[dreg:$0x8] =	wrdreg s21;
	s4 =	sadd.s32 $0x9000, s1  }
0xe: {  	s11 =	simm.s32 $0xC800;
	s22 =	sadd.s32 $0xA800, s1;
	[dreg:$0x9] =	wrdreg s4  }
0xf: {  	s13 =	simm.s32 $0x1;
	s23 =	sadd.s32 $0xC000, s1;
	[dreg:$0xa] =	wrdreg s22  }
0x10: {  	s14 =	simm.s32 $0x2;
	s24 =	sadd.s32 $0xD800, s1;
	[dreg:$0xb] =	wrdreg s23  }
0x11: {  	s7 =	sadd.s32 $0x300, s2;
	s25 =	sadd.s32 $0xF000, s1;
	[dreg:$0xc] =	wrdreg s24  }
0x12: {  	s0 =	ssub.s32 $0x2, s0;
	s26 =	sadd.s32 $0x10800, s1;
	[dreg:$0xd] =	wrdreg s25  }
0x13: {  	s28 =	sshrl.u32 s0, $0x1;
	s29 =	sadd.s32 $0x12000, s1;
	[dreg:$0xe] =	wrdreg s26  }
0x14: {  	s0 =	ssub.s32 s0, s28;
	s30 =	sadd.s32 $0x13800, s1;
	[dreg:$0xf] =	wrdreg s29  }
0x15: {  	v2 =	vlaneseq.u32;
	s0 =	smax.u32 s0, $0x1;
	s31 =	sadd.s32 $0x15000, s1;
	[dreg:$0x10] =	wrdreg s30  }
0x16: {  	vm0 =	vmmov $0xffff;
	v1 =	vshrl.u32 v2, $0x3;
	s5 =	sadd.s32 $0x100, s2;
	s1 =	sadd.s32 $0x16800, s1;
	[dreg:$0x11] =	wrdreg s31  }
0x17: {  	v0 =	vand.u32 $0x7, v2;
	v2 =	vor.u32 $0x8, v2;
	v1 =	vmul.u32 $0x8, v1;
	s6 =	sadd.s32 $0x200, s2;
	s17 =	simm.s32 $0x800;
	[dreg:$0x12] =	wrdreg s1  }
.LBB2_1:
0x18: {  	[dreg:$0x14] =	wrdreg s0  }
0x19: {  	s15 =	rddreg [dreg:$0x3]  }
0x1a: {  	[tilespmem:s3], [sflag:$0x3] =	stream.linear.gather [hbm4b:s15+s3], $0x800, $0x38;
	[tilespmem:$0x18800] =	vst v63  }
0x1b: {  	_ =	swait.ge [sflag:s9], $0x800  }
0x1c: {  	[sflag:s9] =	ssyncset.done $0x0  }
0x1d: {  	[sflag:s9] =	ssyncadd.s32 $0xFFFFF800  }
0x1e: {  	v3 =	vld [tilespmem:$0x0];
	_ =	sdelay $0x4  }
0x1f: {  	v4 =	vshll.u32 v3, $0x3  }
0x20: {  	v3 =	vand.u32 $0x7, v3;
	v4 =	vand.u32 $0xFFFFFFC0, v4  }
0x21: {  	v3 =	vor.u32 v3, v4  }
0x22: {  	v4 =	vperm.xlane v3, v0;
	_ =	sdelay $0x1  }
0x23: {  	v4 =	vadd.s32 v1, v4;
	_ =	sdelay $0x4  }
0x24: {  	[tilespmem:s17], [sflag:$0x1] =	stream.indirect_vreg.gather [hbm4b:s2+s3], $0x80, v4, vm0, $0xb8;
	[tilespmem:$0x18800] =	vst v63  }
0x25: {  	s4 =	simm.s32 $0x1000;
	v3 =	vperm.xlane v3, v2  }
0x26: {  	[tilespmem:s4], [sflag:$0x1] =	stream.indirect_vreg.gather [hbm4b:s5+s3], $0x80, v4, vm0, $0xb8;
	[tilespmem:$0x18800] =	vst v63  }
0x27: {  	s8 =	simm.s32 $0x1800;
	v3 =	vadd.s32 v1, v3  }
0x28: {  	[tilespmem:s8], [sflag:$0x1] =	stream.indirect_vreg.gather [hbm4b:s6+s3], $0x80, v4, vm0, $0xb8;
	[tilespmem:$0x18800] =	vst v63  }
0x29: {  	s10 =	simm.s32 $0x2000  }
0x2a: {  	[tilespmem:s10], [sflag:$0x1] =	stream.indirect_vreg.gather [hbm4b:s7+s3], $0x80, v4, vm0, $0xb8;
	[tilespmem:$0x18800] =	vst v63  }
0x2b: {  	s12 =	simm.s32 $0x2800  }
0x2c: {  	[tilespmem:s12], [sflag:$0x1] =	stream.indirect_vreg.gather [hbm4b:s2+s3], $0x80, v3, vm0, $0xb8;
	[tilespmem:$0x18800] =	vst v63  }
0x2d: {  	s15 =	simm.s32 $0x3000  }
0x2e: {  	[tilespmem:s15], [sflag:$0x1] =	stream.indirect_vreg.gather [hbm4b:s5+s3], $0x80, v3, vm0, $0xb8;
	[tilespmem:$0x18800] =	vst v63  }
0x2f: {  	s16 =	simm.s32 $0x3800  }
0x30: {  	[tilespmem:s16], [sflag:$0x1] =	stream.indirect_vreg.gather [hbm4b:s6+s3], $0x80, v3, vm0, $0xb8;
	[tilespmem:$0x18800] =	vst v63  }
0x31: {  	s18 =	simm.s32 $0x4000  }
0x32: {  	[tilespmem:s18], [sflag:$0x1] =	stream.indirect_vreg.gather [hbm4b:s7+s3], $0x80, v3, vm0, $0xb8;
	[tilespmem:$0x18800] =	vst v63  }
0x33: {  	v3 =	vld [tilespmem:$0x10];
	_ =	sdelay $0x4  }
0x34: {  	v17 =	vshll.u32 v3, $0x3  }
0x35: {  	v3 =	vand.u32 $0x7, v3;
	v4 =	vand.u32 $0xFFFFFFC0, v17  }
0x36: {  	v3 =	vor.u32 v3, v4  }
0x37: {  	v4 =	vperm.xlane v3, v0;
	_ =	sdelay $0x1  }
0x38: {  	v4 =	vadd.s32 v1, v4;
	_ =	sdelay $0x3  }
0x39: {  	s19 =	simm.s32 $0x4800  }
0x3a: {  	[tilespmem:s19], [sflag:$0x1] =	stream.indirect_vreg.gather [hbm4b:s2+s3], $0x80, v4, vm0, $0xb8;
	[tilespmem:$0x18800] =	vst v63  }
0x3b: {  	s20 =	simm.s32 $0x5000;
	v3 =	vperm.xlane v3, v2  }
0x3c: {  	[tilespmem:s20], [sflag:$0x1] =	stream.indirect_vreg.gather [hbm4b:s5+s3], $0x80, v4, vm0, $0xb8;
	[tilespmem:$0x18800] =	vst v63  }
0x3d: {  	s21 =	simm.s32 $0x5800;
	v3 =	vadd.s32 v1, v3  }
0x3e: {  	[tilespmem:s21], [sflag:$0x1] =	stream.indirect_vreg.gather [hbm4b:s6+s3], $0x80, v4, vm0, $0xb8;
	[tilespmem:$0x18800] =	vst v63  }
0x3f: {  	s22 =	simm.s32 $0x6000  }
0x40: {  	[tilespmem:s22], [sflag:$0x1] =	stream.indirect_vreg.gather [hbm4b:s7+s3], $0x80, v4, vm0, $0xb8;
	[tilespmem:$0x18800] =	vst v63  }
0x41: {  	s23 =	simm.s32 $0x6800  }
0x42: {  	[tilespmem:s23], [sflag:$0x1] =	stream.indirect_vreg.gather [hbm4b:s2+s3], $0x80, v3, vm0, $0xb8;
	[tilespmem:$0x18800] =	vst v63  }
0x43: {  	s24 =	simm.s32 $0x7000  }
0x44: {  	[tilespmem:s24], [sflag:$0x1] =	stream.indirect_vreg.gather [hbm4b:s5+s3], $0x80, v3, vm0, $0xb8;
	[tilespmem:$0x18800] =	vst v63  }
0x45: {  	s25 =	simm.s32 $0x7800  }
0x46: {  	[tilespmem:s25], [sflag:$0x1] =	stream.indirect_vreg.gather [hbm4b:s6+s3], $0x80, v3, vm0, $0xb8;
	[tilespmem:$0x18800] =	vst v63  }
0x47: {  	s26 =	simm.s32 $0x8000  }
0x48: {  	[tilespmem:s26], [sflag:$0x1] =	stream.indirect_vreg.gather [hbm4b:s7+s3], $0x80, v3, vm0, $0xb8;
	[tilespmem:$0x18800] =	vst v63  }
0x49: {  	v3 =	vld [tilespmem:$0x20];
	_ =	sdelay $0x4  }
0x4a: {  	v18 =	vshll.u32 v3, $0x3  }
0x4b: {  	v3 =	vand.u32 $0x7, v3;
	v4 =	vand.u32 $0xFFFFFFC0, v18  }
0x4c: {  	v3 =	vor.u32 v3, v4  }
0x4d: {  	v4 =	vperm.xlane v3, v0;
	_ =	sdelay $0x1  }
0x4e: {  	v4 =	vadd.s32 v1, v4;
	_ =	sdelay $0x3  }
0x4f: {  	s28 =	simm.s32 $0x8800  }
0x50: {  	[tilespmem:s28], [sflag:$0x1] =	stream.indirect_vreg.gather [hbm4b:s2+s3], $0x80, v4, vm0, $0xb8;
	[tilespmem:$0x18800] =	vst v63  }
0x51: {  	s29 =	simm.s32 $0x9000;
	v3 =	vperm.xlane v3, v2  }
0x52: {  	[tilespmem:s29], [sflag:$0x1] =	stream.indirect_vreg.gather [hbm4b:s5+s3], $0x80, v4, vm0, $0xb8;
	[tilespmem:$0x18800] =	vst v63  }
0x53: {  	s30 =	simm.s32 $0x9800;
	v3 =	vadd.s32 v1, v3  }
0x54: {  	[tilespmem:s30], [sflag:$0x1] =	stream.indirect_vreg.gather [hbm4b:s6+s3], $0x80, v4, vm0, $0xb8;
	[tilespmem:$0x18800] =	vst v63  }
0x55: {  	s31 =	simm.s32 $0xA000  }
0x56: {  	[tilespmem:s31], [sflag:$0x1] =	stream.indirect_vreg.gather [hbm4b:s7+s3], $0x80, v4, vm0, $0xb8;
	[tilespmem:$0x18800] =	vst v63  }
0x57: {  	s4 =	simm.s32 $0xA800  }
0x58: {  	[tilespmem:s4], [sflag:$0x1] =	stream.indirect_vreg.gather [hbm4b:s2+s3], $0x80, v3, vm0, $0xb8;
	[tilespmem:$0x18800] =	vst v63  }
0x59: {  	s8 =	simm.s32 $0xB000  }
0x5a: {  	[tilespmem:s8], [sflag:$0x1] =	stream.indirect_vreg.gather [hbm4b:s5+s3], $0x80, v3, vm0, $0xb8;
	[tilespmem:$0x18800] =	vst v63  }
0x5b: {  	s10 =	simm.s32 $0xB800  }
0x5c: {  	[tilespmem:s10], [sflag:$0x1] =	stream.indirect_vreg.gather [hbm4b:s6+s3], $0x80, v3, vm0, $0xb8;
	[tilespmem:$0x18800] =	vst v63  }
0x5d: {  	s15 =	simm.s32 $0xC000  }
0x5e: {  	[tilespmem:s15], [sflag:$0x1] =	stream.indirect_vreg.gather [hbm4b:s7+s3], $0x80, v3, vm0, $0xb8;
	[tilespmem:$0x18800] =	vst v63  }
0x5f: {  	v3 =	vld [tilespmem:$0x80];
	_ =	sdelay $0x4  }
0x60: {  	v19 =	vshll.u32 v3, $0x3  }
0x61: {  	v3 =	vand.u32 $0x7, v3;
	v4 =	vand.u32 $0xFFFFFFC0, v19  }
0x62: {  	v3 =	vor.u32 v3, v4  }
0x63: {  	v4 =	vperm.xlane v3, v0;
	_ =	sdelay $0x1  }
0x64: {  	v4 =	vadd.s32 v1, v4;
	_ =	sdelay $0x4  }
0x65: {  	[tilespmem:s11], [sflag:$0x2] =	stream.indirect_vreg.gather [hbm4b:s2+s3], $0x80, v4, vm0, $0xb8;
	[tilespmem:$0x18800] =	vst v63  }
0x66: {  	s19 =	simm.s32 $0xD000;
	v3 =	vperm.xlane v3, v2  }
0x67: {  	[tilespmem:s19], [sflag:$0x2] =	stream.indirect_vreg.gather [hbm4b:s5+s3], $0x80, v4, vm0, $0xb8;
	[tilespmem:$0x18800] =	vst v63  }
0x68: {  	s20 =	simm.s32 $0xD800;
	v3 =	vadd.s32 v1, v3  }
0x69: {  	[tilespmem:s20], [sflag:$0x2] =	stream.indirect_vreg.gather [hbm4b:s6+s3], $0x80, v4, vm0, $0xb8;
	[tilespmem:$0x18800] =	vst v63  }
0x6a: {  	s21 =	simm.s32 $0xE000  }
0x6b: {  	[tilespmem:s21], [sflag:$0x2] =	stream.indirect_vreg.gather [hbm4b:s7+s3], $0x80, v4, vm0, $0xb8;
	[tilespmem:$0x18800] =	vst v63  }
0x6c: {  	s22 =	simm.s32 $0xE800  }
0x6d: {  	[tilespmem:s22], [sflag:$0x2] =	stream.indirect_vreg.gather [hbm4b:s2+s3], $0x80, v3, vm0, $0xb8;
	[tilespmem:$0x18800] =	vst v63  }
0x6e: {  	s28 =	simm.s32 $0xF000  }
0x6f: {  	[tilespmem:s28], [sflag:$0x2] =	stream.indirect_vreg.gather [hbm4b:s5+s3], $0x80, v3, vm0, $0xb8;
	[tilespmem:$0x18800] =	vst v63  }
0x70: {  	s29 =	simm.s32 $0xF800  }
0x71: {  	[tilespmem:s29], [sflag:$0x2] =	stream.indirect_vreg.gather [hbm4b:s6+s3], $0x80, v3, vm0, $0xb8;
	[tilespmem:$0x18800] =	vst v63  }
0x72: {  	s30 =	simm.s32 $0x10000  }
0x73: {  	[tilespmem:s30], [sflag:$0x2] =	stream.indirect_vreg.gather [hbm4b:s7+s3], $0x80, v3, vm0, $0xb8;
	[tilespmem:$0x18800] =	vst v63  }
0x74: {  	v3 =	vld [tilespmem:$0x90];
	_ =	sdelay $0x4  }
0x75: {  	v20 =	vshll.u32 v3, $0x3  }
0x76: {  	v3 =	vand.u32 $0x7, v3;
	v4 =	vand.u32 $0xFFFFFFC0, v20  }
0x77: {  	v3 =	vor.u32 v3, v4  }
0x78: {  	v4 =	vperm.xlane v3, v0;
	_ =	sdelay $0x1  }
0x79: {  	v4 =	vadd.s32 v1, v4;
	_ =	sdelay $0x3  }
0x7a: {  	s31 =	simm.s32 $0x10800  }
0x7b: {  	[tilespmem:s31], [sflag:$0x2] =	stream.indirect_vreg.gather [hbm4b:s2+s3], $0x80, v4, vm0, $0xb8;
	[tilespmem:$0x18800] =	vst v63  }
0x7c: {  	s0 =	simm.s32 $0x11000;
	v3 =	vperm.xlane v3, v2  }
0x7d: {  	[tilespmem:s0], [sflag:$0x2] =	stream.indirect_vreg.gather [hbm4b:s5+s3], $0x80, v4, vm0, $0xb8;
	[tilespmem:$0x18800] =	vst v63  }
0x7e: {  	s4 =	simm.s32 $0x11800;
	v3 =	vadd.s32 v1, v3  }
0x7f: {  	[tilespmem:s4], [sflag:$0x2] =	stream.indirect_vreg.gather [hbm4b:s6+s3], $0x80, v4, vm0, $0xb8;
	[tilespmem:$0x18800] =	vst v63  }
0x80: {  	s8 =	simm.s32 $0x12000  }
0x81: {  	[tilespmem:s8], [sflag:$0x2] =	stream.indirect_vreg.gather [hbm4b:s7+s3], $0x80, v4, vm0, $0xb8;
	[tilespmem:$0x18800] =	vst v63  }
0x82: {  	s10 =	simm.s32 $0x12800  }
0x83: {  	[tilespmem:s10], [sflag:$0x2] =	stream.indirect_vreg.gather [hbm4b:s2+s3], $0x80, v3, vm0, $0xb8;
	[tilespmem:$0x18800] =	vst v63  }
0x84: {  	s19 =	simm.s32 $0x13000  }
0x85: {  	[tilespmem:s19], [sflag:$0x2] =	stream.indirect_vreg.gather [hbm4b:s5+s3], $0x80, v3, vm0, $0xb8;
	[tilespmem:$0x18800] =	vst v63  }
0x86: {  	s20 =	simm.s32 $0x13800  }
0x87: {  	[tilespmem:s20], [sflag:$0x2] =	stream.indirect_vreg.gather [hbm4b:s6+s3], $0x80, v3, vm0, $0xb8;
	[tilespmem:$0x18800] =	vst v63  }
0x88: {  	s21 =	simm.s32 $0x14000  }
0x89: {  	[tilespmem:s21], [sflag:$0x2] =	stream.indirect_vreg.gather [hbm4b:s7+s3], $0x80, v3, vm0, $0xb8;
	[tilespmem:$0x18800] =	vst v63  }
0x8a: {  	v3 =	vld [tilespmem:$0xA0];
	_ =	sdelay $0x4  }
0x8b: {  	v21 =	vshll.u32 v3, $0x3  }
0x8c: {  	v3 =	vand.u32 $0x7, v3;
	v4 =	vand.u32 $0xFFFFFFC0, v21  }
0x8d: {  	v3 =	vor.u32 v3, v4  }
0x8e: {  	v4 =	vperm.xlane v3, v0;
	_ =	sdelay $0x1  }
0x8f: {  	v4 =	vadd.s32 v1, v4;
	_ =	sdelay $0x3  }
0x90: {  	s22 =	simm.s32 $0x14800  }
0x91: {  	[tilespmem:s22], [sflag:$0x2] =	stream.indirect_vreg.gather [hbm4b:s2+s3], $0x80, v4, vm0, $0xb8;
	[tilespmem:$0x18800] =	vst v63  }
0x92: {  	s0 =	simm.s32 $0x15000;
	v3 =	vperm.xlane v3, v2  }
0x93: {  	[tilespmem:s0], [sflag:$0x2] =	stream.indirect_vreg.gather [hbm4b:s5+s3], $0x80, v4, vm0, $0xb8;
	[tilespmem:$0x18800] =	vst v63  }
0x94: {  	s4 =	simm.s32 $0x15800;
	v3 =	vadd.s32 v1, v3  }
0x95: {  	[tilespmem:s4], [sflag:$0x2] =	stream.indirect_vreg.gather [hbm4b:s6+s3], $0x80, v4, vm0, $0xb8;
	[tilespmem:$0x18800] =	vst v63  }
0x96: {  	s8 =	simm.s32 $0x16000  }
0x97: {  	[tilespmem:s8], [sflag:$0x2] =	stream.indirect_vreg.gather [hbm4b:s7+s3], $0x80, v4, vm0, $0xb8;
	[tilespmem:$0x18800] =	vst v63  }
0x98: {  	s10 =	simm.s32 $0x16800  }
0x99: {  	[tilespmem:s10], [sflag:$0x2] =	stream.indirect_vreg.gather [hbm4b:s2+s3], $0x80, v3, vm0, $0xb8;
	[tilespmem:$0x18800] =	vst v63  }
0x9a: {  	s19 =	simm.s32 $0x17000  }
0x9b: {  	[tilespmem:s19], [sflag:$0x2] =	stream.indirect_vreg.gather [hbm4b:s5+s3], $0x80, v3, vm0, $0xb8;
	[tilespmem:$0x18800] =	vst v63  }
0x9c: {  	s20 =	simm.s32 $0x17800  }
0x9d: {  	[tilespmem:s20], [sflag:$0x2] =	stream.indirect_vreg.gather [hbm4b:s6+s3], $0x80, v3, vm0, $0xb8;
	[tilespmem:$0x18800] =	vst v63  }
0x9e: {  	s21 =	simm.s32 $0x18000  }
0x9f: {  	[tilespmem:s21], [sflag:$0x2] =	stream.indirect_vreg.gather [hbm4b:s7+s3], $0x80, v3, vm0, $0xb8;
	[tilespmem:$0x18800] =	vst v63  }
0xa0: {  	_ =	swait.ge [sflag:s13], $0xC000  }
0xa1: {  	[sflag:s13] =	ssyncset.done $0x0  }
0xa2: {  	s22 =	rddreg [dreg:$0x13];
	[sflag:s13] =	ssyncadd.s32 $0xFFFF4000  }
0xa3: {  	[hbm4b:s22+s3] =	stream.linear.scatter [tilespmem:s17], [sflag:$0x3], $0xC000, $0x38;
	[tilespmem:$0x18800] =	vst v63  }
0xa4: {  	_ =	swait.ge [sflag:s9], $0xC000  }
0xa5: {  	[sflag:s9] =	ssyncset.done $0x0  }
0xa6: {  	[sflag:s9] =	ssyncadd.s32 $0xFFFF4000  }
0xa7: {  	v3 =	vld [tilespmem:$0x100];
	_ =	sdelay $0x4  }
0xa8: {  	v22 =	vshll.u32 v3, $0x3  }
0xa9: {  	v3 =	vand.u32 $0x7, v3;
	v4 =	vand.u32 $0xFFFFFFC0, v22  }
0xaa: {  	v3 =	vor.u32 v3, v4  }
0xab: {  	v4 =	vperm.xlane v3, v0;
	_ =	sdelay $0x1  }
0xac: {  	v4 =	vadd.s32 v1, v4;
	_ =	sdelay $0x4  }
0xad: {  	[tilespmem:s17], [sflag:$0x1] =	stream.indirect_vreg.gather [hbm4b:s2+s3], $0x80, v4, vm0, $0xb8;
	[tilespmem:$0x18800] =	vst v63  }
0xae: {  	s1 =	simm.s32 $0x1000;
	v3 =	vperm.xlane v3, v2  }
0xaf: {  	[tilespmem:s1], [sflag:$0x1] =	stream.indirect_vreg.gather [hbm4b:s5+s3], $0x80, v4, vm0, $0xb8;
	[tilespmem:$0x18800] =	vst v63  }
0xb0: {  	s0 =	simm.s32 $0x1800;
	v3 =	vadd.s32 v1, v3  }
0xb1: {  	[tilespmem:s0], [sflag:$0x1] =	stream.indirect_vreg.gather [hbm4b:s6+s3], $0x80, v4, vm0, $0xb8;
	[tilespmem:$0x18800] =	vst v63  }
0xb2: {  	s1 =	simm.s32 $0x2000  }
0xb3: {  	[tilespmem:s1], [sflag:$0x1] =	stream.indirect_vreg.gather [hbm4b:s7+s3], $0x80, v4, vm0, $0xb8;
	[tilespmem:$0x18800] =	vst v63  }
0xb4: {  	s4 =	simm.s32 $0x2800  }
0xb5: {  	[tilespmem:s4], [sflag:$0x1] =	stream.indirect_vreg.gather [hbm4b:s2+s3], $0x80, v3, vm0, $0xb8;
	[tilespmem:$0x18800] =	vst v63  }
0xb6: {  	s8 =	simm.s32 $0x3000  }
0xb7: {  	[tilespmem:s8], [sflag:$0x1] =	stream.indirect_vreg.gather [hbm4b:s5+s3], $0x80, v3, vm0, $0xb8;
	[tilespmem:$0x18800] =	vst v63  }
0xb8: {  	s10 =	simm.s32 $0x3800  }
0xb9: {  	[tilespmem:s10], [sflag:$0x1] =	stream.indirect_vreg.gather [hbm4b:s6+s3], $0x80, v3, vm0, $0xb8;
	[tilespmem:$0x18800] =	vst v63  }
0xba: {  	s12 =	simm.s32 $0x4000  }
0xbb: {  	[tilespmem:s12], [sflag:$0x1] =	stream.indirect_vreg.gather [hbm4b:s7+s3], $0x80, v3, vm0, $0xb8;
	[tilespmem:$0x18800] =	vst v63  }
0xbc: {  	v3 =	vld [tilespmem:$0x110];
	_ =	sdelay $0x4  }
0xbd: {  	v23 =	vshll.u32 v3, $0x3  }
0xbe: {  	v3 =	vand.u32 $0x7, v3;
	v4 =	vand.u32 $0xFFFFFFC0, v23  }
0xbf: {  	v3 =	vor.u32 v3, v4  }
0xc0: {  	v4 =	vperm.xlane v3, v0;
	_ =	sdelay $0x1  }
0xc1: {  	v4 =	vadd.s32 v1, v4;
	_ =	sdelay $0x3  }
0xc2: {  	s16 =	simm.s32 $0x4800  }
0xc3: {  	[tilespmem:s16], [sflag:$0x1] =	stream.indirect_vreg.gather [hbm4b:s2+s3], $0x80, v4, vm0, $0xb8;
	[tilespmem:$0x18800] =	vst v63  }
0xc4: {  	s18 =	simm.s32 $0x5000;
	v3 =	vperm.xlane v3, v2  }
0xc5: {  	[tilespmem:s18], [sflag:$0x1] =	stream.indirect_vreg.gather [hbm4b:s5+s3], $0x80, v4, vm0, $0xb8;
	[tilespmem:$0x18800] =	vst v63  }
0xc6: {  	v3 =	vadd.s32 v1, v3;
	s18 =	simm.s32 $0x5800  }
0xc7: {  	[tilespmem:s18], [sflag:$0x1] =	stream.indirect_vreg.gather [hbm4b:s6+s3], $0x80, v4, vm0, $0xb8;
	[tilespmem:$0x18800] =	vst v63  }
0xc8: {  	s19 =	simm.s32 $0x6000  }
0xc9: {  	[tilespmem:s19], [sflag:$0x1] =	stream.indirect_vreg.gather [hbm4b:s7+s3], $0x80, v4, vm0, $0xb8;
	[tilespmem:$0x18800] =	vst v63  }
0xca: {  	s20 =	simm.s32 $0x6800  }
0xcb: {  	[tilespmem:s20], [sflag:$0x1] =	stream.indirect_vreg.gather [hbm4b:s2+s3], $0x80, v3, vm0, $0xb8;
	[tilespmem:$0x18800] =	vst v63  }
0xcc: {  	s21 =	simm.s32 $0x7000  }
0xcd: {  	[tilespmem:s21], [sflag:$0x1] =	stream.indirect_vreg.gather [hbm4b:s5+s3], $0x80, v3, vm0, $0xb8;
	[tilespmem:$0x18800] =	vst v63  }
0xce: {  	s22 =	simm.s32 $0x7800  }
0xcf: {  	[tilespmem:s22], [sflag:$0x1] =	stream.indirect_vreg.gather [hbm4b:s6+s3], $0x80, v3, vm0, $0xb8;
	[tilespmem:$0x18800] =	vst v63  }
0xd0: {  	s23 =	simm.s32 $0x8000  }
0xd1: {  	[tilespmem:s23], [sflag:$0x1] =	stream.indirect_vreg.gather [hbm4b:s7+s3], $0x80, v3, vm0, $0xb8;
	[tilespmem:$0x18800] =	vst v63  }
0xd2: {  	v3 =	vld [tilespmem:$0x120];
	_ =	sdelay $0x4  }
0xd3: {  	v24 =	vshll.u32 v3, $0x3  }
0xd4: {  	v3 =	vand.u32 $0x7, v3;
	v4 =	vand.u32 $0xFFFFFFC0, v24  }
0xd5: {  	v3 =	vor.u32 v3, v4  }
0xd6: {  	v4 =	vperm.xlane v3, v0;
	_ =	sdelay $0x1  }
0xd7: {  	v4 =	vadd.s32 v1, v4;
	_ =	sdelay $0x3  }
0xd8: {  	s24 =	simm.s32 $0x8800  }
0xd9: {  	[tilespmem:s24], [sflag:$0x1] =	stream.indirect_vreg.gather [hbm4b:s2+s3], $0x80, v4, vm0, $0xb8;
	[tilespmem:$0x18800] =	vst v63  }
0xda: {  	s25 =	simm.s32 $0x9000;
	v3 =	vperm.xlane v3, v2  }
0xdb: {  	[tilespmem:s25], [sflag:$0x1] =	stream.indirect_vreg.gather [hbm4b:s5+s3], $0x80, v4, vm0, $0xb8;
	[tilespmem:$0x18800] =	vst v63  }
0xdc: {  	s23 =	simm.s32 $0x9800;
	v3 =	vadd.s32 v1, v3  }
0xdd: {  	[tilespmem:s23], [sflag:$0x1] =	stream.indirect_vreg.gather [hbm4b:s6+s3], $0x80, v4, vm0, $0xb8;
	[tilespmem:$0x18800] =	vst v63  }
0xde: {  	s24 =	simm.s32 $0xA000  }
0xdf: {  	[tilespmem:s24], [sflag:$0x1] =	stream.indirect_vreg.gather [hbm4b:s7+s3], $0x80, v4, vm0, $0xb8;
	[tilespmem:$0x18800] =	vst v63  }
0xe0: {  	s25 =	simm.s32 $0xA800  }
0xe1: {  	[tilespmem:s25], [sflag:$0x1] =	stream.indirect_vreg.gather [hbm4b:s2+s3], $0x80, v3, vm0, $0xb8;
	[tilespmem:$0x18800] =	vst v63  }
0xe2: {  	s12 =	simm.s32 $0xB000  }
0xe3: {  	[tilespmem:s12], [sflag:$0x1] =	stream.indirect_vreg.gather [hbm4b:s5+s3], $0x80, v3, vm0, $0xb8;
	[tilespmem:$0x18800] =	vst v63  }
0xe4: {  	s16 =	simm.s32 $0xB800  }
0xe5: {  	[tilespmem:s16], [sflag:$0x1] =	stream.indirect_vreg.gather [hbm4b:s6+s3], $0x80, v3, vm0, $0xb8;
	[tilespmem:$0x18800] =	vst v63  }
0xe6: {  	s26 =	simm.s32 $0xC000  }
0xe7: {  	[tilespmem:s26], [sflag:$0x1] =	stream.indirect_vreg.gather [hbm4b:s7+s3], $0x80, v3, vm0, $0xb8;
	[tilespmem:$0x18800] =	vst v63  }
0xe8: {  	_ =	swait.ge [sflag:s14], $0xC000  }
0xe9: {  	[sflag:s14] =	ssyncset.done $0x0  }
0xea: {  	s26 =	rddreg [dreg:$0x4];
	[sflag:s14] =	ssyncadd.s32 $0xFFFF4000  }
0xeb: {  	[hbm4b:s26+s3] =	stream.linear.scatter [tilespmem:s11], [sflag:$0x3], $0xC000, $0x38;
	[tilespmem:$0x18800] =	vst v63  }
0xec: {  	_ =	swait.ge [sflag:s9], $0xC000  }
0xed: {  	[sflag:s9] =	ssyncset.done $0x0  }
0xee: {  	[sflag:s9] =	ssyncadd.s32 $0xFFFF4000  }
0xef: {  	v3 =	vld [tilespmem:$0x180];
	_ =	sdelay $0x4  }
0xf0: {  	v25 =	vshll.u32 v3, $0x3  }
0xf1: {  	v3 =	vand.u32 $0x7, v3;
	v4 =	vand.u32 $0xFFFFFFC0, v25  }
0xf2: {  	v3 =	vor.u32 v3, v4  }
0xf3: {  	v4 =	vperm.xlane v3, v0;
	_ =	sdelay $0x1  }
0xf4: {  	v4 =	vadd.s32 v1, v4;
	_ =	sdelay $0x4  }
0xf5: {  	[tilespmem:s11], [sflag:$0x2] =	stream.indirect_vreg.gather [hbm4b:s2+s3], $0x80, v4, vm0, $0xb8;
	[tilespmem:$0x18800] =	vst v63  }
0xf6: {  	s26 =	simm.s32 $0xD000;
	v3 =	vperm.xlane v3, v2  }
0xf7: {  	[tilespmem:s26], [sflag:$0x2] =	stream.indirect_vreg.gather [hbm4b:s5+s3], $0x80, v4, vm0, $0xb8;
	[tilespmem:$0x18800] =	vst v63  }
0xf8: {  	v3 =	vadd.s32 v1, v3;
	s26 =	simm.s32 $0xD800  }
0xf9: {  	[tilespmem:s26], [sflag:$0x2] =	stream.indirect_vreg.gather [hbm4b:s6+s3], $0x80, v4, vm0, $0xb8;
	[tilespmem:$0x18800] =	vst v63  }
0xfa: {  	s15 =	simm.s32 $0xE000  }
0xfb: {  	[tilespmem:s15], [sflag:$0x2] =	stream.indirect_vreg.gather [hbm4b:s7+s3], $0x80, v4, vm0, $0xb8;
	[tilespmem:$0x18800] =	vst v63  }
0xfc: {  	s15 =	simm.s32 $0xE800  }
0xfd: {  	[tilespmem:s15], [sflag:$0x2] =	stream.indirect_vreg.gather [hbm4b:s2+s3], $0x80, v3, vm0, $0xb8;
	[tilespmem:$0x18800] =	vst v63  }
0xfe: {  	s15 =	simm.s32 $0xF000  }
0xff: {  	[tilespmem:s15], [sflag:$0x2] =	stream.indirect_vreg.gather [hbm4b:s5+s3], $0x80, v3, vm0, $0xb8;
	[tilespmem:$0x18800] =	vst v63  }
0x100: {  	s15 =	simm.s32 $0xF800  }
0x101: {  	[tilespmem:s15], [sflag:$0x2] =	stream.indirect_vreg.gather [hbm4b:s6+s3], $0x80, v3, vm0, $0xb8;
	[tilespmem:$0x18800] =	vst v63  }
0x102: {  	s28 =	simm.s32 $0x10000  }
0x103: {  	[tilespmem:s28], [sflag:$0x2] =	stream.indirect_vreg.gather [hbm4b:s7+s3], $0x80, v3, vm0, $0xb8;
	[tilespmem:$0x18800] =	vst v63  }
0x104: {  	v3 =	vld [tilespmem:$0x190];
	_ =	sdelay $0x4  }
0x105: {  	v26 =	vshll.u32 v3, $0x3  }
0x106: {  	v3 =	vand.u32 $0x7, v3;
	v4 =	vand.u32 $0xFFFFFFC0, v26  }
0x107: {  	v3 =	vor.u32 v3, v4  }
0x108: {  	v4 =	vperm.xlane v3, v0;
	_ =	sdelay $0x1  }
0x109: {  	v4 =	vadd.s32 v1, v4;
	_ =	sdelay $0x3  }
0x10a: {  	s29 =	simm.s32 $0x10800  }
0x10b: {  	[tilespmem:s29], [sflag:$0x2] =	stream.indirect_vreg.gather [hbm4b:s2+s3], $0x80, v4, vm0, $0xb8;
	[tilespmem:$0x18800] =	vst v63  }
0x10c: {  	s30 =	simm.s32 $0x11000;
	v3 =	vperm.xlane v3, v2  }
0x10d: {  	[tilespmem:s30], [sflag:$0x2] =	stream.indirect_vreg.gather [hbm4b:s5+s3], $0x80, v4, vm0, $0xb8;
	[tilespmem:$0x18800] =	vst v63  }
0x10e: {  	s28 =	simm.s32 $0x11800;
	v3 =	vadd.s32 v1, v3  }
0x10f: {  	[tilespmem:s28], [sflag:$0x2] =	stream.indirect_vreg.gather [hbm4b:s6+s3], $0x80, v4, vm0, $0xb8;
	[tilespmem:$0x18800] =	vst v63  }
0x110: {  	s29 =	simm.s32 $0x12000  }
0x111: {  	[tilespmem:s29], [sflag:$0x2] =	stream.indirect_vreg.gather [hbm4b:s7+s3], $0x80, v4, vm0, $0xb8;
	[tilespmem:$0x18800] =	vst v63  }
0x112: {  	s30 =	simm.s32 $0x12800  }
0x113: {  	[tilespmem:s30], [sflag:$0x2] =	stream.indirect_vreg.gather [hbm4b:s2+s3], $0x80, v3, vm0, $0xb8;
	[tilespmem:$0x18800] =	vst v63  }
0x114: {  	s15 =	simm.s32 $0x13000  }
0x115: {  	[tilespmem:s15], [sflag:$0x2] =	stream.indirect_vreg.gather [hbm4b:s5+s3], $0x80, v3, vm0, $0xb8;
	[tilespmem:$0x18800] =	vst v63  }
0x116: {  	s15 =	simm.s32 $0x13800  }
0x117: {  	[tilespmem:s15], [sflag:$0x2] =	stream.indirect_vreg.gather [hbm4b:s6+s3], $0x80, v3, vm0, $0xb8;
	[tilespmem:$0x18800] =	vst v63  }
0x118: {  	s31 =	simm.s32 $0x14000  }
0x119: {  	[tilespmem:s31], [sflag:$0x2] =	stream.indirect_vreg.gather [hbm4b:s7+s3], $0x80, v3, vm0, $0xb8;
	[tilespmem:$0x18800] =	vst v63  }
0x11a: {  	v3 =	vld [tilespmem:$0x1A0];
	_ =	sdelay $0x4  }
0x11b: {  	v27 =	vshll.u32 v3, $0x3  }
0x11c: {  	v3 =	vand.u32 $0x7, v3;
	v4 =	vand.u32 $0xFFFFFFC0, v27  }
0x11d: {  	v3 =	vor.u32 v3, v4  }
0x11e: {  	v4 =	vperm.xlane v3, v0;
	_ =	sdelay $0x1  }
0x11f: {  	v4 =	vadd.s32 v1, v4;
	_ =	sdelay $0x3  }
0x120: {  	s31 =	simm.s32 $0x14800  }
0x121: {  	[tilespmem:s31], [sflag:$0x2] =	stream.indirect_vreg.gather [hbm4b:s2+s3], $0x80, v4, vm0, $0xb8;
	[tilespmem:$0x18800] =	vst v63  }
0x122: {  	v3 =	vperm.xlane v3, v2;
	s31 =	simm.s32 $0x15000  }
0x123: {  	[tilespmem:s31], [sflag:$0x2] =	stream.indirect_vreg.gather [hbm4b:s5+s3], $0x80, v4, vm0, $0xb8;
	[tilespmem:$0x18800] =	vst v63  }
0x124: {  	v3 =	vadd.s32 v1, v3;
	s31 =	simm.s32 $0x15800  }
0x125: {  	[tilespmem:s31], [sflag:$0x2] =	stream.indirect_vreg.gather [hbm4b:s6+s3], $0x80, v4, vm0, $0xb8;
	[tilespmem:$0x18800] =	vst v63  }
0x126: {  	s15 =	simm.s32 $0x16000  }
0x127: {  	[tilespmem:s15], [sflag:$0x2] =	stream.indirect_vreg.gather [hbm4b:s7+s3], $0x80, v4, vm0, $0xb8;
	[tilespmem:$0x18800] =	vst v63  }
0x128: {  	s15 =	simm.s32 $0x16800  }
0x129: {  	[tilespmem:s15], [sflag:$0x2] =	stream.indirect_vreg.gather [hbm4b:s2+s3], $0x80, v3, vm0, $0xb8;
	[tilespmem:$0x18800] =	vst v63  }
0x12a: {  	s15 =	simm.s32 $0x17000  }
0x12b: {  	[tilespmem:s15], [sflag:$0x2] =	stream.indirect_vreg.gather [hbm4b:s5+s3], $0x80, v3, vm0, $0xb8;
	[tilespmem:$0x18800] =	vst v63  }
0x12c: {  	s15 =	simm.s32 $0x17800  }
0x12d: {  	[tilespmem:s15], [sflag:$0x2] =	stream.indirect_vreg.gather [hbm4b:s6+s3], $0x80, v3, vm0, $0xb8;
	[tilespmem:$0x18800] =	vst v63  }
0x12e: {  	s15 =	simm.s32 $0x18000  }
0x12f: {  	[tilespmem:s15], [sflag:$0x2] =	stream.indirect_vreg.gather [hbm4b:s7+s3], $0x80, v3, vm0, $0xb8;
	[tilespmem:$0x18800] =	vst v63  }
0x130: {  	_ =	swait.ge [sflag:s13], $0xC000  }
0x131: {  	[sflag:s13] =	ssyncset.done $0x0  }
0x132: {  	s15 =	rddreg [dreg:$0x5];
	[sflag:s13] =	ssyncadd.s32 $0xFFFF4000  }
0x133: {  	[hbm4b:s15+s3] =	stream.linear.scatter [tilespmem:s17], [sflag:$0x3], $0xC000, $0x38;
	[tilespmem:$0x18800] =	vst v63  }
0x134: {  	_ =	swait.ge [sflag:s9], $0xC000  }
0x135: {  	[sflag:s9] =	ssyncset.done $0x0  }
0x136: {  	[sflag:s9] =	ssyncadd.s32 $0xFFFF4000  }
0x137: {  	v3 =	vld [tilespmem:$0x200];
	_ =	sdelay $0x4  }
0x138: {  	v28 =	vshll.u32 v3, $0x3  }
0x139: {  	v3 =	vand.u32 $0x7, v3;
	v4 =	vand.u32 $0xFFFFFFC0, v28  }
0x13a: {  	v3 =	vor.u32 v3, v4  }
0x13b: {  	v4 =	vperm.xlane v3, v0;
	_ =	sdelay $0x1  }
0x13c: {  	v4 =	vadd.s32 v1, v4;
	_ =	sdelay $0x4  }
0x13d: {  	[tilespmem:s17], [sflag:$0x1] =	stream.indirect_vreg.gather [hbm4b:s2+s3], $0x80, v4, vm0, $0xb8;
	[tilespmem:$0x18800] =	vst v63  }
0x13e: {  	s15 =	simm.s32 $0x1000;
	v3 =	vperm.xlane v3, v2  }
0x13f: {  	[tilespmem:s15], [sflag:$0x1] =	stream.indirect_vreg.gather [hbm4b:s5+s3], $0x80, v4, vm0, $0xb8;
	[tilespmem:$0x18800] =	vst v63  }
0x140: {  	v3 =	vadd.s32 v1, v3  }
0x141: {  	[tilespmem:s0], [sflag:$0x1] =	stream.indirect_vreg.gather [hbm4b:s6+s3], $0x80, v4, vm0, $0xb8;
	[tilespmem:$0x18800] =	vst v63  }
0x142: {  	_ = 	snop  }
0x143: {  	[tilespmem:s1], [sflag:$0x1] =	stream.indirect_vreg.gather [hbm4b:s7+s3], $0x80, v4, vm0, $0xb8;
	[tilespmem:$0x18800] =	vst v63  }
0x144: {  	_ = 	snop  }
0x145: {  	[tilespmem:s4], [sflag:$0x1] =	stream.indirect_vreg.gather [hbm4b:s2+s3], $0x80, v3, vm0, $0xb8;
	[tilespmem:$0x18800] =	vst v63  }
0x146: {  	_ = 	snop  }
0x147: {  	[tilespmem:s8], [sflag:$0x1] =	stream.indirect_vreg.gather [hbm4b:s5+s3], $0x80, v3, vm0, $0xb8;
	[tilespmem:$0x18800] =	vst v63  }
0x148: {  	_ = 	snop  }
0x149: {  	[tilespmem:s10], [sflag:$0x1] =	stream.indirect_vreg.gather [hbm4b:s6+s3], $0x80, v3, vm0, $0xb8;
	[tilespmem:$0x18800] =	vst v63  }
0x14a: {  	s15 =	simm.s32 $0x4000  }
0x14b: {  	[tilespmem:s15], [sflag:$0x1] =	stream.indirect_vreg.gather [hbm4b:s7+s3], $0x80, v3, vm0, $0xb8;
	[tilespmem:$0x18800] =	vst v63  }
0x14c: {  	v3 =	vld [tilespmem:$0x210];
	_ =	sdelay $0x4  }
0x14d: {  	v29 =	vshll.u32 v3, $0x3  }
0x14e: {  	v3 =	vand.u32 $0x7, v3;
	v4 =	vand.u32 $0xFFFFFFC0, v29  }
0x14f: {  	v3 =	vor.u32 v3, v4  }
0x150: {  	v4 =	vperm.xlane v3, v0;
	_ =	sdelay $0x1  }
0x151: {  	v4 =	vadd.s32 v1, v4;
	_ =	sdelay $0x3  }
0x152: {  	s15 =	simm.s32 $0x4800  }
0x153: {  	[tilespmem:s15], [sflag:$0x1] =	stream.indirect_vreg.gather [hbm4b:s2+s3], $0x80, v4, vm0, $0xb8;
	[tilespmem:$0x18800] =	vst v63  }
0x154: {  	v3 =	vperm.xlane v3, v2;
	s15 =	simm.s32 $0x5000  }
0x155: {  	[tilespmem:s15], [sflag:$0x1] =	stream.indirect_vreg.gather [hbm4b:s5+s3], $0x80, v4, vm0, $0xb8;
	[tilespmem:$0x18800] =	vst v63  }
0x156: {  	v3 =	vadd.s32 v1, v3  }
0x157: {  	[tilespmem:s18], [sflag:$0x1] =	stream.indirect_vreg.gather [hbm4b:s6+s3], $0x80, v4, vm0, $0xb8;
	[tilespmem:$0x18800] =	vst v63  }
0x158: {  	_ = 	snop  }
0x159: {  	[tilespmem:s19], [sflag:$0x1] =	stream.indirect_vreg.gather [hbm4b:s7+s3], $0x80, v4, vm0, $0xb8;
	[tilespmem:$0x18800] =	vst v63  }
0x15a: {  	_ = 	snop  }
0x15b: {  	[tilespmem:s20], [sflag:$0x1] =	stream.indirect_vreg.gather [hbm4b:s2+s3], $0x80, v3, vm0, $0xb8;
	[tilespmem:$0x18800] =	vst v63  }
0x15c: {  	_ = 	snop  }
0x15d: {  	[tilespmem:s21], [sflag:$0x1] =	stream.indirect_vreg.gather [hbm4b:s5+s3], $0x80, v3, vm0, $0xb8;
	[tilespmem:$0x18800] =	vst v63  }
0x15e: {  	_ = 	snop  }
0x15f: {  	[tilespmem:s22], [sflag:$0x1] =	stream.indirect_vreg.gather [hbm4b:s6+s3], $0x80, v3, vm0, $0xb8;
	[tilespmem:$0x18800] =	vst v63  }
0x160: {  	s22 =	simm.s32 $0x8000  }
0x161: {  	[tilespmem:s22], [sflag:$0x1] =	stream.indirect_vreg.gather [hbm4b:s7+s3], $0x80, v3, vm0, $0xb8;
	[tilespmem:$0x18800] =	vst v63  }
0x162: {  	v3 =	vld [tilespmem:$0x220];
	_ =	sdelay $0x4  }
0x163: {  	v30 =	vshll.u32 v3, $0x3  }
0x164: {  	v3 =	vand.u32 $0x7, v3;
	v4 =	vand.u32 $0xFFFFFFC0, v30  }
0x165: {  	v3 =	vor.u32 v3, v4  }
0x166: {  	v4 =	vperm.xlane v3, v0;
	_ =	sdelay $0x1  }
0x167: {  	v4 =	vadd.s32 v1, v4;
	_ =	sdelay $0x3  }
0x168: {  	s22 =	simm.s32 $0x8800  }
0x169: {  	[tilespmem:s22], [sflag:$0x1] =	stream.indirect_vreg.gather [hbm4b:s2+s3], $0x80, v4, vm0, $0xb8;
	[tilespmem:$0x18800] =	vst v63  }
0x16a: {  	v3 =	vperm.xlane v3, v2;
	s22 =	simm.s32 $0x9000  }
0x16b: {  	[tilespmem:s22], [sflag:$0x1] =	stream.indirect_vreg.gather [hbm4b:s5+s3], $0x80, v4, vm0, $0xb8;
	[tilespmem:$0x18800] =	vst v63  }
0x16c: {  	v3 =	vadd.s32 v1, v3  }
0x16d: {  	[tilespmem:s23], [sflag:$0x1] =	stream.indirect_vreg.gather [hbm4b:s6+s3], $0x80, v4, vm0, $0xb8;
	[tilespmem:$0x18800] =	vst v63  }
0x16e: {  	_ = 	snop  }
0x16f: {  	[tilespmem:s24], [sflag:$0x1] =	stream.indirect_vreg.gather [hbm4b:s7+s3], $0x80, v4, vm0, $0xb8;
	[tilespmem:$0x18800] =	vst v63  }
0x170: {  	_ = 	snop  }
0x171: {  	[tilespmem:s25], [sflag:$0x1] =	stream.indirect_vreg.gather [hbm4b:s2+s3], $0x80, v3, vm0, $0xb8;
	[tilespmem:$0x18800] =	vst v63  }
0x172: {  	_ = 	snop  }
0x173: {  	[tilespmem:s12], [sflag:$0x1] =	stream.indirect_vreg.gather [hbm4b:s5+s3], $0x80, v3, vm0, $0xb8;
	[tilespmem:$0x18800] =	vst v63  }
0x174: {  	_ = 	snop  }
0x175: {  	[tilespmem:s16], [sflag:$0x1] =	stream.indirect_vreg.gather [hbm4b:s6+s3], $0x80, v3, vm0, $0xb8;
	[tilespmem:$0x18800] =	vst v63  }
0x176: {  	s25 =	simm.s32 $0xC000  }
0x177: {  	[tilespmem:s25], [sflag:$0x1] =	stream.indirect_vreg.gather [hbm4b:s7+s3], $0x80, v3, vm0, $0xb8;
	[tilespmem:$0x18800] =	vst v63  }
0x178: {  	_ =	swait.ge [sflag:s14], $0xC000  }
0x179: {  	[sflag:s14] =	ssyncset.done $0x0  }
0x17a: {  	s25 =	rddreg [dreg:$0x6];
	[sflag:s14] =	ssyncadd.s32 $0xFFFF4000  }
0x17b: {  	[hbm4b:s25+s3] =	stream.linear.scatter [tilespmem:s11], [sflag:$0x3], $0xC000, $0x38;
	[tilespmem:$0x18800] =	vst v63  }
0x17c: {  	_ =	swait.ge [sflag:s9], $0xC000  }
0x17d: {  	[sflag:s9] =	ssyncset.done $0x0  }
0x17e: {  	[sflag:s9] =	ssyncadd.s32 $0xFFFF4000  }
0x17f: {  	v3 =	vld [tilespmem:$0x280];
	_ =	sdelay $0x4  }
0x180: {  	v31 =	vshll.u32 v3, $0x3  }
0x181: {  	v3 =	vand.u32 $0x7, v3;
	v4 =	vand.u32 $0xFFFFFFC0, v31  }
0x182: {  	v3 =	vor.u32 v3, v4  }
0x183: {  	v4 =	vperm.xlane v3, v0;
	_ =	sdelay $0x1  }
0x184: {  	v4 =	vadd.s32 v1, v4;
	_ =	sdelay $0x4  }
0x185: {  	[tilespmem:s11], [sflag:$0x2] =	stream.indirect_vreg.gather [hbm4b:s2+s3], $0x80, v4, vm0, $0xb8;
	[tilespmem:$0x18800] =	vst v63  }
0x186: {  	s25 =	simm.s32 $0xD000;
	v3 =	vperm.xlane v3, v2  }
0x187: {  	[tilespmem:s25], [sflag:$0x2] =	stream.indirect_vreg.gather [hbm4b:s5+s3], $0x80, v4, vm0, $0xb8;
	[tilespmem:$0x18800] =	vst v63  }
0x188: {  	s26 =	simm.s32 $0xD800;
	v3 =	vadd.s32 v1, v3  }
0x189: {  	[tilespmem:s26], [sflag:$0x2] =	stream.indirect_vreg.gather [hbm4b:s6+s3], $0x80, v4, vm0, $0xb8;
	[tilespmem:$0x18800] =	vst v63  }
0x18a: {  	s26 =	simm.s32 $0xE000  }
0x18b: {  	[tilespmem:s26], [sflag:$0x2] =	stream.indirect_vreg.gather [hbm4b:s7+s3], $0x80, v4, vm0, $0xb8;
	[tilespmem:$0x18800] =	vst v63  }
0x18c: {  	s15 =	simm.s32 $0xE800  }
0x18d: {  	[tilespmem:s15], [sflag:$0x2] =	stream.indirect_vreg.gather [hbm4b:s2+s3], $0x80, v3, vm0, $0xb8;
	[tilespmem:$0x18800] =	vst v63  }
0x18e: {  	s15 =	simm.s32 $0xF000  }
0x18f: {  	[tilespmem:s15], [sflag:$0x2] =	stream.indirect_vreg.gather [hbm4b:s5+s3], $0x80, v3, vm0, $0xb8;
	[tilespmem:$0x18800] =	vst v63  }
0x190: {  	s15 =	simm.s32 $0xF800  }
0x191: {  	[tilespmem:s15], [sflag:$0x2] =	stream.indirect_vreg.gather [hbm4b:s6+s3], $0x80, v3, vm0, $0xb8;
	[tilespmem:$0x18800] =	vst v63  }
0x192: {  	s15 =	simm.s32 $0x10000  }
0x193: {  	[tilespmem:s15], [sflag:$0x2] =	stream.indirect_vreg.gather [hbm4b:s7+s3], $0x80, v3, vm0, $0xb8;
	[tilespmem:$0x18800] =	vst v63  }
0x194: {  	v3 =	vld [tilespmem:$0x290];
	_ =	sdelay $0x4  }
0x195: {  	v32 =	vshll.u32 v3, $0x3  }
0x196: {  	v3 =	vand.u32 $0x7, v3;
	v4 =	vand.u32 $0xFFFFFFC0, v32  }
0x197: {  	v3 =	vor.u32 v3, v4  }
0x198: {  	v4 =	vperm.xlane v3, v0;
	_ =	sdelay $0x1  }
0x199: {  	v4 =	vadd.s32 v1, v4;
	_ =	sdelay $0x3  }
0x19a: {  	s15 =	simm.s32 $0x10800  }
0x19b: {  	[tilespmem:s15], [sflag:$0x2] =	stream.indirect_vreg.gather [hbm4b:s2+s3], $0x80, v4, vm0, $0xb8;
	[tilespmem:$0x18800] =	vst v63  }
0x19c: {  	v3 =	vperm.xlane v3, v2;
	s15 =	simm.s32 $0x11000  }
0x19d: {  	[tilespmem:s15], [sflag:$0x2] =	stream.indirect_vreg.gather [hbm4b:s5+s3], $0x80, v4, vm0, $0xb8;
	[tilespmem:$0x18800] =	vst v63  }
0x19e: {  	s28 =	simm.s32 $0x11800;
	v3 =	vadd.s32 v1, v3  }
0x19f: {  	[tilespmem:s28], [sflag:$0x2] =	stream.indirect_vreg.gather [hbm4b:s6+s3], $0x80, v4, vm0, $0xb8;
	[tilespmem:$0x18800] =	vst v63  }
0x1a0: {  	s29 =	simm.s32 $0x12000  }
0x1a1: {  	[tilespmem:s29], [sflag:$0x2] =	stream.indirect_vreg.gather [hbm4b:s7+s3], $0x80, v4, vm0, $0xb8;
	[tilespmem:$0x18800] =	vst v63  }
0x1a2: {  	s30 =	simm.s32 $0x12800  }
0x1a3: {  	[tilespmem:s30], [sflag:$0x2] =	stream.indirect_vreg.gather [hbm4b:s2+s3], $0x80, v3, vm0, $0xb8;
	[tilespmem:$0x18800] =	vst v63  }
0x1a4: {  	s15 =	simm.s32 $0x13000  }
0x1a5: {  	[tilespmem:s15], [sflag:$0x2] =	stream.indirect_vreg.gather [hbm4b:s5+s3], $0x80, v3, vm0, $0xb8;
	[tilespmem:$0x18800] =	vst v63  }
0x1a6: {  	s15 =	simm.s32 $0x13800  }
0x1a7: {  	[tilespmem:s15], [sflag:$0x2] =	stream.indirect_vreg.gather [hbm4b:s6+s3], $0x80, v3, vm0, $0xb8;
	[tilespmem:$0x18800] =	vst v63  }
0x1a8: {  	s15 =	simm.s32 $0x14000  }
0x1a9: {  	[tilespmem:s15], [sflag:$0x2] =	stream.indirect_vreg.gather [hbm4b:s7+s3], $0x80, v3, vm0, $0xb8;
	[tilespmem:$0x18800] =	vst v63  }
0x1aa: {  	v3 =	vld [tilespmem:$0x2A0];
	_ =	sdelay $0x4  }
0x1ab: {  	v33 =	vshll.u32 v3, $0x3  }
0x1ac: {  	v3 =	vand.u32 $0x7, v3;
	v4 =	vand.u32 $0xFFFFFFC0, v33  }
0x1ad: {  	v3 =	vor.u32 v3, v4  }
0x1ae: {  	v4 =	vperm.xlane v3, v0;
	_ =	sdelay $0x1  }
0x1af: {  	v4 =	vadd.s32 v1, v4;
	_ =	sdelay $0x3  }
0x1b0: {  	s15 =	simm.s32 $0x14800  }
0x1b1: {  	[tilespmem:s15], [sflag:$0x2] =	stream.indirect_vreg.gather [hbm4b:s2+s3], $0x80, v4, vm0, $0xb8;
	[tilespmem:$0x18800] =	vst v63  }
0x1b2: {  	v3 =	vperm.xlane v3, v2;
	s15 =	simm.s32 $0x15000  }
0x1b3: {  	[tilespmem:s15], [sflag:$0x2] =	stream.indirect_vreg.gather [hbm4b:s5+s3], $0x80, v4, vm0, $0xb8;
	[tilespmem:$0x18800] =	vst v63  }
0x1b4: {  	s31 =	simm.s32 $0x15800;
	v3 =	vadd.s32 v1, v3  }
0x1b5: {  	[tilespmem:s31], [sflag:$0x2] =	stream.indirect_vreg.gather [hbm4b:s6+s3], $0x80, v4, vm0, $0xb8;
	[tilespmem:$0x18800] =	vst v63  }
0x1b6: {  	s15 =	simm.s32 $0x16000  }
0x1b7: {  	[tilespmem:s15], [sflag:$0x2] =	stream.indirect_vreg.gather [hbm4b:s7+s3], $0x80, v4, vm0, $0xb8;
	[tilespmem:$0x18800] =	vst v63  }
0x1b8: {  	s15 =	simm.s32 $0x16800  }
0x1b9: {  	[tilespmem:s15], [sflag:$0x2] =	stream.indirect_vreg.gather [hbm4b:s2+s3], $0x80, v3, vm0, $0xb8;
	[tilespmem:$0x18800] =	vst v63  }
0x1ba: {  	s15 =	simm.s32 $0x17000  }
0x1bb: {  	[tilespmem:s15], [sflag:$0x2] =	stream.indirect_vreg.gather [hbm4b:s5+s3], $0x80, v3, vm0, $0xb8;
	[tilespmem:$0x18800] =	vst v63  }
0x1bc: {  	s15 =	simm.s32 $0x17800  }
0x1bd: {  	[tilespmem:s15], [sflag:$0x2] =	stream.indirect_vreg.gather [hbm4b:s6+s3], $0x80, v3, vm0, $0xb8;
	[tilespmem:$0x18800] =	vst v63  }
0x1be: {  	s15 =	simm.s32 $0x18000  }
0x1bf: {  	[tilespmem:s15], [sflag:$0x2] =	stream.indirect_vreg.gather [hbm4b:s7+s3], $0x80, v3, vm0, $0xb8;
	[tilespmem:$0x18800] =	vst v63  }
0x1c0: {  	_ =	swait.ge [sflag:s13], $0xC000  }
0x1c1: {  	[sflag:s13] =	ssyncset.done $0x0  }
0x1c2: {  	s15 =	rddreg [dreg:$0x7];
	[sflag:s13] =	ssyncadd.s32 $0xFFFF4000  }
0x1c3: {  	[hbm4b:s15+s3] =	stream.linear.scatter [tilespmem:s17], [sflag:$0x3], $0xC000, $0x38;
	[tilespmem:$0x18800] =	vst v63  }
0x1c4: {  	_ =	swait.ge [sflag:s9], $0xC000  }
0x1c5: {  	[sflag:s9] =	ssyncset.done $0x0  }
0x1c6: {  	[sflag:s9] =	ssyncadd.s32 $0xFFFF4000  }
0x1c7: {  	v3 =	vld [tilespmem:$0x300];
	_ =	sdelay $0x4  }
0x1c8: {  	v34 =	vshll.u32 v3, $0x3  }
0x1c9: {  	v3 =	vand.u32 $0x7, v3;
	v4 =	vand.u32 $0xFFFFFFC0, v34  }
0x1ca: {  	v3 =	vor.u32 v3, v4  }
0x1cb: {  	v4 =	vperm.xlane v3, v0;
	_ =	sdelay $0x1  }
0x1cc: {  	v4 =	vadd.s32 v1, v4;
	_ =	sdelay $0x4  }
0x1cd: {  	[tilespmem:s17], [sflag:$0x1] =	stream.indirect_vreg.gather [hbm4b:s2+s3], $0x80, v4, vm0, $0xb8;
	[tilespmem:$0x18800] =	vst v63  }
0x1ce: {  	s15 =	simm.s32 $0x1000;
	v3 =	vperm.xlane v3, v2  }
0x1cf: {  	[tilespmem:s15], [sflag:$0x1] =	stream.indirect_vreg.gather [hbm4b:s5+s3], $0x80, v4, vm0, $0xb8;
	[tilespmem:$0x18800] =	vst v63  }
0x1d0: {  	v3 =	vadd.s32 v1, v3;
	s15 =	simm.s32 $0x1800  }
0x1d1: {  	[tilespmem:s15], [sflag:$0x1] =	stream.indirect_vreg.gather [hbm4b:s6+s3], $0x80, v4, vm0, $0xb8;
	[tilespmem:$0x18800] =	vst v63  }
0x1d2: {  	s0 =	simm.s32 $0x2000  }
0x1d3: {  	[tilespmem:s0], [sflag:$0x1] =	stream.indirect_vreg.gather [hbm4b:s7+s3], $0x80, v4, vm0, $0xb8;
	[tilespmem:$0x18800] =	vst v63  }
0x1d4: {  	s4 =	simm.s32 $0x2800  }
0x1d5: {  	[tilespmem:s4], [sflag:$0x1] =	stream.indirect_vreg.gather [hbm4b:s2+s3], $0x80, v3, vm0, $0xb8;
	[tilespmem:$0x18800] =	vst v63  }
0x1d6: {  	s8 =	simm.s32 $0x3000  }
0x1d7: {  	[tilespmem:s8], [sflag:$0x1] =	stream.indirect_vreg.gather [hbm4b:s5+s3], $0x80, v3, vm0, $0xb8;
	[tilespmem:$0x18800] =	vst v63  }
0x1d8: {  	s10 =	simm.s32 $0x3800  }
0x1d9: {  	[tilespmem:s10], [sflag:$0x1] =	stream.indirect_vreg.gather [hbm4b:s6+s3], $0x80, v3, vm0, $0xb8;
	[tilespmem:$0x18800] =	vst v63  }
0x1da: {  	s15 =	simm.s32 $0x4000  }
0x1db: {  	[tilespmem:s15], [sflag:$0x1] =	stream.indirect_vreg.gather [hbm4b:s7+s3], $0x80, v3, vm0, $0xb8;
	[tilespmem:$0x18800] =	vst v63  }
0x1dc: {  	v3 =	vld [tilespmem:$0x310];
	_ =	sdelay $0x4  }
0x1dd: {  	v35 =	vshll.u32 v3, $0x3  }
0x1de: {  	v3 =	vand.u32 $0x7, v3;
	v4 =	vand.u32 $0xFFFFFFC0, v35  }
0x1df: {  	v3 =	vor.u32 v3, v4  }
0x1e0: {  	v4 =	vperm.xlane v3, v0;
	_ =	sdelay $0x1  }
0x1e1: {  	v4 =	vadd.s32 v1, v4;
	_ =	sdelay $0x3  }
0x1e2: {  	s15 =	simm.s32 $0x4800  }
0x1e3: {  	[tilespmem:s15], [sflag:$0x1] =	stream.indirect_vreg.gather [hbm4b:s2+s3], $0x80, v4, vm0, $0xb8;
	[tilespmem:$0x18800] =	vst v63  }
0x1e4: {  	v3 =	vperm.xlane v3, v2;
	s15 =	simm.s32 $0x5000  }
0x1e5: {  	[tilespmem:s15], [sflag:$0x1] =	stream.indirect_vreg.gather [hbm4b:s5+s3], $0x80, v4, vm0, $0xb8;
	[tilespmem:$0x18800] =	vst v63  }
0x1e6: {  	s1 =	simm.s32 $0x5800;
	v3 =	vadd.s32 v1, v3  }
0x1e7: {  	[tilespmem:s1], [sflag:$0x1] =	stream.indirect_vreg.gather [hbm4b:s6+s3], $0x80, v4, vm0, $0xb8;
	[tilespmem:$0x18800] =	vst v63  }
0x1e8: {  	s18 =	simm.s32 $0x6000  }
0x1e9: {  	[tilespmem:s18], [sflag:$0x1] =	stream.indirect_vreg.gather [hbm4b:s7+s3], $0x80, v4, vm0, $0xb8;
	[tilespmem:$0x18800] =	vst v63  }
0x1ea: {  	s19 =	simm.s32 $0x6800  }
0x1eb: {  	[tilespmem:s19], [sflag:$0x1] =	stream.indirect_vreg.gather [hbm4b:s2+s3], $0x80, v3, vm0, $0xb8;
	[tilespmem:$0x18800] =	vst v63  }
0x1ec: {  	s20 =	simm.s32 $0x7000  }
0x1ed: {  	[tilespmem:s20], [sflag:$0x1] =	stream.indirect_vreg.gather [hbm4b:s5+s3], $0x80, v3, vm0, $0xb8;
	[tilespmem:$0x18800] =	vst v63  }
0x1ee: {  	s21 =	simm.s32 $0x7800  }
0x1ef: {  	[tilespmem:s21], [sflag:$0x1] =	stream.indirect_vreg.gather [hbm4b:s6+s3], $0x80, v3, vm0, $0xb8;
	[tilespmem:$0x18800] =	vst v63  }
0x1f0: {  	s15 =	simm.s32 $0x8000  }
0x1f1: {  	[tilespmem:s15], [sflag:$0x1] =	stream.indirect_vreg.gather [hbm4b:s7+s3], $0x80, v3, vm0, $0xb8;
	[tilespmem:$0x18800] =	vst v63  }
0x1f2: {  	v3 =	vld [tilespmem:$0x320];
	_ =	sdelay $0x4  }
0x1f3: {  	v36 =	vshll.u32 v3, $0x3  }
0x1f4: {  	v3 =	vand.u32 $0x7, v3;
	v4 =	vand.u32 $0xFFFFFFC0, v36  }
0x1f5: {  	v3 =	vor.u32 v3, v4  }
0x1f6: {  	v4 =	vperm.xlane v3, v0;
	_ =	sdelay $0x1  }
0x1f7: {  	v4 =	vadd.s32 v1, v4;
	_ =	sdelay $0x3  }
0x1f8: {  	s15 =	simm.s32 $0x8800  }
0x1f9: {  	[tilespmem:s15], [sflag:$0x1] =	stream.indirect_vreg.gather [hbm4b:s2+s3], $0x80, v4, vm0, $0xb8;
	[tilespmem:$0x18800] =	vst v63  }
0x1fa: {  	v3 =	vperm.xlane v3, v2;
	s15 =	simm.s32 $0x9000  }
0x1fb: {  	[tilespmem:s15], [sflag:$0x1] =	stream.indirect_vreg.gather [hbm4b:s5+s3], $0x80, v4, vm0, $0xb8;
	[tilespmem:$0x18800] =	vst v63  }
0x1fc: {  	s22 =	simm.s32 $0x9800;
	v3 =	vadd.s32 v1, v3  }
0x1fd: {  	[tilespmem:s22], [sflag:$0x1] =	stream.indirect_vreg.gather [hbm4b:s6+s3], $0x80, v4, vm0, $0xb8;
	[tilespmem:$0x18800] =	vst v63  }
0x1fe: {  	s23 =	simm.s32 $0xA000  }
0x1ff: {  	[tilespmem:s23], [sflag:$0x1] =	stream.indirect_vreg.gather [hbm4b:s7+s3], $0x80, v4, vm0, $0xb8;
	[tilespmem:$0x18800] =	vst v63  }
0x200: {  	s24 =	simm.s32 $0xA800  }
0x201: {  	[tilespmem:s24], [sflag:$0x1] =	stream.indirect_vreg.gather [hbm4b:s2+s3], $0x80, v3, vm0, $0xb8;
	[tilespmem:$0x18800] =	vst v63  }
0x202: {  	s12 =	simm.s32 $0xB000  }
0x203: {  	[tilespmem:s12], [sflag:$0x1] =	stream.indirect_vreg.gather [hbm4b:s5+s3], $0x80, v3, vm0, $0xb8;
	[tilespmem:$0x18800] =	vst v63  }
0x204: {  	s16 =	simm.s32 $0xB800  }
0x205: {  	[tilespmem:s16], [sflag:$0x1] =	stream.indirect_vreg.gather [hbm4b:s6+s3], $0x80, v3, vm0, $0xb8;
	[tilespmem:$0x18800] =	vst v63  }
0x206: {  	s15 =	simm.s32 $0xC000  }
0x207: {  	[tilespmem:s15], [sflag:$0x1] =	stream.indirect_vreg.gather [hbm4b:s7+s3], $0x80, v3, vm0, $0xb8;
	[tilespmem:$0x18800] =	vst v63  }
0x208: {  	_ =	swait.ge [sflag:s14], $0xC000  }
0x209: {  	[sflag:s14] =	ssyncset.done $0x0  }
0x20a: {  	s15 =	rddreg [dreg:$0x8];
	[sflag:s14] =	ssyncadd.s32 $0xFFFF4000  }
0x20b: {  	[hbm4b:s15+s3] =	stream.linear.scatter [tilespmem:s11], [sflag:$0x3], $0xC000, $0x38;
	[tilespmem:$0x18800] =	vst v63  }
0x20c: {  	_ =	swait.ge [sflag:s9], $0xC000  }
0x20d: {  	[sflag:s9] =	ssyncset.done $0x0  }
0x20e: {  	[sflag:s9] =	ssyncadd.s32 $0xFFFF4000  }
0x20f: {  	v3 =	vld [tilespmem:$0x380];
	_ =	sdelay $0x4  }
0x210: {  	v37 =	vshll.u32 v3, $0x3  }
0x211: {  	v3 =	vand.u32 $0x7, v3;
	v4 =	vand.u32 $0xFFFFFFC0, v37  }
0x212: {  	v3 =	vor.u32 v3, v4  }
0x213: {  	v4 =	vperm.xlane v3, v0;
	_ =	sdelay $0x1  }
0x214: {  	v4 =	vadd.s32 v1, v4;
	_ =	sdelay $0x4  }
0x215: {  	[tilespmem:s11], [sflag:$0x2] =	stream.indirect_vreg.gather [hbm4b:s2+s3], $0x80, v4, vm0, $0xb8;
	[tilespmem:$0x18800] =	vst v63  }
0x216: {  	s15 =	simm.s32 $0xD000;
	v3 =	vperm.xlane v3, v2  }
0x217: {  	[tilespmem:s15], [sflag:$0x2] =	stream.indirect_vreg.gather [hbm4b:s5+s3], $0x80, v4, vm0, $0xb8;
	[tilespmem:$0x18800] =	vst v63  }
0x218: {  	s25 =	simm.s32 $0xD800;
	v3 =	vadd.s32 v1, v3  }
0x219: {  	[tilespmem:s25], [sflag:$0x2] =	stream.indirect_vreg.gather [hbm4b:s6+s3], $0x80, v4, vm0, $0xb8;
	[tilespmem:$0x18800] =	vst v63  }
0x21a: {  	s26 =	simm.s32 $0xE000  }
0x21b: {  	[tilespmem:s26], [sflag:$0x2] =	stream.indirect_vreg.gather [hbm4b:s7+s3], $0x80, v4, vm0, $0xb8;
	[tilespmem:$0x18800] =	vst v63  }
0x21c: {  	s15 =	simm.s32 $0xE800  }
0x21d: {  	[tilespmem:s15], [sflag:$0x2] =	stream.indirect_vreg.gather [hbm4b:s2+s3], $0x80, v3, vm0, $0xb8;
	[tilespmem:$0x18800] =	vst v63  }
0x21e: {  	s15 =	simm.s32 $0xF000  }
0x21f: {  	[tilespmem:s15], [sflag:$0x2] =	stream.indirect_vreg.gather [hbm4b:s5+s3], $0x80, v3, vm0, $0xb8;
	[tilespmem:$0x18800] =	vst v63  }
0x220: {  	s15 =	simm.s32 $0xF800  }
0x221: {  	[tilespmem:s15], [sflag:$0x2] =	stream.indirect_vreg.gather [hbm4b:s6+s3], $0x80, v3, vm0, $0xb8;
	[tilespmem:$0x18800] =	vst v63  }
0x222: {  	s15 =	simm.s32 $0x10000  }
0x223: {  	[tilespmem:s15], [sflag:$0x2] =	stream.indirect_vreg.gather [hbm4b:s7+s3], $0x80, v3, vm0, $0xb8;
	[tilespmem:$0x18800] =	vst v63  }
0x224: {  	v3 =	vld [tilespmem:$0x390];
	_ =	sdelay $0x4  }
0x225: {  	v38 =	vshll.u32 v3, $0x3  }
0x226: {  	v3 =	vand.u32 $0x7, v3;
	v4 =	vand.u32 $0xFFFFFFC0, v38  }
0x227: {  	v3 =	vor.u32 v3, v4  }
0x228: {  	v4 =	vperm.xlane v3, v0;
	_ =	sdelay $0x1  }
0x229: {  	v4 =	vadd.s32 v1, v4;
	_ =	sdelay $0x3  }
0x22a: {  	s15 =	simm.s32 $0x10800  }
0x22b: {  	[tilespmem:s15], [sflag:$0x2] =	stream.indirect_vreg.gather [hbm4b:s2+s3], $0x80, v4, vm0, $0xb8;
	[tilespmem:$0x18800] =	vst v63  }
0x22c: {  	v3 =	vperm.xlane v3, v2;
	s15 =	simm.s32 $0x11000  }
0x22d: {  	[tilespmem:s15], [sflag:$0x2] =	stream.indirect_vreg.gather [hbm4b:s5+s3], $0x80, v4, vm0, $0xb8;
	[tilespmem:$0x18800] =	vst v63  }
0x22e: {  	s28 =	simm.s32 $0x11800;
	v3 =	vadd.s32 v1, v3  }
0x22f: {  	[tilespmem:s28], [sflag:$0x2] =	stream.indirect_vreg.gather [hbm4b:s6+s3], $0x80, v4, vm0, $0xb8;
	[tilespmem:$0x18800] =	vst v63  }
0x230: {  	s29 =	simm.s32 $0x12000  }
0x231: {  	[tilespmem:s29], [sflag:$0x2] =	stream.indirect_vreg.gather [hbm4b:s7+s3], $0x80, v4, vm0, $0xb8;
	[tilespmem:$0x18800] =	vst v63  }
0x232: {  	s30 =	simm.s32 $0x12800  }
0x233: {  	[tilespmem:s30], [sflag:$0x2] =	stream.indirect_vreg.gather [hbm4b:s2+s3], $0x80, v3, vm0, $0xb8;
	[tilespmem:$0x18800] =	vst v63  }
0x234: {  	s15 =	simm.s32 $0x13000  }
0x235: {  	[tilespmem:s15], [sflag:$0x2] =	stream.indirect_vreg.gather [hbm4b:s5+s3], $0x80, v3, vm0, $0xb8;
	[tilespmem:$0x18800] =	vst v63  }
0x236: {  	s15 =	simm.s32 $0x13800  }
0x237: {  	[tilespmem:s15], [sflag:$0x2] =	stream.indirect_vreg.gather [hbm4b:s6+s3], $0x80, v3, vm0, $0xb8;
	[tilespmem:$0x18800] =	vst v63  }
0x238: {  	s15 =	simm.s32 $0x14000  }
0x239: {  	[tilespmem:s15], [sflag:$0x2] =	stream.indirect_vreg.gather [hbm4b:s7+s3], $0x80, v3, vm0, $0xb8;
	[tilespmem:$0x18800] =	vst v63  }
0x23a: {  	v3 =	vld [tilespmem:$0x3A0];
	_ =	sdelay $0x4  }
0x23b: {  	v39 =	vshll.u32 v3, $0x3  }
0x23c: {  	v3 =	vand.u32 $0x7, v3;
	v4 =	vand.u32 $0xFFFFFFC0, v39  }
0x23d: {  	v3 =	vor.u32 v3, v4  }
0x23e: {  	v4 =	vperm.xlane v3, v0;
	_ =	sdelay $0x1  }
0x23f: {  	v4 =	vadd.s32 v1, v4;
	_ =	sdelay $0x3  }
0x240: {  	s15 =	simm.s32 $0x14800  }
0x241: {  	[tilespmem:s15], [sflag:$0x2] =	stream.indirect_vreg.gather [hbm4b:s2+s3], $0x80, v4, vm0, $0xb8;
	[tilespmem:$0x18800] =	vst v63  }
0x242: {  	v3 =	vperm.xlane v3, v2;
	s15 =	simm.s32 $0x15000  }
0x243: {  	[tilespmem:s15], [sflag:$0x2] =	stream.indirect_vreg.gather [hbm4b:s5+s3], $0x80, v4, vm0, $0xb8;
	[tilespmem:$0x18800] =	vst v63  }
0x244: {  	s31 =	simm.s32 $0x15800;
	v3 =	vadd.s32 v1, v3  }
0x245: {  	[tilespmem:s31], [sflag:$0x2] =	stream.indirect_vreg.gather [hbm4b:s6+s3], $0x80, v4, vm0, $0xb8;
	[tilespmem:$0x18800] =	vst v63  }
0x246: {  	s15 =	simm.s32 $0x16000  }
0x247: {  	[tilespmem:s15], [sflag:$0x2] =	stream.indirect_vreg.gather [hbm4b:s7+s3], $0x80, v4, vm0, $0xb8;
	[tilespmem:$0x18800] =	vst v63  }
0x248: {  	s15 =	simm.s32 $0x16800  }
0x249: {  	[tilespmem:s15], [sflag:$0x2] =	stream.indirect_vreg.gather [hbm4b:s2+s3], $0x80, v3, vm0, $0xb8;
	[tilespmem:$0x18800] =	vst v63  }
0x24a: {  	s15 =	simm.s32 $0x17000  }
0x24b: {  	[tilespmem:s15], [sflag:$0x2] =	stream.indirect_vreg.gather [hbm4b:s5+s3], $0x80, v3, vm0, $0xb8;
	[tilespmem:$0x18800] =	vst v63  }
0x24c: {  	s15 =	simm.s32 $0x17800  }
0x24d: {  	[tilespmem:s15], [sflag:$0x2] =	stream.indirect_vreg.gather [hbm4b:s6+s3], $0x80, v3, vm0, $0xb8;
	[tilespmem:$0x18800] =	vst v63  }
0x24e: {  	s15 =	simm.s32 $0x18000  }
0x24f: {  	[tilespmem:s15], [sflag:$0x2] =	stream.indirect_vreg.gather [hbm4b:s7+s3], $0x80, v3, vm0, $0xb8;
	[tilespmem:$0x18800] =	vst v63  }
0x250: {  	_ =	swait.ge [sflag:s13], $0xC000  }
0x251: {  	[sflag:s13] =	ssyncset.done $0x0  }
0x252: {  	s15 =	rddreg [dreg:$0x9];
	[sflag:s13] =	ssyncadd.s32 $0xFFFF4000  }
0x253: {  	[hbm4b:s15+s3] =	stream.linear.scatter [tilespmem:s17], [sflag:$0x3], $0xC000, $0x38;
	[tilespmem:$0x18800] =	vst v63  }
0x254: {  	_ =	swait.ge [sflag:s9], $0xC000  }
0x255: {  	[sflag:s9] =	ssyncset.done $0x0  }
0x256: {  	[sflag:s9] =	ssyncadd.s32 $0xFFFF4000  }
0x257: {  	v3 =	vld [tilespmem:$0x400];
	_ =	sdelay $0x4  }
0x258: {  	v40 =	vshll.u32 v3, $0x3  }
0x259: {  	v3 =	vand.u32 $0x7, v3;
	v4 =	vand.u32 $0xFFFFFFC0, v40  }
0x25a: {  	v3 =	vor.u32 v3, v4  }
0x25b: {  	v4 =	vperm.xlane v3, v0;
	_ =	sdelay $0x1  }
0x25c: {  	v4 =	vadd.s32 v1, v4;
	_ =	sdelay $0x4  }
0x25d: {  	[tilespmem:s17], [sflag:$0x1] =	stream.indirect_vreg.gather [hbm4b:s2+s3], $0x80, v4, vm0, $0xb8;
	[tilespmem:$0x18800] =	vst v63  }
0x25e: {  	s15 =	simm.s32 $0x1000;
	v3 =	vperm.xlane v3, v2  }
0x25f: {  	[tilespmem:s15], [sflag:$0x1] =	stream.indirect_vreg.gather [hbm4b:s5+s3], $0x80, v4, vm0, $0xb8;
	[tilespmem:$0x18800] =	vst v63  }
0x260: {  	v3 =	vadd.s32 v1, v3;
	s15 =	simm.s32 $0x1800  }
0x261: {  	[tilespmem:s15], [sflag:$0x1] =	stream.indirect_vreg.gather [hbm4b:s6+s3], $0x80, v4, vm0, $0xb8;
	[tilespmem:$0x18800] =	vst v63  }
0x262: {  	s0 =	simm.s32 $0x2000  }
0x263: {  	[tilespmem:s0], [sflag:$0x1] =	stream.indirect_vreg.gather [hbm4b:s7+s3], $0x80, v4, vm0, $0xb8;
	[tilespmem:$0x18800] =	vst v63  }
0x264: {  	s4 =	simm.s32 $0x2800  }
0x265: {  	[tilespmem:s4], [sflag:$0x1] =	stream.indirect_vreg.gather [hbm4b:s2+s3], $0x80, v3, vm0, $0xb8;
	[tilespmem:$0x18800] =	vst v63  }
0x266: {  	s8 =	simm.s32 $0x3000  }
0x267: {  	[tilespmem:s8], [sflag:$0x1] =	stream.indirect_vreg.gather [hbm4b:s5+s3], $0x80, v3, vm0, $0xb8;
	[tilespmem:$0x18800] =	vst v63  }
0x268: {  	s10 =	simm.s32 $0x3800  }
0x269: {  	[tilespmem:s10], [sflag:$0x1] =	stream.indirect_vreg.gather [hbm4b:s6+s3], $0x80, v3, vm0, $0xb8;
	[tilespmem:$0x18800] =	vst v63  }
0x26a: {  	s15 =	simm.s32 $0x4000  }
0x26b: {  	[tilespmem:s15], [sflag:$0x1] =	stream.indirect_vreg.gather [hbm4b:s7+s3], $0x80, v3, vm0, $0xb8;
	[tilespmem:$0x18800] =	vst v63  }
0x26c: {  	v3 =	vld [tilespmem:$0x410];
	_ =	sdelay $0x4  }
0x26d: {  	v41 =	vshll.u32 v3, $0x3  }
0x26e: {  	v3 =	vand.u32 $0x7, v3;
	v4 =	vand.u32 $0xFFFFFFC0, v41  }
0x26f: {  	v3 =	vor.u32 v3, v4  }
0x270: {  	v4 =	vperm.xlane v3, v0;
	_ =	sdelay $0x1  }
0x271: {  	v4 =	vadd.s32 v1, v4;
	_ =	sdelay $0x3  }
0x272: {  	s15 =	simm.s32 $0x4800  }
0x273: {  	[tilespmem:s15], [sflag:$0x1] =	stream.indirect_vreg.gather [hbm4b:s2+s3], $0x80, v4, vm0, $0xb8;
	[tilespmem:$0x18800] =	vst v63  }
0x274: {  	v3 =	vperm.xlane v3, v2;
	s15 =	simm.s32 $0x5000  }
0x275: {  	[tilespmem:s15], [sflag:$0x1] =	stream.indirect_vreg.gather [hbm4b:s5+s3], $0x80, v4, vm0, $0xb8;
	[tilespmem:$0x18800] =	vst v63  }
0x276: {  	s1 =	simm.s32 $0x5800;
	v3 =	vadd.s32 v1, v3  }
0x277: {  	[tilespmem:s1], [sflag:$0x1] =	stream.indirect_vreg.gather [hbm4b:s6+s3], $0x80, v4, vm0, $0xb8;
	[tilespmem:$0x18800] =	vst v63  }
0x278: {  	s18 =	simm.s32 $0x6000  }
0x279: {  	[tilespmem:s18], [sflag:$0x1] =	stream.indirect_vreg.gather [hbm4b:s7+s3], $0x80, v4, vm0, $0xb8;
	[tilespmem:$0x18800] =	vst v63  }
0x27a: {  	s19 =	simm.s32 $0x6800  }
0x27b: {  	[tilespmem:s19], [sflag:$0x1] =	stream.indirect_vreg.gather [hbm4b:s2+s3], $0x80, v3, vm0, $0xb8;
	[tilespmem:$0x18800] =	vst v63  }
0x27c: {  	s20 =	simm.s32 $0x7000  }
0x27d: {  	[tilespmem:s20], [sflag:$0x1] =	stream.indirect_vreg.gather [hbm4b:s5+s3], $0x80, v3, vm0, $0xb8;
	[tilespmem:$0x18800] =	vst v63  }
0x27e: {  	s21 =	simm.s32 $0x7800  }
0x27f: {  	[tilespmem:s21], [sflag:$0x1] =	stream.indirect_vreg.gather [hbm4b:s6+s3], $0x80, v3, vm0, $0xb8;
	[tilespmem:$0x18800] =	vst v63  }
0x280: {  	s15 =	simm.s32 $0x8000  }
0x281: {  	[tilespmem:s15], [sflag:$0x1] =	stream.indirect_vreg.gather [hbm4b:s7+s3], $0x80, v3, vm0, $0xb8;
	[tilespmem:$0x18800] =	vst v63  }
0x282: {  	v3 =	vld [tilespmem:$0x420];
	_ =	sdelay $0x4  }
0x283: {  	v42 =	vshll.u32 v3, $0x3  }
0x284: {  	v3 =	vand.u32 $0x7, v3;
	v4 =	vand.u32 $0xFFFFFFC0, v42  }
0x285: {  	v3 =	vor.u32 v3, v4  }
0x286: {  	v4 =	vperm.xlane v3, v0;
	_ =	sdelay $0x1  }
0x287: {  	v4 =	vadd.s32 v1, v4;
	_ =	sdelay $0x3  }
0x288: {  	s15 =	simm.s32 $0x8800  }
0x289: {  	[tilespmem:s15], [sflag:$0x1] =	stream.indirect_vreg.gather [hbm4b:s2+s3], $0x80, v4, vm0, $0xb8;
	[tilespmem:$0x18800] =	vst v63  }
0x28a: {  	v3 =	vperm.xlane v3, v2;
	s15 =	simm.s32 $0x9000  }
0x28b: {  	[tilespmem:s15], [sflag:$0x1] =	stream.indirect_vreg.gather [hbm4b:s5+s3], $0x80, v4, vm0, $0xb8;
	[tilespmem:$0x18800] =	vst v63  }
0x28c: {  	s22 =	simm.s32 $0x9800;
	v3 =	vadd.s32 v1, v3  }
0x28d: {  	[tilespmem:s22], [sflag:$0x1] =	stream.indirect_vreg.gather [hbm4b:s6+s3], $0x80, v4, vm0, $0xb8;
	[tilespmem:$0x18800] =	vst v63  }
0x28e: {  	s23 =	simm.s32 $0xA000  }
0x28f: {  	[tilespmem:s23], [sflag:$0x1] =	stream.indirect_vreg.gather [hbm4b:s7+s3], $0x80, v4, vm0, $0xb8;
	[tilespmem:$0x18800] =	vst v63  }
0x290: {  	s24 =	simm.s32 $0xA800  }
0x291: {  	[tilespmem:s24], [sflag:$0x1] =	stream.indirect_vreg.gather [hbm4b:s2+s3], $0x80, v3, vm0, $0xb8;
	[tilespmem:$0x18800] =	vst v63  }
0x292: {  	s12 =	simm.s32 $0xB000  }
0x293: {  	[tilespmem:s12], [sflag:$0x1] =	stream.indirect_vreg.gather [hbm4b:s5+s3], $0x80, v3, vm0, $0xb8;
	[tilespmem:$0x18800] =	vst v63  }
0x294: {  	s16 =	simm.s32 $0xB800  }
0x295: {  	[tilespmem:s16], [sflag:$0x1] =	stream.indirect_vreg.gather [hbm4b:s6+s3], $0x80, v3, vm0, $0xb8;
	[tilespmem:$0x18800] =	vst v63  }
0x296: {  	s15 =	simm.s32 $0xC000  }
0x297: {  	[tilespmem:s15], [sflag:$0x1] =	stream.indirect_vreg.gather [hbm4b:s7+s3], $0x80, v3, vm0, $0xb8;
	[tilespmem:$0x18800] =	vst v63  }
0x298: {  	_ =	swait.ge [sflag:s14], $0xC000  }
0x299: {  	[sflag:s14] =	ssyncset.done $0x0  }
0x29a: {  	s15 =	rddreg [dreg:$0xa];
	[sflag:s14] =	ssyncadd.s32 $0xFFFF4000  }
0x29b: {  	[hbm4b:s15+s3] =	stream.linear.scatter [tilespmem:s11], [sflag:$0x3], $0xC000, $0x38;
	[tilespmem:$0x18800] =	vst v63  }
0x29c: {  	_ =	swait.ge [sflag:s9], $0xC000  }
0x29d: {  	[sflag:s9] =	ssyncset.done $0x0  }
0x29e: {  	[sflag:s9] =	ssyncadd.s32 $0xFFFF4000  }
0x29f: {  	v3 =	vld [tilespmem:$0x480];
	_ =	sdelay $0x4  }
0x2a0: {  	v43 =	vshll.u32 v3, $0x3  }
0x2a1: {  	v3 =	vand.u32 $0x7, v3;
	v4 =	vand.u32 $0xFFFFFFC0, v43  }
0x2a2: {  	v3 =	vor.u32 v3, v4  }
0x2a3: {  	v4 =	vperm.xlane v3, v0;
	_ =	sdelay $0x1  }
0x2a4: {  	v4 =	vadd.s32 v1, v4;
	_ =	sdelay $0x4  }
0x2a5: {  	[tilespmem:s11], [sflag:$0x2] =	stream.indirect_vreg.gather [hbm4b:s2+s3], $0x80, v4, vm0, $0xb8;
	[tilespmem:$0x18800] =	vst v63  }
0x2a6: {  	s15 =	simm.s32 $0xD000;
	v3 =	vperm.xlane v3, v2  }
0x2a7: {  	[tilespmem:s15], [sflag:$0x2] =	stream.indirect_vreg.gather [hbm4b:s5+s3], $0x80, v4, vm0, $0xb8;
	[tilespmem:$0x18800] =	vst v63  }
0x2a8: {  	s25 =	simm.s32 $0xD800;
	v3 =	vadd.s32 v1, v3  }
0x2a9: {  	[tilespmem:s25], [sflag:$0x2] =	stream.indirect_vreg.gather [hbm4b:s6+s3], $0x80, v4, vm0, $0xb8;
	[tilespmem:$0x18800] =	vst v63  }
0x2aa: {  	s26 =	simm.s32 $0xE000  }
0x2ab: {  	[tilespmem:s26], [sflag:$0x2] =	stream.indirect_vreg.gather [hbm4b:s7+s3], $0x80, v4, vm0, $0xb8;
	[tilespmem:$0x18800] =	vst v63  }
0x2ac: {  	s15 =	simm.s32 $0xE800  }
0x2ad: {  	[tilespmem:s15], [sflag:$0x2] =	stream.indirect_vreg.gather [hbm4b:s2+s3], $0x80, v3, vm0, $0xb8;
	[tilespmem:$0x18800] =	vst v63  }
0x2ae: {  	s15 =	simm.s32 $0xF000  }
0x2af: {  	[tilespmem:s15], [sflag:$0x2] =	stream.indirect_vreg.gather [hbm4b:s5+s3], $0x80, v3, vm0, $0xb8;
	[tilespmem:$0x18800] =	vst v63  }
0x2b0: {  	s15 =	simm.s32 $0xF800  }
0x2b1: {  	[tilespmem:s15], [sflag:$0x2] =	stream.indirect_vreg.gather [hbm4b:s6+s3], $0x80, v3, vm0, $0xb8;
	[tilespmem:$0x18800] =	vst v63  }
0x2b2: {  	s15 =	simm.s32 $0x10000  }
0x2b3: {  	[tilespmem:s15], [sflag:$0x2] =	stream.indirect_vreg.gather [hbm4b:s7+s3], $0x80, v3, vm0, $0xb8;
	[tilespmem:$0x18800] =	vst v63  }
0x2b4: {  	v3 =	vld [tilespmem:$0x490];
	_ =	sdelay $0x4  }
0x2b5: {  	v44 =	vshll.u32 v3, $0x3  }
0x2b6: {  	v3 =	vand.u32 $0x7, v3;
	v4 =	vand.u32 $0xFFFFFFC0, v44  }
0x2b7: {  	v3 =	vor.u32 v3, v4  }
0x2b8: {  	v4 =	vperm.xlane v3, v0;
	_ =	sdelay $0x1  }
0x2b9: {  	v4 =	vadd.s32 v1, v4;
	_ =	sdelay $0x3  }
0x2ba: {  	s15 =	simm.s32 $0x10800  }
0x2bb: {  	[tilespmem:s15], [sflag:$0x2] =	stream.indirect_vreg.gather [hbm4b:s2+s3], $0x80, v4, vm0, $0xb8;
	[tilespmem:$0x18800] =	vst v63  }
0x2bc: {  	v3 =	vperm.xlane v3, v2;
	s15 =	simm.s32 $0x11000  }
0x2bd: {  	[tilespmem:s15], [sflag:$0x2] =	stream.indirect_vreg.gather [hbm4b:s5+s3], $0x80, v4, vm0, $0xb8;
	[tilespmem:$0x18800] =	vst v63  }
0x2be: {  	s28 =	simm.s32 $0x11800;
	v3 =	vadd.s32 v1, v3  }
0x2bf: {  	[tilespmem:s28], [sflag:$0x2] =	stream.indirect_vreg.gather [hbm4b:s6+s3], $0x80, v4, vm0, $0xb8;
	[tilespmem:$0x18800] =	vst v63  }
0x2c0: {  	s29 =	simm.s32 $0x12000  }
0x2c1: {  	[tilespmem:s29], [sflag:$0x2] =	stream.indirect_vreg.gather [hbm4b:s7+s3], $0x80, v4, vm0, $0xb8;
	[tilespmem:$0x18800] =	vst v63  }
0x2c2: {  	s30 =	simm.s32 $0x12800  }
0x2c3: {  	[tilespmem:s30], [sflag:$0x2] =	stream.indirect_vreg.gather [hbm4b:s2+s3], $0x80, v3, vm0, $0xb8;
	[tilespmem:$0x18800] =	vst v63  }
0x2c4: {  	s15 =	simm.s32 $0x13000  }
0x2c5: {  	[tilespmem:s15], [sflag:$0x2] =	stream.indirect_vreg.gather [hbm4b:s5+s3], $0x80, v3, vm0, $0xb8;
	[tilespmem:$0x18800] =	vst v63  }
0x2c6: {  	s15 =	simm.s32 $0x13800  }
0x2c7: {  	[tilespmem:s15], [sflag:$0x2] =	stream.indirect_vreg.gather [hbm4b:s6+s3], $0x80, v3, vm0, $0xb8;
	[tilespmem:$0x18800] =	vst v63  }
0x2c8: {  	s15 =	simm.s32 $0x14000  }
0x2c9: {  	[tilespmem:s15], [sflag:$0x2] =	stream.indirect_vreg.gather [hbm4b:s7+s3], $0x80, v3, vm0, $0xb8;
	[tilespmem:$0x18800] =	vst v63  }
0x2ca: {  	v3 =	vld [tilespmem:$0x4A0];
	_ =	sdelay $0x4  }
0x2cb: {  	v45 =	vshll.u32 v3, $0x3  }
0x2cc: {  	v3 =	vand.u32 $0x7, v3;
	v4 =	vand.u32 $0xFFFFFFC0, v45  }
0x2cd: {  	v3 =	vor.u32 v3, v4  }
0x2ce: {  	v4 =	vperm.xlane v3, v0;
	_ =	sdelay $0x1  }
0x2cf: {  	v4 =	vadd.s32 v1, v4;
	_ =	sdelay $0x3  }
0x2d0: {  	s15 =	simm.s32 $0x14800  }
0x2d1: {  	[tilespmem:s15], [sflag:$0x2] =	stream.indirect_vreg.gather [hbm4b:s2+s3], $0x80, v4, vm0, $0xb8;
	[tilespmem:$0x18800] =	vst v63  }
0x2d2: {  	v3 =	vperm.xlane v3, v2;
	s15 =	simm.s32 $0x15000  }
0x2d3: {  	[tilespmem:s15], [sflag:$0x2] =	stream.indirect_vreg.gather [hbm4b:s5+s3], $0x80, v4, vm0, $0xb8;
	[tilespmem:$0x18800] =	vst v63  }
0x2d4: {  	s31 =	simm.s32 $0x15800;
	v3 =	vadd.s32 v1, v3  }
0x2d5: {  	[tilespmem:s31], [sflag:$0x2] =	stream.indirect_vreg.gather [hbm4b:s6+s3], $0x80, v4, vm0, $0xb8;
	[tilespmem:$0x18800] =	vst v63  }
0x2d6: {  	s15 =	simm.s32 $0x16000  }
0x2d7: {  	[tilespmem:s15], [sflag:$0x2] =	stream.indirect_vreg.gather [hbm4b:s7+s3], $0x80, v4, vm0, $0xb8;
	[tilespmem:$0x18800] =	vst v63  }
0x2d8: {  	s15 =	simm.s32 $0x16800  }
0x2d9: {  	[tilespmem:s15], [sflag:$0x2] =	stream.indirect_vreg.gather [hbm4b:s2+s3], $0x80, v3, vm0, $0xb8;
	[tilespmem:$0x18800] =	vst v63  }
0x2da: {  	s15 =	simm.s32 $0x17000  }
0x2db: {  	[tilespmem:s15], [sflag:$0x2] =	stream.indirect_vreg.gather [hbm4b:s5+s3], $0x80, v3, vm0, $0xb8;
	[tilespmem:$0x18800] =	vst v63  }
0x2dc: {  	s15 =	simm.s32 $0x17800  }
0x2dd: {  	[tilespmem:s15], [sflag:$0x2] =	stream.indirect_vreg.gather [hbm4b:s6+s3], $0x80, v3, vm0, $0xb8;
	[tilespmem:$0x18800] =	vst v63  }
0x2de: {  	s15 =	simm.s32 $0x18000  }
0x2df: {  	[tilespmem:s15], [sflag:$0x2] =	stream.indirect_vreg.gather [hbm4b:s7+s3], $0x80, v3, vm0, $0xb8;
	[tilespmem:$0x18800] =	vst v63  }
0x2e0: {  	_ =	swait.ge [sflag:s13], $0xC000  }
0x2e1: {  	[sflag:s13] =	ssyncset.done $0x0  }
0x2e2: {  	s15 =	rddreg [dreg:$0xb];
	[sflag:s13] =	ssyncadd.s32 $0xFFFF4000  }
0x2e3: {  	[hbm4b:s15+s3] =	stream.linear.scatter [tilespmem:s17], [sflag:$0x3], $0xC000, $0x38;
	[tilespmem:$0x18800] =	vst v63  }
0x2e4: {  	_ =	swait.ge [sflag:s9], $0xC000  }
0x2e5: {  	[sflag:s9] =	ssyncset.done $0x0  }
0x2e6: {  	[sflag:s9] =	ssyncadd.s32 $0xFFFF4000  }
0x2e7: {  	v3 =	vld [tilespmem:$0x500];
	_ =	sdelay $0x4  }
0x2e8: {  	v46 =	vshll.u32 v3, $0x3  }
0x2e9: {  	v3 =	vand.u32 $0x7, v3;
	v4 =	vand.u32 $0xFFFFFFC0, v46  }
0x2ea: {  	v3 =	vor.u32 v3, v4  }
0x2eb: {  	v4 =	vperm.xlane v3, v0;
	_ =	sdelay $0x1  }
0x2ec: {  	v4 =	vadd.s32 v1, v4;
	_ =	sdelay $0x4  }
0x2ed: {  	[tilespmem:s17], [sflag:$0x1] =	stream.indirect_vreg.gather [hbm4b:s2+s3], $0x80, v4, vm0, $0xb8;
	[tilespmem:$0x18800] =	vst v63  }
0x2ee: {  	s15 =	simm.s32 $0x1000;
	v3 =	vperm.xlane v3, v2  }
0x2ef: {  	[tilespmem:s15], [sflag:$0x1] =	stream.indirect_vreg.gather [hbm4b:s5+s3], $0x80, v4, vm0, $0xb8;
	[tilespmem:$0x18800] =	vst v63  }
0x2f0: {  	v3 =	vadd.s32 v1, v3;
	s15 =	simm.s32 $0x1800  }
0x2f1: {  	[tilespmem:s15], [sflag:$0x1] =	stream.indirect_vreg.gather [hbm4b:s6+s3], $0x80, v4, vm0, $0xb8;
	[tilespmem:$0x18800] =	vst v63  }
0x2f2: {  	s0 =	simm.s32 $0x2000  }
0x2f3: {  	[tilespmem:s0], [sflag:$0x1] =	stream.indirect_vreg.gather [hbm4b:s7+s3], $0x80, v4, vm0, $0xb8;
	[tilespmem:$0x18800] =	vst v63  }
0x2f4: {  	s4 =	simm.s32 $0x2800  }
0x2f5: {  	[tilespmem:s4], [sflag:$0x1] =	stream.indirect_vreg.gather [hbm4b:s2+s3], $0x80, v3, vm0, $0xb8;
	[tilespmem:$0x18800] =	vst v63  }
0x2f6: {  	s8 =	simm.s32 $0x3000  }
0x2f7: {  	[tilespmem:s8], [sflag:$0x1] =	stream.indirect_vreg.gather [hbm4b:s5+s3], $0x80, v3, vm0, $0xb8;
	[tilespmem:$0x18800] =	vst v63  }
0x2f8: {  	s10 =	simm.s32 $0x3800  }
0x2f9: {  	[tilespmem:s10], [sflag:$0x1] =	stream.indirect_vreg.gather [hbm4b:s6+s3], $0x80, v3, vm0, $0xb8;
	[tilespmem:$0x18800] =	vst v63  }
0x2fa: {  	s15 =	simm.s32 $0x4000  }
0x2fb: {  	[tilespmem:s15], [sflag:$0x1] =	stream.indirect_vreg.gather [hbm4b:s7+s3], $0x80, v3, vm0, $0xb8;
	[tilespmem:$0x18800] =	vst v63  }
0x2fc: {  	v3 =	vld [tilespmem:$0x510];
	_ =	sdelay $0x4  }
0x2fd: {  	v47 =	vshll.u32 v3, $0x3  }
0x2fe: {  	v3 =	vand.u32 $0x7, v3;
	v4 =	vand.u32 $0xFFFFFFC0, v47  }
0x2ff: {  	v3 =	vor.u32 v3, v4  }
0x300: {  	v4 =	vperm.xlane v3, v0;
	_ =	sdelay $0x1  }
0x301: {  	v4 =	vadd.s32 v1, v4;
	_ =	sdelay $0x3  }
0x302: {  	s15 =	simm.s32 $0x4800  }
0x303: {  	[tilespmem:s15], [sflag:$0x1] =	stream.indirect_vreg.gather [hbm4b:s2+s3], $0x80, v4, vm0, $0xb8;
	[tilespmem:$0x18800] =	vst v63  }
0x304: {  	v3 =	vperm.xlane v3, v2;
	s15 =	simm.s32 $0x5000  }
0x305: {  	[tilespmem:s15], [sflag:$0x1] =	stream.indirect_vreg.gather [hbm4b:s5+s3], $0x80, v4, vm0, $0xb8;
	[tilespmem:$0x18800] =	vst v63  }
0x306: {  	s1 =	simm.s32 $0x5800;
	v3 =	vadd.s32 v1, v3  }
0x307: {  	[tilespmem:s1], [sflag:$0x1] =	stream.indirect_vreg.gather [hbm4b:s6+s3], $0x80, v4, vm0, $0xb8;
	[tilespmem:$0x18800] =	vst v63  }
0x308: {  	s18 =	simm.s32 $0x6000  }
0x309: {  	[tilespmem:s18], [sflag:$0x1] =	stream.indirect_vreg.gather [hbm4b:s7+s3], $0x80, v4, vm0, $0xb8;
	[tilespmem:$0x18800] =	vst v63  }
0x30a: {  	s19 =	simm.s32 $0x6800  }
0x30b: {  	[tilespmem:s19], [sflag:$0x1] =	stream.indirect_vreg.gather [hbm4b:s2+s3], $0x80, v3, vm0, $0xb8;
	[tilespmem:$0x18800] =	vst v63  }
0x30c: {  	s20 =	simm.s32 $0x7000  }
0x30d: {  	[tilespmem:s20], [sflag:$0x1] =	stream.indirect_vreg.gather [hbm4b:s5+s3], $0x80, v3, vm0, $0xb8;
	[tilespmem:$0x18800] =	vst v63  }
0x30e: {  	s21 =	simm.s32 $0x7800  }
0x30f: {  	[tilespmem:s21], [sflag:$0x1] =	stream.indirect_vreg.gather [hbm4b:s6+s3], $0x80, v3, vm0, $0xb8;
	[tilespmem:$0x18800] =	vst v63  }
0x310: {  	s15 =	simm.s32 $0x8000  }
0x311: {  	[tilespmem:s15], [sflag:$0x1] =	stream.indirect_vreg.gather [hbm4b:s7+s3], $0x80, v3, vm0, $0xb8;
	[tilespmem:$0x18800] =	vst v63  }
0x312: {  	v3 =	vld [tilespmem:$0x520];
	_ =	sdelay $0x4  }
0x313: {  	v48 =	vshll.u32 v3, $0x3  }
0x314: {  	v3 =	vand.u32 $0x7, v3;
	v4 =	vand.u32 $0xFFFFFFC0, v48  }
0x315: {  	v3 =	vor.u32 v3, v4  }
0x316: {  	v4 =	vperm.xlane v3, v0;
	_ =	sdelay $0x1  }
0x317: {  	v4 =	vadd.s32 v1, v4;
	_ =	sdelay $0x3  }
0x318: {  	s1 =	simm.s32 $0x8800  }
0x319: {  	[tilespmem:s1], [sflag:$0x1] =	stream.indirect_vreg.gather [hbm4b:s2+s3], $0x80, v4, vm0, $0xb8;
	[tilespmem:$0x18800] =	vst v63  }
0x31a: {  	s15 =	simm.s32 $0x9000;
	v3 =	vperm.xlane v3, v2  }
0x31b: {  	[tilespmem:s15], [sflag:$0x1] =	stream.indirect_vreg.gather [hbm4b:s5+s3], $0x80, v4, vm0, $0xb8;
	[tilespmem:$0x18800] =	vst v63  }
0x31c: {  	s22 =	simm.s32 $0x9800;
	v3 =	vadd.s32 v1, v3  }
0x31d: {  	[tilespmem:s22], [sflag:$0x1] =	stream.indirect_vreg.gather [hbm4b:s6+s3], $0x80, v4, vm0, $0xb8;
	[tilespmem:$0x18800] =	vst v63  }
0x31e: {  	s23 =	simm.s32 $0xA000  }
0x31f: {  	[tilespmem:s23], [sflag:$0x1] =	stream.indirect_vreg.gather [hbm4b:s7+s3], $0x80, v4, vm0, $0xb8;
	[tilespmem:$0x18800] =	vst v63  }
0x320: {  	s24 =	simm.s32 $0xA800  }
0x321: {  	[tilespmem:s24], [sflag:$0x1] =	stream.indirect_vreg.gather [hbm4b:s2+s3], $0x80, v3, vm0, $0xb8;
	[tilespmem:$0x18800] =	vst v63  }
0x322: {  	s12 =	simm.s32 $0xB000  }
0x323: {  	[tilespmem:s12], [sflag:$0x1] =	stream.indirect_vreg.gather [hbm4b:s5+s3], $0x80, v3, vm0, $0xb8;
	[tilespmem:$0x18800] =	vst v63  }
0x324: {  	s16 =	simm.s32 $0xB800  }
0x325: {  	[tilespmem:s16], [sflag:$0x1] =	stream.indirect_vreg.gather [hbm4b:s6+s3], $0x80, v3, vm0, $0xb8;
	[tilespmem:$0x18800] =	vst v63  }
0x326: {  	s16 =	simm.s32 $0xC000  }
0x327: {  	[tilespmem:s16], [sflag:$0x1] =	stream.indirect_vreg.gather [hbm4b:s7+s3], $0x80, v3, vm0, $0xb8;
	[tilespmem:$0x18800] =	vst v63  }
0x328: {  	_ =	swait.ge [sflag:s14], $0xC000  }
0x329: {  	[sflag:s14] =	ssyncset.done $0x0  }
0x32a: {  	s0 =	rddreg [dreg:$0xc];
	[sflag:s14] =	ssyncadd.s32 $0xFFFF4000  }
0x32b: {  	[hbm4b:s0+s3] =	stream.linear.scatter [tilespmem:s11], [sflag:$0x3], $0xC000, $0x38;
	[tilespmem:$0x18800] =	vst v63  }
0x32c: {  	_ =	swait.ge [sflag:s9], $0xC000  }
0x32d: {  	[sflag:s9] =	ssyncset.done $0x0  }
0x32e: {  	[sflag:s9] =	ssyncadd.s32 $0xFFFF4000  }
0x32f: {  	v3 =	vld [tilespmem:$0x580];
	_ =	sdelay $0x4  }
0x330: {  	v49 =	vshll.u32 v3, $0x3  }
0x331: {  	v3 =	vand.u32 $0x7, v3;
	v4 =	vand.u32 $0xFFFFFFC0, v49  }
0x332: {  	v3 =	vor.u32 v3, v4  }
0x333: {  	v4 =	vperm.xlane v3, v0;
	_ =	sdelay $0x1  }
0x334: {  	v4 =	vadd.s32 v1, v4;
	_ =	sdelay $0x4  }
0x335: {  	[tilespmem:s11], [sflag:$0x2] =	stream.indirect_vreg.gather [hbm4b:s2+s3], $0x80, v4, vm0, $0xb8;
	[tilespmem:$0x18800] =	vst v63  }
0x336: {  	s1 =	simm.s32 $0xD000;
	v3 =	vperm.xlane v3, v2  }
0x337: {  	[tilespmem:s1], [sflag:$0x2] =	stream.indirect_vreg.gather [hbm4b:s5+s3], $0x80, v4, vm0, $0xb8;
	[tilespmem:$0x18800] =	vst v63  }
0x338: {  	s25 =	simm.s32 $0xD800;
	v3 =	vadd.s32 v1, v3  }
0x339: {  	[tilespmem:s25], [sflag:$0x2] =	stream.indirect_vreg.gather [hbm4b:s6+s3], $0x80, v4, vm0, $0xb8;
	[tilespmem:$0x18800] =	vst v63  }
0x33a: {  	s26 =	simm.s32 $0xE000  }
0x33b: {  	[tilespmem:s26], [sflag:$0x2] =	stream.indirect_vreg.gather [hbm4b:s7+s3], $0x80, v4, vm0, $0xb8;
	[tilespmem:$0x18800] =	vst v63  }
0x33c: {  	s12 =	simm.s32 $0xE800  }
0x33d: {  	[tilespmem:s12], [sflag:$0x2] =	stream.indirect_vreg.gather [hbm4b:s2+s3], $0x80, v3, vm0, $0xb8;
	[tilespmem:$0x18800] =	vst v63  }
0x33e: {  	s15 =	simm.s32 $0xF000  }
0x33f: {  	[tilespmem:s15], [sflag:$0x2] =	stream.indirect_vreg.gather [hbm4b:s5+s3], $0x80, v3, vm0, $0xb8;
	[tilespmem:$0x18800] =	vst v63  }
0x340: {  	s16 =	simm.s32 $0xF800  }
0x341: {  	[tilespmem:s16], [sflag:$0x2] =	stream.indirect_vreg.gather [hbm4b:s6+s3], $0x80, v3, vm0, $0xb8;
	[tilespmem:$0x18800] =	vst v63  }
0x342: {  	s25 =	simm.s32 $0x10000  }
0x343: {  	[tilespmem:s25], [sflag:$0x2] =	stream.indirect_vreg.gather [hbm4b:s7+s3], $0x80, v3, vm0, $0xb8;
	[tilespmem:$0x18800] =	vst v63  }
0x344: {  	v3 =	vld [tilespmem:$0x590];
	_ =	sdelay $0x4  }
0x345: {  	v50 =	vshll.u32 v3, $0x3  }
0x346: {  	v3 =	vand.u32 $0x7, v3;
	v4 =	vand.u32 $0xFFFFFFC0, v50  }
0x347: {  	v3 =	vor.u32 v3, v4  }
0x348: {  	v4 =	vperm.xlane v3, v0;
	_ =	sdelay $0x1  }
0x349: {  	v4 =	vadd.s32 v1, v4;
	_ =	sdelay $0x3  }
0x34a: {  	s26 =	simm.s32 $0x10800  }
0x34b: {  	[tilespmem:s26], [sflag:$0x2] =	stream.indirect_vreg.gather [hbm4b:s2+s3], $0x80, v4, vm0, $0xb8;
	[tilespmem:$0x18800] =	vst v63  }
0x34c: {  	s1 =	simm.s32 $0x11000;
	v3 =	vperm.xlane v3, v2  }
0x34d: {  	[tilespmem:s1], [sflag:$0x2] =	stream.indirect_vreg.gather [hbm4b:s5+s3], $0x80, v4, vm0, $0xb8;
	[tilespmem:$0x18800] =	vst v63  }
0x34e: {  	s28 =	simm.s32 $0x11800;
	v3 =	vadd.s32 v1, v3  }
0x34f: {  	[tilespmem:s28], [sflag:$0x2] =	stream.indirect_vreg.gather [hbm4b:s6+s3], $0x80, v4, vm0, $0xb8;
	[tilespmem:$0x18800] =	vst v63  }
0x350: {  	s29 =	simm.s32 $0x12000  }
0x351: {  	[tilespmem:s29], [sflag:$0x2] =	stream.indirect_vreg.gather [hbm4b:s7+s3], $0x80, v4, vm0, $0xb8;
	[tilespmem:$0x18800] =	vst v63  }
0x352: {  	s30 =	simm.s32 $0x12800  }
0x353: {  	[tilespmem:s30], [sflag:$0x2] =	stream.indirect_vreg.gather [hbm4b:s2+s3], $0x80, v3, vm0, $0xb8;
	[tilespmem:$0x18800] =	vst v63  }
0x354: {  	s12 =	simm.s32 $0x13000  }
0x355: {  	[tilespmem:s12], [sflag:$0x2] =	stream.indirect_vreg.gather [hbm4b:s5+s3], $0x80, v3, vm0, $0xb8;
	[tilespmem:$0x18800] =	vst v63  }
0x356: {  	s15 =	simm.s32 $0x13800  }
0x357: {  	[tilespmem:s15], [sflag:$0x2] =	stream.indirect_vreg.gather [hbm4b:s6+s3], $0x80, v3, vm0, $0xb8;
	[tilespmem:$0x18800] =	vst v63  }
0x358: {  	s16 =	simm.s32 $0x14000  }
0x359: {  	[tilespmem:s16], [sflag:$0x2] =	stream.indirect_vreg.gather [hbm4b:s7+s3], $0x80, v3, vm0, $0xb8;
	[tilespmem:$0x18800] =	vst v63  }
0x35a: {  	v3 =	vld [tilespmem:$0x5A0];
	_ =	sdelay $0x4  }
0x35b: {  	v51 =	vshll.u32 v3, $0x3  }
0x35c: {  	v3 =	vand.u32 $0x7, v3;
	v4 =	vand.u32 $0xFFFFFFC0, v51  }
0x35d: {  	v3 =	vor.u32 v3, v4  }
0x35e: {  	v4 =	vperm.xlane v3, v0;
	_ =	sdelay $0x1  }
0x35f: {  	v4 =	vadd.s32 v1, v4;
	_ =	sdelay $0x3  }
0x360: {  	s25 =	simm.s32 $0x14800  }
0x361: {  	[tilespmem:s25], [sflag:$0x2] =	stream.indirect_vreg.gather [hbm4b:s2+s3], $0x80, v4, vm0, $0xb8;
	[tilespmem:$0x18800] =	vst v63  }
0x362: {  	s26 =	simm.s32 $0x15000;
	v3 =	vperm.xlane v3, v2  }
0x363: {  	[tilespmem:s26], [sflag:$0x2] =	stream.indirect_vreg.gather [hbm4b:s5+s3], $0x80, v4, vm0, $0xb8;
	[tilespmem:$0x18800] =	vst v63  }
0x364: {  	s31 =	simm.s32 $0x15800;
	v3 =	vadd.s32 v1, v3  }
0x365: {  	[tilespmem:s31], [sflag:$0x2] =	stream.indirect_vreg.gather [hbm4b:s6+s3], $0x80, v4, vm0, $0xb8;
	[tilespmem:$0x18800] =	vst v63  }
0x366: {  	s28 =	simm.s32 $0x16000  }
0x367: {  	[tilespmem:s28], [sflag:$0x2] =	stream.indirect_vreg.gather [hbm4b:s7+s3], $0x80, v4, vm0, $0xb8;
	[tilespmem:$0x18800] =	vst v63  }
0x368: {  	s29 =	simm.s32 $0x16800  }
0x369: {  	[tilespmem:s29], [sflag:$0x2] =	stream.indirect_vreg.gather [hbm4b:s2+s3], $0x80, v3, vm0, $0xb8;
	[tilespmem:$0x18800] =	vst v63  }
0x36a: {  	s30 =	simm.s32 $0x17000  }
0x36b: {  	[tilespmem:s30], [sflag:$0x2] =	stream.indirect_vreg.gather [hbm4b:s5+s3], $0x80, v3, vm0, $0xb8;
	[tilespmem:$0x18800] =	vst v63  }
0x36c: {  	s31 =	simm.s32 $0x17800  }
0x36d: {  	[tilespmem:s31], [sflag:$0x2] =	stream.indirect_vreg.gather [hbm4b:s6+s3], $0x80, v3, vm0, $0xb8;
	[tilespmem:$0x18800] =	vst v63  }
0x36e: {  	s1 =	simm.s32 $0x18000  }
0x36f: {  	[tilespmem:s1], [sflag:$0x2] =	stream.indirect_vreg.gather [hbm4b:s7+s3], $0x80, v3, vm0, $0xb8;
	[tilespmem:$0x18800] =	vst v63  }
0x370: {  	_ =	swait.ge [sflag:s13], $0xC000  }
0x371: {  	[sflag:s13] =	ssyncset.done $0x0  }
0x372: {  	s12 =	rddreg [dreg:$0xd];
	[sflag:s13] =	ssyncadd.s32 $0xFFFF4000  }
0x373: {  	[hbm4b:s12+s3] =	stream.linear.scatter [tilespmem:s17], [sflag:$0x3], $0xC000, $0x38;
	[tilespmem:$0x18800] =	vst v63  }
0x374: {  	_ =	swait.ge [sflag:s9], $0xC000  }
0x375: {  	[sflag:s9] =	ssyncset.done $0x0  }
0x376: {  	[sflag:s9] =	ssyncadd.s32 $0xFFFF4000  }
0x377: {  	v3 =	vld [tilespmem:$0x600];
	_ =	sdelay $0x4  }
0x378: {  	v52 =	vshll.u32 v3, $0x3  }
0x379: {  	v3 =	vand.u32 $0x7, v3;
	v4 =	vand.u32 $0xFFFFFFC0, v52  }
0x37a: {  	v3 =	vor.u32 v3, v4  }
0x37b: {  	v4 =	vperm.xlane v3, v0;
	_ =	sdelay $0x1  }
0x37c: {  	v4 =	vadd.s32 v1, v4;
	_ =	sdelay $0x4  }
0x37d: {  	[tilespmem:s17], [sflag:$0x1] =	stream.indirect_vreg.gather [hbm4b:s2+s3], $0x80, v4, vm0, $0xb8;
	[tilespmem:$0x18800] =	vst v63  }
0x37e: {  	s15 =	simm.s32 $0x1000;
	v3 =	vperm.xlane v3, v2  }
0x37f: {  	[tilespmem:s15], [sflag:$0x1] =	stream.indirect_vreg.gather [hbm4b:s5+s3], $0x80, v4, vm0, $0xb8;
	[tilespmem:$0x18800] =	vst v63  }
0x380: {  	s16 =	simm.s32 $0x1800;
	v3 =	vadd.s32 v1, v3  }
0x381: {  	[tilespmem:s16], [sflag:$0x1] =	stream.indirect_vreg.gather [hbm4b:s6+s3], $0x80, v4, vm0, $0xb8;
	[tilespmem:$0x18800] =	vst v63  }
0x382: {  	s25 =	simm.s32 $0x2000  }
0x383: {  	[tilespmem:s25], [sflag:$0x1] =	stream.indirect_vreg.gather [hbm4b:s7+s3], $0x80, v4, vm0, $0xb8;
	[tilespmem:$0x18800] =	vst v63  }
0x384: {  	s4 =	simm.s32 $0x2800  }
0x385: {  	[tilespmem:s4], [sflag:$0x1] =	stream.indirect_vreg.gather [hbm4b:s2+s3], $0x80, v3, vm0, $0xb8;
	[tilespmem:$0x18800] =	vst v63  }
0x386: {  	s8 =	simm.s32 $0x3000  }
0x387: {  	[tilespmem:s8], [sflag:$0x1] =	stream.indirect_vreg.gather [hbm4b:s5+s3], $0x80, v3, vm0, $0xb8;
	[tilespmem:$0x18800] =	vst v63  }
0x388: {  	s10 =	simm.s32 $0x3800  }
0x389: {  	[tilespmem:s10], [sflag:$0x1] =	stream.indirect_vreg.gather [hbm4b:s6+s3], $0x80, v3, vm0, $0xb8;
	[tilespmem:$0x18800] =	vst v63  }
0x38a: {  	s26 =	simm.s32 $0x4000  }
0x38b: {  	[tilespmem:s26], [sflag:$0x1] =	stream.indirect_vreg.gather [hbm4b:s7+s3], $0x80, v3, vm0, $0xb8;
	[tilespmem:$0x18800] =	vst v63  }
0x38c: {  	v3 =	vld [tilespmem:$0x610];
	_ =	sdelay $0x4  }
0x38d: {  	v53 =	vshll.u32 v3, $0x3  }
0x38e: {  	v3 =	vand.u32 $0x7, v3;
	v4 =	vand.u32 $0xFFFFFFC0, v53  }
0x38f: {  	v3 =	vor.u32 v3, v4  }
0x390: {  	v4 =	vperm.xlane v3, v0;
	_ =	sdelay $0x1  }
0x391: {  	v4 =	vadd.s32 v1, v4;
	_ =	sdelay $0x3  }
0x392: {  	s28 =	simm.s32 $0x4800  }
0x393: {  	[tilespmem:s28], [sflag:$0x1] =	stream.indirect_vreg.gather [hbm4b:s2+s3], $0x80, v4, vm0, $0xb8;
	[tilespmem:$0x18800] =	vst v63  }
0x394: {  	s29 =	simm.s32 $0x5000;
	v3 =	vperm.xlane v3, v2  }
0x395: {  	[tilespmem:s29], [sflag:$0x1] =	stream.indirect_vreg.gather [hbm4b:s5+s3], $0x80, v4, vm0, $0xb8;
	[tilespmem:$0x18800] =	vst v63  }
0x396: {  	s30 =	simm.s32 $0x5800;
	v3 =	vadd.s32 v1, v3  }
0x397: {  	[tilespmem:s30], [sflag:$0x1] =	stream.indirect_vreg.gather [hbm4b:s6+s3], $0x80, v4, vm0, $0xb8;
	[tilespmem:$0x18800] =	vst v63  }
0x398: {  	s18 =	simm.s32 $0x6000  }
0x399: {  	[tilespmem:s18], [sflag:$0x1] =	stream.indirect_vreg.gather [hbm4b:s7+s3], $0x80, v4, vm0, $0xb8;
	[tilespmem:$0x18800] =	vst v63  }
0x39a: {  	s19 =	simm.s32 $0x6800  }
0x39b: {  	[tilespmem:s19], [sflag:$0x1] =	stream.indirect_vreg.gather [hbm4b:s2+s3], $0x80, v3, vm0, $0xb8;
	[tilespmem:$0x18800] =	vst v63  }
0x39c: {  	s20 =	simm.s32 $0x7000  }
0x39d: {  	[tilespmem:s20], [sflag:$0x1] =	stream.indirect_vreg.gather [hbm4b:s5+s3], $0x80, v3, vm0, $0xb8;
	[tilespmem:$0x18800] =	vst v63  }
0x39e: {  	s21 =	simm.s32 $0x7800  }
0x39f: {  	[tilespmem:s21], [sflag:$0x1] =	stream.indirect_vreg.gather [hbm4b:s6+s3], $0x80, v3, vm0, $0xb8;
	[tilespmem:$0x18800] =	vst v63  }
0x3a0: {  	s31 =	simm.s32 $0x8000  }
0x3a1: {  	[tilespmem:s31], [sflag:$0x1] =	stream.indirect_vreg.gather [hbm4b:s7+s3], $0x80, v3, vm0, $0xb8;
	[tilespmem:$0x18800] =	vst v63  }
0x3a2: {  	v3 =	vld [tilespmem:$0x620];
	_ =	sdelay $0x4  }
0x3a3: {  	v54 =	vshll.u32 v3, $0x3  }
0x3a4: {  	v3 =	vand.u32 $0x7, v3;
	v4 =	vand.u32 $0xFFFFFFC0, v54  }
0x3a5: {  	v3 =	vor.u32 v3, v4  }
0x3a6: {  	v4 =	vperm.xlane v3, v0;
	_ =	sdelay $0x1  }
0x3a7: {  	v4 =	vadd.s32 v1, v4;
	_ =	sdelay $0x3  }
0x3a8: {  	s21 =	simm.s32 $0x8800  }
0x3a9: {  	[tilespmem:s21], [sflag:$0x1] =	stream.indirect_vreg.gather [hbm4b:s2+s3], $0x80, v4, vm0, $0xb8;
	[tilespmem:$0x18800] =	vst v63  }
0x3aa: {  	s25 =	simm.s32 $0x9000;
	v3 =	vperm.xlane v3, v2  }
0x3ab: {  	[tilespmem:s25], [sflag:$0x1] =	stream.indirect_vreg.gather [hbm4b:s5+s3], $0x80, v4, vm0, $0xb8;
	[tilespmem:$0x18800] =	vst v63  }
0x3ac: {  	s22 =	simm.s32 $0x9800;
	v3 =	vadd.s32 v1, v3  }
0x3ad: {  	[tilespmem:s22], [sflag:$0x1] =	stream.indirect_vreg.gather [hbm4b:s6+s3], $0x80, v4, vm0, $0xb8;
	[tilespmem:$0x18800] =	vst v63  }
0x3ae: {  	s23 =	simm.s32 $0xA000  }
0x3af: {  	[tilespmem:s23], [sflag:$0x1] =	stream.indirect_vreg.gather [hbm4b:s7+s3], $0x80, v4, vm0, $0xb8;
	[tilespmem:$0x18800] =	vst v63  }
0x3b0: {  	s24 =	simm.s32 $0xA800  }
0x3b1: {  	[tilespmem:s24], [sflag:$0x1] =	stream.indirect_vreg.gather [hbm4b:s2+s3], $0x80, v3, vm0, $0xb8;
	[tilespmem:$0x18800] =	vst v63  }
0x3b2: {  	s26 =	simm.s32 $0xB000  }
0x3b3: {  	[tilespmem:s26], [sflag:$0x1] =	stream.indirect_vreg.gather [hbm4b:s5+s3], $0x80, v3, vm0, $0xb8;
	[tilespmem:$0x18800] =	vst v63  }
0x3b4: {  	s28 =	simm.s32 $0xB800  }
0x3b5: {  	[tilespmem:s28], [sflag:$0x1] =	stream.indirect_vreg.gather [hbm4b:s6+s3], $0x80, v3, vm0, $0xb8;
	[tilespmem:$0x18800] =	vst v63  }
0x3b6: {  	s29 =	simm.s32 $0xC000  }
0x3b7: {  	[tilespmem:s29], [sflag:$0x1] =	stream.indirect_vreg.gather [hbm4b:s7+s3], $0x80, v3, vm0, $0xb8;
	[tilespmem:$0x18800] =	vst v63  }
0x3b8: {  	_ =	swait.ge [sflag:s14], $0xC000  }
0x3b9: {  	[sflag:s14] =	ssyncset.done $0x0  }
0x3ba: {  	s30 =	rddreg [dreg:$0xe];
	[sflag:s14] =	ssyncadd.s32 $0xFFFF4000  }
0x3bb: {  	[hbm4b:s30+s3] =	stream.linear.scatter [tilespmem:s11], [sflag:$0x3], $0xC000, $0x38;
	[tilespmem:$0x18800] =	vst v63  }
0x3bc: {  	_ =	swait.ge [sflag:s9], $0xC000  }
0x3bd: {  	[sflag:s9] =	ssyncset.done $0x0  }
0x3be: {  	[sflag:s9] =	ssyncadd.s32 $0xFFFF4000  }
0x3bf: {  	v3 =	vld [tilespmem:$0x680];
	_ =	sdelay $0x4  }
0x3c0: {  	v55 =	vshll.u32 v3, $0x3  }
0x3c1: {  	v3 =	vand.u32 $0x7, v3;
	v4 =	vand.u32 $0xFFFFFFC0, v55  }
0x3c2: {  	v3 =	vor.u32 v3, v4  }
0x3c3: {  	v4 =	vperm.xlane v3, v0;
	_ =	sdelay $0x1  }
0x3c4: {  	v4 =	vadd.s32 v1, v4;
	_ =	sdelay $0x4  }
0x3c5: {  	[tilespmem:s11], [sflag:$0x2] =	stream.indirect_vreg.gather [hbm4b:s2+s3], $0x80, v4, vm0, $0xb8;
	[tilespmem:$0x18800] =	vst v63  }
0x3c6: {  	s31 =	simm.s32 $0xD000;
	v3 =	vperm.xlane v3, v2  }
0x3c7: {  	[tilespmem:s31], [sflag:$0x2] =	stream.indirect_vreg.gather [hbm4b:s5+s3], $0x80, v4, vm0, $0xb8;
	[tilespmem:$0x18800] =	vst v63  }
0x3c8: {  	s26 =	simm.s32 $0xD800;
	v3 =	vadd.s32 v1, v3  }
0x3c9: {  	[tilespmem:s26], [sflag:$0x2] =	stream.indirect_vreg.gather [hbm4b:s6+s3], $0x80, v4, vm0, $0xb8;
	[tilespmem:$0x18800] =	vst v63  }
0x3ca: {  	s28 =	simm.s32 $0xE000  }
0x3cb: {  	[tilespmem:s28], [sflag:$0x2] =	stream.indirect_vreg.gather [hbm4b:s7+s3], $0x80, v4, vm0, $0xb8;
	[tilespmem:$0x18800] =	vst v63  }
0x3cc: {  	s29 =	simm.s32 $0xE800  }
0x3cd: {  	[tilespmem:s29], [sflag:$0x2] =	stream.indirect_vreg.gather [hbm4b:s2+s3], $0x80, v3, vm0, $0xb8;
	[tilespmem:$0x18800] =	vst v63  }
0x3ce: {  	s30 =	simm.s32 $0xF000  }
0x3cf: {  	[tilespmem:s30], [sflag:$0x2] =	stream.indirect_vreg.gather [hbm4b:s5+s3], $0x80, v3, vm0, $0xb8;
	[tilespmem:$0x18800] =	vst v63  }
0x3d0: {  	s31 =	simm.s32 $0xF800  }
0x3d1: {  	[tilespmem:s31], [sflag:$0x2] =	stream.indirect_vreg.gather [hbm4b:s6+s3], $0x80, v3, vm0, $0xb8;
	[tilespmem:$0x18800] =	vst v63  }
0x3d2: {  	s15 =	simm.s32 $0x10000  }
0x3d3: {  	[tilespmem:s15], [sflag:$0x2] =	stream.indirect_vreg.gather [hbm4b:s7+s3], $0x80, v3, vm0, $0xb8;
	[tilespmem:$0x18800] =	vst v63  }
0x3d4: {  	v3 =	vld [tilespmem:$0x690];
	_ =	sdelay $0x4  }
0x3d5: {  	v56 =	vshll.u32 v3, $0x3  }
0x3d6: {  	v3 =	vand.u32 $0x7, v3;
	v4 =	vand.u32 $0xFFFFFFC0, v56  }
0x3d7: {  	v3 =	vor.u32 v3, v4  }
0x3d8: {  	v4 =	vperm.xlane v3, v0;
	_ =	sdelay $0x1  }
0x3d9: {  	v4 =	vadd.s32 v1, v4;
	_ =	sdelay $0x3  }
0x3da: {  	s15 =	simm.s32 $0x10800  }
0x3db: {  	[tilespmem:s15], [sflag:$0x2] =	stream.indirect_vreg.gather [hbm4b:s2+s3], $0x80, v4, vm0, $0xb8;
	[tilespmem:$0x18800] =	vst v63  }
0x3dc: {  	v3 =	vperm.xlane v3, v2;
	s15 =	simm.s32 $0x11000  }
0x3dd: {  	[tilespmem:s15], [sflag:$0x2] =	stream.indirect_vreg.gather [hbm4b:s5+s3], $0x80, v4, vm0, $0xb8;
	[tilespmem:$0x18800] =	vst v63  }
0x3de: {  	v3 =	vadd.s32 v1, v3;
	s15 =	simm.s32 $0x11800  }
0x3df: {  	[tilespmem:s15], [sflag:$0x2] =	stream.indirect_vreg.gather [hbm4b:s6+s3], $0x80, v4, vm0, $0xb8;
	[tilespmem:$0x18800] =	vst v63  }
0x3e0: {  	s15 =	simm.s32 $0x12000  }
0x3e1: {  	[tilespmem:s15], [sflag:$0x2] =	stream.indirect_vreg.gather [hbm4b:s7+s3], $0x80, v4, vm0, $0xb8;
	[tilespmem:$0x18800] =	vst v63  }
0x3e2: {  	s15 =	simm.s32 $0x12800  }
0x3e3: {  	[tilespmem:s15], [sflag:$0x2] =	stream.indirect_vreg.gather [hbm4b:s2+s3], $0x80, v3, vm0, $0xb8;
	[tilespmem:$0x18800] =	vst v63  }
0x3e4: {  	s15 =	simm.s32 $0x13000  }
0x3e5: {  	[tilespmem:s15], [sflag:$0x2] =	stream.indirect_vreg.gather [hbm4b:s5+s3], $0x80, v3, vm0, $0xb8;
	[tilespmem:$0x18800] =	vst v63  }
0x3e6: {  	s15 =	simm.s32 $0x13800  }
0x3e7: {  	[tilespmem:s15], [sflag:$0x2] =	stream.indirect_vreg.gather [hbm4b:s6+s3], $0x80, v3, vm0, $0xb8;
	[tilespmem:$0x18800] =	vst v63  }
0x3e8: {  	s15 =	simm.s32 $0x14000  }
0x3e9: {  	[tilespmem:s15], [sflag:$0x2] =	stream.indirect_vreg.gather [hbm4b:s7+s3], $0x80, v3, vm0, $0xb8;
	[tilespmem:$0x18800] =	vst v63  }
0x3ea: {  	v3 =	vld [tilespmem:$0x6A0];
	_ =	sdelay $0x4  }
0x3eb: {  	v57 =	vshll.u32 v3, $0x3  }
0x3ec: {  	v3 =	vand.u32 $0x7, v3;
	v4 =	vand.u32 $0xFFFFFFC0, v57  }
0x3ed: {  	v3 =	vor.u32 v3, v4  }
0x3ee: {  	v4 =	vperm.xlane v3, v0;
	_ =	sdelay $0x1  }
0x3ef: {  	v4 =	vadd.s32 v1, v4;
	_ =	sdelay $0x3  }
0x3f0: {  	s15 =	simm.s32 $0x14800  }
0x3f1: {  	[tilespmem:s15], [sflag:$0x2] =	stream.indirect_vreg.gather [hbm4b:s2+s3], $0x80, v4, vm0, $0xb8;
	[tilespmem:$0x18800] =	vst v63  }
0x3f2: {  	v3 =	vperm.xlane v3, v2;
	s15 =	simm.s32 $0x15000  }
0x3f3: {  	[tilespmem:s15], [sflag:$0x2] =	stream.indirect_vreg.gather [hbm4b:s5+s3], $0x80, v4, vm0, $0xb8;
	[tilespmem:$0x18800] =	vst v63  }
0x3f4: {  	v3 =	vadd.s32 v1, v3;
	s15 =	simm.s32 $0x15800  }
0x3f5: {  	[tilespmem:s15], [sflag:$0x2] =	stream.indirect_vreg.gather [hbm4b:s6+s3], $0x80, v4, vm0, $0xb8;
	[tilespmem:$0x18800] =	vst v63  }
0x3f6: {  	s15 =	simm.s32 $0x16000  }
0x3f7: {  	[tilespmem:s15], [sflag:$0x2] =	stream.indirect_vreg.gather [hbm4b:s7+s3], $0x80, v4, vm0, $0xb8;
	[tilespmem:$0x18800] =	vst v63  }
0x3f8: {  	s15 =	simm.s32 $0x16800  }
0x3f9: {  	[tilespmem:s15], [sflag:$0x2] =	stream.indirect_vreg.gather [hbm4b:s2+s3], $0x80, v3, vm0, $0xb8;
	[tilespmem:$0x18800] =	vst v63  }
0x3fa: {  	s15 =	simm.s32 $0x17000  }
0x3fb: {  	[tilespmem:s15], [sflag:$0x2] =	stream.indirect_vreg.gather [hbm4b:s5+s3], $0x80, v3, vm0, $0xb8;
	[tilespmem:$0x18800] =	vst v63  }
0x3fc: {  	s15 =	simm.s32 $0x17800  }
0x3fd: {  	[tilespmem:s15], [sflag:$0x2] =	stream.indirect_vreg.gather [hbm4b:s6+s3], $0x80, v3, vm0, $0xb8;
	[tilespmem:$0x18800] =	vst v63  }
0x3fe: {  	s15 =	simm.s32 $0x18000  }
0x3ff: {  	[tilespmem:s15], [sflag:$0x2] =	stream.indirect_vreg.gather [hbm4b:s7+s3], $0x80, v3, vm0, $0xb8;
	[tilespmem:$0x18800] =	vst v63  }
0x400: {  	_ =	swait.ge [sflag:s13], $0xC000  }
0x401: {  	[sflag:s13] =	ssyncset.done $0x0  }
0x402: {  	s15 =	rddreg [dreg:$0xf];
	[sflag:s13] =	ssyncadd.s32 $0xFFFF4000  }
0x403: {  	[hbm4b:s15+s3] =	stream.linear.scatter [tilespmem:s17], [sflag:$0x3], $0xC000, $0x38;
	[tilespmem:$0x18800] =	vst v63  }
0x404: {  	_ =	swait.ge [sflag:s9], $0xC000  }
0x405: {  	[sflag:s9] =	ssyncset.done $0x0  }
0x406: {  	[sflag:s9] =	ssyncadd.s32 $0xFFFF4000  }
0x407: {  	v3 =	vld [tilespmem:$0x700];
	_ =	sdelay $0x4  }
0x408: {  	v58 =	vshll.u32 v3, $0x3  }
0x409: {  	v3 =	vand.u32 $0x7, v3;
	v4 =	vand.u32 $0xFFFFFFC0, v58  }
0x40a: {  	v3 =	vor.u32 v3, v4  }
0x40b: {  	v4 =	vperm.xlane v3, v0;
	_ =	sdelay $0x1  }
0x40c: {  	v4 =	vadd.s32 v1, v4;
	_ =	sdelay $0x4  }
0x40d: {  	[tilespmem:s17], [sflag:$0x1] =	stream.indirect_vreg.gather [hbm4b:s2+s3], $0x80, v4, vm0, $0xb8;
	[tilespmem:$0x18800] =	vst v63  }
0x40e: {  	s15 =	simm.s32 $0x1000;
	v3 =	vperm.xlane v3, v2  }
0x40f: {  	[tilespmem:s15], [sflag:$0x1] =	stream.indirect_vreg.gather [hbm4b:s5+s3], $0x80, v4, vm0, $0xb8;
	[tilespmem:$0x18800] =	vst v63  }
0x410: {  	s0 =	simm.s32 $0x1800;
	v3 =	vadd.s32 v1, v3  }
0x411: {  	[tilespmem:s0], [sflag:$0x1] =	stream.indirect_vreg.gather [hbm4b:s6+s3], $0x80, v4, vm0, $0xb8;
	[tilespmem:$0x18800] =	vst v63  }
0x412: {  	s1 =	simm.s32 $0x2000  }
0x413: {  	[tilespmem:s1], [sflag:$0x1] =	stream.indirect_vreg.gather [hbm4b:s7+s3], $0x80, v4, vm0, $0xb8;
	[tilespmem:$0x18800] =	vst v63  }
0x414: {  	s4 =	simm.s32 $0x2800  }
0x415: {  	[tilespmem:s4], [sflag:$0x1] =	stream.indirect_vreg.gather [hbm4b:s2+s3], $0x80, v3, vm0, $0xb8;
	[tilespmem:$0x18800] =	vst v63  }
0x416: {  	s8 =	simm.s32 $0x3000  }
0x417: {  	[tilespmem:s8], [sflag:$0x1] =	stream.indirect_vreg.gather [hbm4b:s5+s3], $0x80, v3, vm0, $0xb8;
	[tilespmem:$0x18800] =	vst v63  }
0x418: {  	s10 =	simm.s32 $0x3800  }
0x419: {  	[tilespmem:s10], [sflag:$0x1] =	stream.indirect_vreg.gather [hbm4b:s6+s3], $0x80, v3, vm0, $0xb8;
	[tilespmem:$0x18800] =	vst v63  }
0x41a: {  	s8 =	simm.s32 $0x4000  }
0x41b: {  	[tilespmem:s8], [sflag:$0x1] =	stream.indirect_vreg.gather [hbm4b:s7+s3], $0x80, v3, vm0, $0xb8;
	[tilespmem:$0x18800] =	vst v63  }
0x41c: {  	v3 =	vld [tilespmem:$0x710];
	_ =	sdelay $0x4  }
0x41d: {  	v59 =	vshll.u32 v3, $0x3  }
0x41e: {  	v3 =	vand.u32 $0x7, v3;
	v4 =	vand.u32 $0xFFFFFFC0, v59  }
0x41f: {  	v3 =	vor.u32 v3, v4  }
0x420: {  	v4 =	vperm.xlane v3, v0;
	_ =	sdelay $0x1  }
0x421: {  	v4 =	vadd.s32 v1, v4;
	_ =	sdelay $0x3  }
0x422: {  	s10 =	simm.s32 $0x4800  }
0x423: {  	[tilespmem:s10], [sflag:$0x1] =	stream.indirect_vreg.gather [hbm4b:s2+s3], $0x80, v4, vm0, $0xb8;
	[tilespmem:$0x18800] =	vst v63  }
0x424: {  	s15 =	simm.s32 $0x5000;
	v3 =	vperm.xlane v3, v2  }
0x425: {  	[tilespmem:s15], [sflag:$0x1] =	stream.indirect_vreg.gather [hbm4b:s5+s3], $0x80, v4, vm0, $0xb8;
	[tilespmem:$0x18800] =	vst v63  }
0x426: {  	s12 =	simm.s32 $0x5800;
	v3 =	vadd.s32 v1, v3  }
0x427: {  	[tilespmem:s12], [sflag:$0x1] =	stream.indirect_vreg.gather [hbm4b:s6+s3], $0x80, v4, vm0, $0xb8;
	[tilespmem:$0x18800] =	vst v63  }
0x428: {  	s16 =	simm.s32 $0x6000  }
0x429: {  	[tilespmem:s16], [sflag:$0x1] =	stream.indirect_vreg.gather [hbm4b:s7+s3], $0x80, v4, vm0, $0xb8;
	[tilespmem:$0x18800] =	vst v63  }
0x42a: {  	s18 =	simm.s32 $0x6800  }
0x42b: {  	[tilespmem:s18], [sflag:$0x1] =	stream.indirect_vreg.gather [hbm4b:s2+s3], $0x80, v3, vm0, $0xb8;
	[tilespmem:$0x18800] =	vst v63  }
0x42c: {  	s19 =	simm.s32 $0x7000  }
0x42d: {  	[tilespmem:s19], [sflag:$0x1] =	stream.indirect_vreg.gather [hbm4b:s5+s3], $0x80, v3, vm0, $0xb8;
	[tilespmem:$0x18800] =	vst v63  }
0x42e: {  	s20 =	simm.s32 $0x7800  }
0x42f: {  	[tilespmem:s20], [sflag:$0x1] =	stream.indirect_vreg.gather [hbm4b:s6+s3], $0x80, v3, vm0, $0xb8;
	[tilespmem:$0x18800] =	vst v63  }
0x430: {  	s18 =	simm.s32 $0x8000  }
0x431: {  	[tilespmem:s18], [sflag:$0x1] =	stream.indirect_vreg.gather [hbm4b:s7+s3], $0x80, v3, vm0, $0xb8;
	[tilespmem:$0x18800] =	vst v63  }
0x432: {  	v3 =	vld [tilespmem:$0x720];
	_ =	sdelay $0x4  }
0x433: {  	v60 =	vshll.u32 v3, $0x3  }
0x434: {  	v3 =	vand.u32 $0x7, v3;
	v4 =	vand.u32 $0xFFFFFFC0, v60  }
0x435: {  	v3 =	vor.u32 v3, v4  }
0x436: {  	v4 =	vperm.xlane v3, v0;
	_ =	sdelay $0x1  }
0x437: {  	v4 =	vadd.s32 v1, v4;
	_ =	sdelay $0x3  }
0x438: {  	s19 =	simm.s32 $0x8800  }
0x439: {  	[tilespmem:s19], [sflag:$0x1] =	stream.indirect_vreg.gather [hbm4b:s2+s3], $0x80, v4, vm0, $0xb8;
	[tilespmem:$0x18800] =	vst v63  }
0x43a: {  	s20 =	simm.s32 $0x9000;
	v3 =	vperm.xlane v3, v2  }
0x43b: {  	[tilespmem:s20], [sflag:$0x1] =	stream.indirect_vreg.gather [hbm4b:s5+s3], $0x80, v4, vm0, $0xb8;
	[tilespmem:$0x18800] =	vst v63  }
0x43c: {  	s21 =	simm.s32 $0x9800;
	v3 =	vadd.s32 v1, v3  }
0x43d: {  	[tilespmem:s21], [sflag:$0x1] =	stream.indirect_vreg.gather [hbm4b:s6+s3], $0x80, v4, vm0, $0xb8;
	[tilespmem:$0x18800] =	vst v63  }
0x43e: {  	s22 =	simm.s32 $0xA000  }
0x43f: {  	[tilespmem:s22], [sflag:$0x1] =	stream.indirect_vreg.gather [hbm4b:s7+s3], $0x80, v4, vm0, $0xb8;
	[tilespmem:$0x18800] =	vst v63  }
0x440: {  	s23 =	simm.s32 $0xA800  }
0x441: {  	[tilespmem:s23], [sflag:$0x1] =	stream.indirect_vreg.gather [hbm4b:s2+s3], $0x80, v3, vm0, $0xb8;
	[tilespmem:$0x18800] =	vst v63  }
0x442: {  	s24 =	simm.s32 $0xB000  }
0x443: {  	[tilespmem:s24], [sflag:$0x1] =	stream.indirect_vreg.gather [hbm4b:s5+s3], $0x80, v3, vm0, $0xb8;
	[tilespmem:$0x18800] =	vst v63  }
0x444: {  	s25 =	simm.s32 $0xB800  }
0x445: {  	[tilespmem:s25], [sflag:$0x1] =	stream.indirect_vreg.gather [hbm4b:s6+s3], $0x80, v3, vm0, $0xb8;
	[tilespmem:$0x18800] =	vst v63  }
0x446: {  	s25 =	simm.s32 $0xC000  }
0x447: {  	[tilespmem:s25], [sflag:$0x1] =	stream.indirect_vreg.gather [hbm4b:s7+s3], $0x80, v3, vm0, $0xb8;
	[tilespmem:$0x18800] =	vst v63  }
0x448: {  	_ =	swait.ge [sflag:s14], $0xC000  }
0x449: {  	[sflag:s14] =	ssyncset.done $0x0  }
0x44a: {  	s0 =	rddreg [dreg:$0x10];
	[sflag:s14] =	ssyncadd.s32 $0xFFFF4000  }
0x44b: {  	[hbm4b:s0+s3] =	stream.linear.scatter [tilespmem:s11], [sflag:$0x3], $0xC000, $0x38;
	[tilespmem:$0x18800] =	vst v63  }
0x44c: {  	_ =	swait.ge [sflag:s9], $0xC000  }
0x44d: {  	[sflag:s9] =	ssyncset.done $0x0  }
0x44e: {  	[sflag:s9] =	ssyncadd.s32 $0xFFFF4000  }
0x44f: {  	v3 =	vld [tilespmem:$0x780];
	_ =	sdelay $0x4  }
0x450: {  	v61 =	vshll.u32 v3, $0x3  }
0x451: {  	v3 =	vand.u32 $0x7, v3;
	v4 =	vand.u32 $0xFFFFFFC0, v61  }
0x452: {  	v3 =	vor.u32 v3, v4  }
0x453: {  	v4 =	vperm.xlane v3, v0;
	_ =	sdelay $0x1  }
0x454: {  	v4 =	vadd.s32 v1, v4;
	_ =	sdelay $0x4  }
0x455: {  	[tilespmem:s11], [sflag:$0x2] =	stream.indirect_vreg.gather [hbm4b:s2+s3], $0x80, v4, vm0, $0xb8;
	[tilespmem:$0x18800] =	vst v63  }
0x456: {  	s1 =	simm.s32 $0xD000;
	v3 =	vperm.xlane v3, v2  }
0x457: {  	[tilespmem:s1], [sflag:$0x2] =	stream.indirect_vreg.gather [hbm4b:s5+s3], $0x80, v4, vm0, $0xb8;
	[tilespmem:$0x18800] =	vst v63  }
0x458: {  	s26 =	simm.s32 $0xD800;
	v3 =	vadd.s32 v1, v3  }
0x459: {  	[tilespmem:s26], [sflag:$0x2] =	stream.indirect_vreg.gather [hbm4b:s6+s3], $0x80, v4, vm0, $0xb8;
	[tilespmem:$0x18800] =	vst v63  }
0x45a: {  	s28 =	simm.s32 $0xE000  }
0x45b: {  	[tilespmem:s28], [sflag:$0x2] =	stream.indirect_vreg.gather [hbm4b:s7+s3], $0x80, v4, vm0, $0xb8;
	[tilespmem:$0x18800] =	vst v63  }
0x45c: {  	s29 =	simm.s32 $0xE800  }
0x45d: {  	[tilespmem:s29], [sflag:$0x2] =	stream.indirect_vreg.gather [hbm4b:s2+s3], $0x80, v3, vm0, $0xb8;
	[tilespmem:$0x18800] =	vst v63  }
0x45e: {  	s30 =	simm.s32 $0xF000  }
0x45f: {  	[tilespmem:s30], [sflag:$0x2] =	stream.indirect_vreg.gather [hbm4b:s5+s3], $0x80, v3, vm0, $0xb8;
	[tilespmem:$0x18800] =	vst v63  }
0x460: {  	s31 =	simm.s32 $0xF800  }
0x461: {  	[tilespmem:s31], [sflag:$0x2] =	stream.indirect_vreg.gather [hbm4b:s6+s3], $0x80, v3, vm0, $0xb8;
	[tilespmem:$0x18800] =	vst v63  }
0x462: {  	s4 =	simm.s32 $0x10000  }
0x463: {  	[tilespmem:s4], [sflag:$0x2] =	stream.indirect_vreg.gather [hbm4b:s7+s3], $0x80, v3, vm0, $0xb8;
	[tilespmem:$0x18800] =	vst v63  }
0x464: {  	v3 =	vld [tilespmem:$0x790];
	_ =	sdelay $0x4  }
0x465: {  	v62 =	vshll.u32 v3, $0x3  }
0x466: {  	v3 =	vand.u32 $0x7, v3;
	v4 =	vand.u32 $0xFFFFFFC0, v62  }
0x467: {  	v3 =	vor.u32 v3, v4  }
0x468: {  	v4 =	vperm.xlane v3, v0;
	_ =	sdelay $0x1  }
0x469: {  	v4 =	vadd.s32 v1, v4;
	_ =	sdelay $0x3  }
0x46a: {  	s8 =	simm.s32 $0x10800  }
0x46b: {  	[tilespmem:s8], [sflag:$0x2] =	stream.indirect_vreg.gather [hbm4b:s2+s3], $0x80, v4, vm0, $0xb8;
	[tilespmem:$0x18800] =	vst v63  }
0x46c: {  	s10 =	simm.s32 $0x11000;
	v3 =	vperm.xlane v3, v2  }
0x46d: {  	[tilespmem:s10], [sflag:$0x2] =	stream.indirect_vreg.gather [hbm4b:s5+s3], $0x80, v4, vm0, $0xb8;
	[tilespmem:$0x18800] =	vst v63  }
0x46e: {  	s12 =	simm.s32 $0x11800;
	v3 =	vadd.s32 v1, v3  }
0x46f: {  	[tilespmem:s12], [sflag:$0x2] =	stream.indirect_vreg.gather [hbm4b:s6+s3], $0x80, v4, vm0, $0xb8;
	[tilespmem:$0x18800] =	vst v63  }
0x470: {  	s15 =	simm.s32 $0x12000  }
0x471: {  	[tilespmem:s15], [sflag:$0x2] =	stream.indirect_vreg.gather [hbm4b:s7+s3], $0x80, v4, vm0, $0xb8;
	[tilespmem:$0x18800] =	vst v63  }
0x472: {  	s16 =	simm.s32 $0x12800  }
0x473: {  	[tilespmem:s16], [sflag:$0x2] =	stream.indirect_vreg.gather [hbm4b:s2+s3], $0x80, v3, vm0, $0xb8;
	[tilespmem:$0x18800] =	vst v63  }
0x474: {  	s18 =	simm.s32 $0x13000  }
0x475: {  	[tilespmem:s18], [sflag:$0x2] =	stream.indirect_vreg.gather [hbm4b:s5+s3], $0x80, v3, vm0, $0xb8;
	[tilespmem:$0x18800] =	vst v63  }
0x476: {  	s19 =	simm.s32 $0x13800  }
0x477: {  	[tilespmem:s19], [sflag:$0x2] =	stream.indirect_vreg.gather [hbm4b:s6+s3], $0x80, v3, vm0, $0xb8;
	[tilespmem:$0x18800] =	vst v63  }
0x478: {  	s20 =	simm.s32 $0x14000  }
0x479: {  	[tilespmem:s20], [sflag:$0x2] =	stream.indirect_vreg.gather [hbm4b:s7+s3], $0x80, v3, vm0, $0xb8;
	[tilespmem:$0x18800] =	vst v63  }
0x47a: {  	v3 =	vld [tilespmem:$0x7A0];
	_ =	sdelay $0x4  }
0x47b: {  	v63 =	vshll.u32 v3, $0x3  }
0x47c: {  	v3 =	vand.u32 $0x7, v3;
	v4 =	vand.u32 $0xFFFFFFC0, v63  }
0x47d: {  	v3 =	vor.u32 v3, v4  }
0x47e: {  	v4 =	vperm.xlane v3, v0;
	_ =	sdelay $0x1  }
0x47f: {  	v4 =	vadd.s32 v1, v4;
	_ =	sdelay $0x3  }
0x480: {  	s21 =	simm.s32 $0x14800  }
0x481: {  	[tilespmem:s21], [sflag:$0x2] =	stream.indirect_vreg.gather [hbm4b:s2+s3], $0x80, v4, vm0, $0xb8;
	[tilespmem:$0x18800] =	vst v63  }
0x482: {  	s22 =	simm.s32 $0x15000;
	v3 =	vperm.xlane v3, v2  }
0x483: {  	[tilespmem:s22], [sflag:$0x2] =	stream.indirect_vreg.gather [hbm4b:s5+s3], $0x80, v4, vm0, $0xb8;
	[tilespmem:$0x18800] =	vst v63  }
0x484: {  	s23 =	simm.s32 $0x15800;
	v3 =	vadd.s32 v1, v3  }
0x485: {  	[tilespmem:s23], [sflag:$0x2] =	stream.indirect_vreg.gather [hbm4b:s6+s3], $0x80, v4, vm0, $0xb8;
	[tilespmem:$0x18800] =	vst v63  }
0x486: {  	s24 =	simm.s32 $0x16000  }
0x487: {  	[tilespmem:s24], [sflag:$0x2] =	stream.indirect_vreg.gather [hbm4b:s7+s3], $0x80, v4, vm0, $0xb8;
	[tilespmem:$0x18800] =	vst v63  }
0x488: {  	s25 =	simm.s32 $0x16800  }
0x489: {  	[tilespmem:s25], [sflag:$0x2] =	stream.indirect_vreg.gather [hbm4b:s2+s3], $0x80, v3, vm0, $0xb8;
	[tilespmem:$0x18800] =	vst v63  }
0x48a: {  	s26 =	simm.s32 $0x17000  }
0x48b: {  	[tilespmem:s26], [sflag:$0x2] =	stream.indirect_vreg.gather [hbm4b:s5+s3], $0x80, v3, vm0, $0xb8;
	[tilespmem:$0x18800] =	vst v63  }
0x48c: {  	s28 =	simm.s32 $0x17800  }
0x48d: {  	[tilespmem:s28], [sflag:$0x2] =	stream.indirect_vreg.gather [hbm4b:s6+s3], $0x80, v3, vm0, $0xb8;
	[tilespmem:$0x18800] =	vst v63  }
0x48e: {  	s29 =	simm.s32 $0x18000  }
0x48f: {  	[tilespmem:s29], [sflag:$0x2] =	stream.indirect_vreg.gather [hbm4b:s7+s3], $0x80, v3, vm0, $0xb8;
	[tilespmem:$0x18800] =	vst v63  }
0x490: {  	s0 =	rddreg [dreg:$0x14];
	_ =	swait.ge [sflag:s13], $0xC000  }
0x491: {  	[sflag:s13] =	ssyncset.done $0x0  }
0x492: {  	s30 =	rddreg [dreg:$0x11];
	[sflag:s13] =	ssyncadd.s32 $0xFFFF4000  }
0x493: {  	[hbm4b:s30+s3] =	stream.linear.scatter [tilespmem:s17], [sflag:$0x3], $0xC000, $0x38;
	[tilespmem:$0x18800] =	vst v63  }
0x494: {  	_ =	swait.ge [sflag:s9], $0xC000  }
0x495: {  	[sflag:s9] =	ssyncset.done $0x0  }
0x496: {  	[sflag:s9] =	ssyncadd.s32 $0xFFFF4000  }
0x497: {  	_ =	swait.ge [sflag:s14], $0xC000  }
0x498: {  	p0 =	sne.s32 s0, $0x1;
	[sflag:s14] =	ssyncset.done $0x0  }
.Ltmp0:
0x499: {  	s31 =	rddreg [dreg:$0x12];
	[sflag:s14] =	ssyncadd.s32 $0xFFFF4000;
	(pc) =	sbr.rel @p0 .LBB2_1-.Ltmp0, $4  }
0x49a: {  	[hbm4b:s31+s3] =	stream.linear.scatter [tilespmem:s11], [sflag:$0x3], $0xC000, $0x38;
	[tilespmem:$0x18800] =	vst v63  }
0x49b: {  	_ =	swait.ge [sflag:s9], $0xC000  }
0x49c: {  	[sflag:s9] =	ssyncset.done $0x0  }
0x49d: {  	s0 =	sadd.s32 $0xFFFFFFFF, s0;
	[sflag:s9] =	ssyncadd.s32 $0xFFFF4000  }
0x49e: {  	_ =	sfence.sel $0x180000  }
0x49f: {  	[bflag:$0x0] =	sbarrier.arrive $0xFFFF  }
0x4a0: {  	_ =	strace $0x90000047  }
0x4a1: {  	s0 =	stileid.u32;
	[bflag:$0x2] =	sbarrier.arrive $0xFFFF  }
0x4a2: {  	p0 =	sne.s32 s0, $0x0;
	s0 =	rddreg [dreg:$0x2]  }
0x4a3: {  	s0 =	sadd.s32 @!p0 $0x100000, s0  }
0x4a4: {  	[sflag:s0] =	ssyncadd.tile.s32 @!p0 $0x1;
	_ =	shalt  }
.Lfunc_end2:
_tile_overlayer_lowered:
.L_overlay_start_2:
0x4a5: {  	(tag) =	ssettag $0x2  }
0x4a6: {  	s0 =	rddreg [dreg:$0x0];
	s2 =	stileid.u32  }
0x4a7: {  	s1 =	rddreg [dreg:$0x1];
	p0 =	sne.s32 s2, $0x0  }
0x4a8: {  	s3 =	rddreg [dreg:$0x2];
	[bflag:$0x3] =	sbarrier.arrive $0xFFFF;
	s2 =	simm.s32 @!p0 $0x1C03  }
0x4a9: {  	[timem:s3], [sflag:s2] =	dma.local @!p0 [hbm:s0], s1  }
0x4aa: {  	s0 =	simm.s32 @!p0 $0x3  }
0x4ab: {  	_ =	swait.ge @!p0 [sflag:s0], s1  }
0x4ac: {  	s1 =	ssub.s32 @!p0 $0x0, s1;
	[sflag:s0] =	ssyncset.done @!p0 $0x0  }
0x4ad: {  	[sflag:s0] =	ssyncadd.s32 @!p0 s1  }
0x4ae: {  	[bflag:$0x3] =	sbarrier.arrive $0xFFFF  }
0x4af: {  	_ =	shalt  }

// kernel: sparse-core-data-format-call.cloned.1.call-start
scs
called_computation_lowered:
.L_overlay_start_0:
0x0: {  	s2 =	sld [smem:$0x3FD9]  }
0x1: {  	s3 =	sld [smem:$0x3FFE];
	_ =	sdelay $0x1  }
0x2: {  	s1 =	srdreg.scid  }
0x3: {  	s0 =	sand.u32 $0x1, s1  }
0x4: {  	s18 =	sshll.u32 s0, $0xA;
	s2 =	sadd.s32 s3, s2  }
0x5: {  	s2 =	sadd.s32 s2, s18  }
0x6: {  	[smem:$0x3FC0] =	sst s2  }
0x7: {  	_ = 	snop  }
0x8: {  	s2 =	sld [smem:$0x3FD0];
	(tm) =	ssettm $0x1  }
0x9: {  	s19 =	sld [smem:$0x3FFB];
	_ =	sdelay $0x3  }
0xa: {  	_ =	strace s19  }
0xb: {  	s3 =	sld [smem:$0x3FFC];
	_ =	sdelay $0x3  }
0xc: {  	_ =	strace s3  }
0xd: {  	s3 =	sld [smem:$0x3FFD];
	_ =	sdelay $0x3  }
0xe: {  	_ =	strace s3  }
0xf: {  	_ =	strace $0x8FFFFFFF  }
0x10: {  	s20 =	sld [smem:$0x3FDB];
	_ =	sdelay $0x1  }
0x11: {  	s4 =	simm.s32 $_scs_section_size  }
0x12: {  	s5 =	simm.s32 $_size__tile_overlayer_lowered;
	s6 =	simm.s32 $_tile_overlayer_lowered  }
0x13: {  	s23 =	simm.s32 $0x1BFF;
	s22 =	sshll.u32 s6, $0x1;
	s3 =	sadd.s32 s4, s20  }
0x14: {  	s7 =	simm.s32 $0x0;
	s21 =	sshll.u32 s5, $0x1;
	s5 =	sadd.s32 s22, s3  }
0x15: {  	[timem:s7], [sflag:s23] =	dma.local [hbm:s5], s21  }
0x16: {  	_ =	swait.ge [sflag:s23], s21  }
0x17: {  	s4 =	ssub.s32 $0x0, s21;
	[sflag:s23] =	ssyncset.done $0x0  }
0x18: {  	[sflag:s23] =	ssyncadd.s32 s4;
	_ =	sdelay $0x1  }
0x19: {  	s24 =	simm.s32 $0x1B8B  }
0x1a: {  	_ =	swait.ge [sflag:s24], $0x1  }
0x1b: {  	[sflag:s24] =	ssyncset.done $0x0  }
0x1c: {  	s26 =	simm.s32 $0x1B8E;
	s25 =	sld [smem:$0x3FFE];
	[sflag:s24] =	ssyncadd.s32 $0xFFFFFFFF  }
0x1d: {  	s27 =	simm.s32 $execute0_lowered;
	[smem:$0x3FD2] =	sst s26  }
0x1e: {  	s5 =	sshll.u32 s27, $0x1;
	_ =	strace $0x80000049;
	[dreg:$0x1] =	wrdreg $0xFFFFFFFF  }
0x1f: {  	s28 =	simm.s32 $_size_execute0_lowered;
	s3 =	sadd.s32 s3, s5;
	[dreg:$0x0] =	wrdreg $0x0  }
0x20: {  	s5 =	sshll.u32 s28, $0x1;
	[dreg:$0x2] =	wrdreg s3  }
0x21: {  	[dreg:$0x3] =	wrdreg s5  }
0x22: {  	[dreg:$0x4] =	wrdreg $0xC0  }
0x23: {  	_ =	task [dreg:s7], $0x5FFFF  }
0x24: {  	[dreg:$0x1] =	wrdreg $0xFFFFFFFF  }
0x25: {  	[dreg:$0x0] =	wrdreg $0x60  }
0x26: {  	[dreg:$0x2] =	wrdreg s25  }
0x27: {  	[dreg:$0x3] =	wrdreg s2  }
0x28: {  	[dreg:$0x4] =	wrdreg $0x9  }
0x29: {  	_ =	task.clear_ibuf [dreg:s7], $0x5FFFF;
	_ =	strace $0x90000049  }
0x2a: {  	s29 =	simm.s32 $0x9;
	_ =	strace $0x8000004B  }
0x2b: {  	_ =	swait.ge [sflag:s29], $0x1  }
0x2c: {  	[sflag:s29] =	ssyncadd.s32 $0xFFFFFFFF  }
0x2d: {  	_ =	strace $0x9000004B  }
0x2e: {  	_ =	sfence  }
0x2f: {  	s30 =	sld [smem:$0x0];
	_ =	sdelay $0x2  }
0x30: {  	s31 =	sshll.u32 s1, $0xD;
	s1 =	sshrl.u32 s1, $0x2  }
0x31: {  	s3 =	sand.u32 $0x4000, s31;
	s1 =	sadd.s32 s1, s30  }
0x32: {  	s0 =	sor.u32 s3, s0;
	s1 =	sshll.u32 s1, $0x11  }
0x33: {  	s0 =	sor.u32 s1, s0  }
0x34: {  	s0 =	sadd.s32 $0x8F2B, s0  }
0x35: {  	[sflag:s0] =	ssyncadd.remote.s32 $0x1  }
0x36: {  	_ =	sfence.sel $0xFFFF  }
0x37: {  	[dreg:$0x0] =	wrdreg $0xFFFFFFFF;
	(pc) =	sbr.abs _section_cstart, $3  }
0x38: {  	[dreg:$0x1] =	wrdreg $0xFFFFFFFF  }
0x39: {  	_ =	task.clear_ibuf [dreg:s7], $0x2FFFF;
	_ =	strace $0x9FFFFFFF  }
0x3a: {  	(tm) =	ssettm $0x7FFFFFFF  }
0x3b: {  	_ =	shalt  }
tec
execute0_lowered:
.L_overlay_start_1:
0x0: {  	(tag) =	ssettag $0x1  }
0x1: {  	s0 =	srdreg.scid  }
0x2: {  	s1 =	sshll.u32 s0, $0x4  }
0x3: {  	s0 =	stileid.u32;
	s1 =	sand.u32 $0x10, s1  }
0x4: {  	s1 =	sor.u32 s0, s1  }
0x5: {  	s6 =	rddreg [dreg:$0x0];
	s2 =	sshll.u32 s1, $0x4  }
0x6: {  	s3 =	rddreg [dreg:$0x1];
	s5 =	simm.s32 $0x1;
	s4 =	ssub.s32 $0x2000, s2  }
0x7: {  	s31 =	simm.s32 $0x2;
	s8 =	simm.s32 $0x0;
	s30 =	sand.u32 $0x1F0, s4  }
0x8: {  	s12 =	simm.s32 $0x0;
	s13 =	simm.s32 $0x0;
	p0 =	sne.s32 s30, $0x0  }
.Ltmp0:
0x9: {  	s7 =	sshrl.u32 s4, $0x9;
	s5 =	simm.s32 @!p0 $0x0;
	(pc) =	sbr.rel .LBB1_1-.Ltmp0, $4  }
0xa: {  	s10 =	simm.s32 $0x0;
	s1 =	rddreg [dreg:$0x2];
	s5 =	sadd.s32 s5, s7  }
0xb: {  	_ =	strace $0x8000004A;
	s4 =	simm.s32 $0x1;
	s5 =	smul.u32 $0x3, s5  }
0xc: {  	s11 =	simm.s32 $0x0;
	s6 =	sadd.s32 $0x3000, s6;
	[sflag:s4] =	ssyncpa.u1 $0x0  }
0xd: {  	s9 =	smov.u32 s2;
	[sflag:s31] =	ssyncpa.u1 $0x0;
	s7 =	sadd.s32 $0x1, s5  }
.LBB1_7:
0xe: {  	s14 =	sadd.s32 $0x200, s9  }
0xf: {  	s12 =	simm.s32 $0x1;
	p1 =	sgt.s32 s14, $0x1FFF  }
0x10: {  	s12 =	simm.s32 @!p1 $0x0  }
0x11: {  	s16 =	sadd.s32 s12, s10  }
0x12: {  	s14 =	smov.u32 @p1 s2;
	p1 =	sgt.s32 s16, $0x2  }
0x13: {  	s16 =	simm.s32 @p1 $0x0;
	p1 =	sne.s32 s11, s7  }
.Ltmp1:
0x14: {  	p0 =	slt.u32 s11, $0x2;
	(pc) =	sbr.rel @!p1 .LBB1_8-.Ltmp1, $4  }
0x15: {  	s15 =	simm.s32 @!p0 $0x2  }
0x16: {  	s13 =	smov.u32 s10;
	_ =	swait.ge @!p0 [sflag:s15], $0x4000  }
0x17: {  	[sflag:s15] =	ssyncset.done @!p0 $0x0;
	s12 =	smov.u32 s9;
	s9 =	smov.u32 s14  }
0x18: {  	[sflag:s15] =	ssyncadd.s32 @!p0 $0xFFFFC000;
	s11 =	sadd.s32 $0x1, s11;
	s10 =	smov.u32 s16  }
.LBB1_1:
0x19: {  	p0 =	sge.u32 s11, s5;
	s31 =	sadd.s32 $0xFFFFFFFF, s11  }
0x1a: {  	s14 =	sxor.u32 @!p0 $0xFFFFFFFF, s11;
	s15 =	sshll.u32 @!p0 s10, $0x14;
	s16 =	sshll.u32 @!p0 s9, $0x7  }
0x1b: {  	s17 =	sshll.u32 @!p0 s9, $0x4;
	s16 =	sand.u32 @!p0 $0xFFC00, s16;
	s15 =	sadd.s32 @!p0 s6, s15  }
0x1c: {  	s14 =	sshll.u32 @!p0 s14, $0xE;
	s17 =	sand.u32 @!p0 $0x70, s17;
	s15 =	sadd.s32 @!p0 s16, s15  }
0x1d: {  	s14 =	sand.u32 @!p0 $0x4000, s14;
	s16 =	simm.s32 @!p0 $0x0;
	s15 =	sadd.s32 @!p0 s17, s15  }
0x1e: {  	[tilespmem:s14], [sflag:$0x1] =	stream.linear.gather @!p0 [hbm4b:s15+s16], $0x4000, $0x38;
	[tilespmem:$0x10000] =	vst v63  }
0x1f: {  	p0 =	sge.u32 s31, s5  }
.Ltmp2:
0x20: {  	_ = 	snop;
	(pc) =	sbr.rel @p0 .LBB1_7-.Ltmp2, $1  }
0x21: {  	_ =	sdelay $0x3  }
0x22: {  	_ =	swait.ge [sflag:s4], $0x4000;
	s14 =	sshll.u32 s11, $0xE  }
0x23: {  	[sflag:s4] =	ssyncset.done $0x0;
	s15 =	sand.u32 $0x4000, s14  }
0x24: {  	s16 =	simm.s32 $0x0;
	[sflag:s4] =	ssyncadd.s32 $0xFFFFC000;
	s14 =	sor.u32 $0x8000, s15  }
.LBB1_3:
0x25: {  	s17 =	sshll.u32 s16, $0xA  }
0x26: {  	s19 =	sshll.u32 s16, $0x7;
	s18 =	sand.u32 $0x2000, s17  }
0x27: {  	s19 =	sand.u32 $0x380, s19;
	s18 =	sadd.s32 s18, s15  }
0x28: {  	s18 =	sadd.s32 s19, s18  }
0x29: {  	v0 =	vmov s18  }
0x2a: {  	s17 =	sadd.s32 s17, s14  }
0x2b: {  	p0 =	por $0x1, $0x1;
	v1 =	vmov s17;
	s17 =	simm.s32 $0x0  }
.LBB1_4:
0x2c: {  	s18 =	sshll.u32 s17, $0x3  }
0x2d: {  	s18 =	sand.u32 $0x3FFFFFF8, s18  }
0x2e: {  	v2 =	vld.idx.msk [tilespmem:v0+s18+$0x0 ss:$0x1], $0xffff  }
0x2f: {  	v3 =	vld.idx.msk [tilespmem:v0+s18+$0x10 ss:$0x1], $0xffff  }
0x30: {  	v4 =	vld.idx.msk [tilespmem:v0+s18+$0x20 ss:$0x1], $0xffff  }
0x31: {  	s19 =	sshrl.u32 s17, $0x7;
	v5 =	vld.idx.msk [tilespmem:v0+s18+$0x30 ss:$0x1], $0xffff  }
0x32: {  	s20 =	sor.u32 $0x1, s19;
	v6 =	vld.idx.msk [tilespmem:v0+s18+$0x40 ss:$0x1], $0xffff  }
0x33: {  	s21 =	sshll.u32 s20, $0xA;
	v49 =	vld.idx.msk [tilespmem:v0+s18+$0x70 ss:$0x1], $0xffff;
	[tilespmem:v1+s17+$0x0 ss:$0x1] =	vst.idx.msk $0xffff, v2  }
0x34: {  	s23 =	sand.u32 $0x3FFFFC00, s21;
	v2 =	vld.idx.msk [tilespmem:v0+s18+$0x50 ss:$0x1], $0xffff;
	[tilespmem:v1+s17+$0x10 ss:$0x1] =	vst.idx.msk $0xffff, v3  }
0x35: {  	v50 =	vld.idx.msk [tilespmem:v0+s23+$0x0 ss:$0x1], $0xffff;
	[tilespmem:v1+s17+$0x20 ss:$0x1] =	vst.idx.msk $0xffff, v4  }
0x36: {  	v51 =	vld.idx.msk [tilespmem:v0+s23+$0x10 ss:$0x1], $0xffff;
	[tilespmem:v1+s17+$0x30 ss:$0x1] =	vst.idx.msk $0xffff, v5  }
0x37: {  	v52 =	vld.idx.msk [tilespmem:v0+s23+$0x40 ss:$0x1], $0xffff;
	[tilespmem:v1+s17+$0x40 ss:$0x1] =	vst.idx.msk $0xffff, v6  }
0x38: {  	s20 =	sshll.u32 s20, $0x7;
	v3 =	vld.idx.msk [tilespmem:v0+s18+$0x60 ss:$0x1], $0xffff;
	[tilespmem:v1+s17+$0x70 ss:$0x1] =	vst.idx.msk $0xffff, v49  }
0x39: {  	s24 =	sand.u32 $0x3FFFFF80, s20;
	[tilespmem:v1+s17+$0x50 ss:$0x1] =	vst.idx.msk $0xffff, v2;
	v2 =	vld.idx.msk [tilespmem:v0+s23+$0x20 ss:$0x1], $0xffff  }
0x3a: {  	v53 =	vld.idx.msk [tilespmem:v0+s23+$0x50 ss:$0x1], $0xffff;
	[tilespmem:v1+s24+$0x0 ss:$0x1] =	vst.idx.msk $0xffff, v50  }
0x3b: {  	s25 =	sor.u32 $0x2, s19;
	v54 =	vld.idx.msk [tilespmem:v0+s23+$0x60 ss:$0x1], $0xffff;
	[tilespmem:v1+s24+$0x10 ss:$0x1] =	vst.idx.msk $0xffff, v51  }
0x3c: {  	s26 =	sshll.u32 s25, $0xA;
	v7 =	vld.idx.msk [tilespmem:v0+s23+$0x70 ss:$0x1], $0xffff;
	[tilespmem:v1+s24+$0x40 ss:$0x1] =	vst.idx.msk $0xffff, v52  }
0x3d: {  	s27 =	sand.u32 $0x3FFFFC00, s26;
	[tilespmem:v1+s17+$0x60 ss:$0x1] =	vst.idx.msk $0xffff, v3;
	v3 =	vld.idx.msk [tilespmem:v0+s23+$0x30 ss:$0x1], $0xffff  }
0x3e: {  	[tilespmem:v1+s24+$0x20 ss:$0x1] =	vst.idx.msk $0xffff, v2;
	v2 =	vld.idx.msk [tilespmem:v0+s27+$0x0 ss:$0x1], $0xffff  }
0x3f: {  	v55 =	vld.idx.msk [tilespmem:v0+s27+$0x20 ss:$0x1], $0xffff;
	[tilespmem:v1+s24+$0x50 ss:$0x1] =	vst.idx.msk $0xffff, v53  }
0x40: {  	v56 =	vld.idx.msk [tilespmem:v0+s27+$0x30 ss:$0x1], $0xffff;
	[tilespmem:v1+s24+$0x60 ss:$0x1] =	vst.idx.msk $0xffff, v54  }
0x41: {  	s20 =	sshll.u32 s25, $0x7;
	v57 =	vld.idx.msk [tilespmem:v0+s27+$0x40 ss:$0x1], $0xffff;
	[tilespmem:v1+s24+$0x70 ss:$0x1] =	vst.idx.msk $0xffff, v7  }
0x42: {  	s19 =	sor.u32 $0x3, s19;
	s28 =	sand.u32 $0x3FFFFF80, s20;
	[tilespmem:v1+s24+$0x30 ss:$0x1] =	vst.idx.msk $0xffff, v3;
	v3 =	vld.idx.msk [tilespmem:v0+s27+$0x10 ss:$0x1], $0xffff  }
0x43: {  	s29 =	sshll.u32 s19, $0xA;
	[tilespmem:v1+s28+$0x0 ss:$0x1] =	vst.idx.msk $0xffff, v2;
	v2 =	vld.idx.msk [tilespmem:v0+s27+$0x50 ss:$0x1], $0xffff  }
0x44: {  	s30 =	sand.u32 $0x3FFFFC00, s29;
	v58 =	vld.idx.msk [tilespmem:v0+s27+$0x70 ss:$0x1], $0xffff;
	[tilespmem:v1+s28+$0x20 ss:$0x1] =	vst.idx.msk $0xffff, v55  }
0x45: {  	v59 =	vld.idx.msk [tilespmem:v0+s30+$0x0 ss:$0x1], $0xffff;
	[tilespmem:v1+s28+$0x30 ss:$0x1] =	vst.idx.msk $0xffff, v56  }
0x46: {  	v60 =	vld.idx.msk [tilespmem:v0+s30+$0x10 ss:$0x1], $0xffff;
	[tilespmem:v1+s28+$0x40 ss:$0x1] =	vst.idx.msk $0xffff, v57  }
0x47: {  	[tilespmem:v1+s28+$0x10 ss:$0x1] =	vst.idx.msk $0xffff, v3;
	v3 =	vld.idx.msk [tilespmem:v0+s27+$0x60 ss:$0x1], $0xffff  }
0x48: {  	s19 =	sshll.u32 s19, $0x7;
	[tilespmem:v1+s28+$0x50 ss:$0x1] =	vst.idx.msk $0xffff, v2;
	v2 =	vld.idx.msk [tilespmem:v0+s30+$0x20 ss:$0x1], $0xffff  }
0x49: {  	s31 =	sand.u32 $0x3FFFFF80, s19;
	v61 =	vld.idx.msk [tilespmem:v0+s30+$0x40 ss:$0x1], $0xffff;
	[tilespmem:v1+s28+$0x70 ss:$0x1] =	vst.idx.msk $0xffff, v58  }
0x4a: {  	v62 =	vld.idx.msk [tilespmem:v0+s30+$0x50 ss:$0x1], $0xffff;
	[tilespmem:v1+s31+$0x0 ss:$0x1] =	vst.idx.msk $0xffff, v59  }
0x4b: {  	v63 =	vld.idx.msk [tilespmem:v0+s30+$0x60 ss:$0x1], $0xffff;
	[tilespmem:v1+s31+$0x10 ss:$0x1] =	vst.idx.msk $0xffff, v60  }
0x4c: {  	[tilespmem:v1+s28+$0x60 ss:$0x1] =	vst.idx.msk $0xffff, v3;
	v3 =	vld.idx.msk [tilespmem:v0+s30+$0x30 ss:$0x1], $0xffff  }
0x4d: {  	p1 =	por p0, p0;
	[tilespmem:v1+s31+$0x20 ss:$0x1] =	vst.idx.msk $0xffff, v2;
	v2 =	vld.idx.msk [tilespmem:v0+s30+$0x70 ss:$0x1], $0xffff  }
.Ltmp3:
0x4e: {  	[tilespmem:v1+s31+$0x40 ss:$0x1] =	vst.idx.msk $0xffff, v61;
	(pc) =	sbr.rel @p1 .LBB1_4-.Ltmp3, $4  }
0x4f: {  	[tilespmem:v1+s31+$0x50 ss:$0x1] =	vst.idx.msk $0xffff, v62  }
0x50: {  	[tilespmem:v1+s31+$0x60 ss:$0x1] =	vst.idx.msk $0xffff, v63  }
0x51: {  	[tilespmem:v1+s31+$0x30 ss:$0x1] =	vst.idx.msk $0xffff, v3  }
0x52: {  	p0 =	por $0x0, $0x0;
	s17 =	simm.s32 $0x200;
	[tilespmem:v1+s31+$0x70 ss:$0x1] =	vst.idx.msk $0xffff, v2  }
0x53: {  	s16 =	sadd.s32 $0x1, s16  }
0x54: {  	p0 =	sne.s32 s16, $0x10  }
.Ltmp4:
0x55: {  	_ = 	snop;
	(pc) =	sbr.rel @p0 .LBB1_3-.Ltmp4, $1  }
0x56: {  	_ =	sdelay $0x3  }
.Ltmp5:
0x57: {  	(pc) =	sbr.rel .LBB1_7-.Ltmp5, $4  }
0x58: {  	s13 =	sshll.u32 s13, $0x14  }
0x59: {  	s12 =	sshll.u32 s12, $0x7;
	s13 =	sadd.s32 s3, s13  }
0x5a: {  	s12 =	sadd.s32 s12, s13  }
0x5b: {  	[hbm4b:s12+s8] =	stream.linear.scatter [tilespmem:s14], [sflag:$0x2], $0x4000, $0x38;
	[tilespmem:$0x10000] =	vst v63  }
.LBB1_8:
0x5c: {  	_ =	sfence.sel $0x180000  }
0x5d: {  	s2 =	simm.s32 $0x1;
	[bflag:$0x0] =	sbarrier.arrive $0xFFFF  }
0x5e: {  	s31 =	simm.s32 $0x2;
	[sflag:s2] =	ssyncpa.u1 $0x1  }
0x5f: {  	[sflag:s31] =	ssyncpa.u1 $0x1  }
0x60: {  	p0 =	sne.s32 s0, $0x0;
	_ =	strace $0x9000004A  }
0x61: {  	s0 =	sadd.s32 @!p0 $0x100000, s1;
	[bflag:$0x2] =	sbarrier.arrive $0xFFFF  }
0x62: {  	[sflag:s0] =	ssyncadd.tile.s32 @!p0 $0x1;
	_ =	shalt  }
.Lfunc_end1:
_tile_overlayer_lowered:
.L_overlay_start_2:
0x63: {  	(tag) =	ssettag $0x2  }
0x64: {  	s0 =	rddreg [dreg:$0x0];
	s2 =	stileid.u32  }
0x65: {  	s1 =	rddreg [dreg:$0x1];
	p0 =	sne.s32 s2, $0x0  }
0x66: {  	s3 =	rddreg [dreg:$0x2];
	[bflag:$0x3] =	sbarrier.arrive $0xFFFF;
	s2 =	simm.s32 @!p0 $0x1C01  }
0x67: {  	[timem:s3], [sflag:s2] =	dma.local @!p0 [hbm:s0], s1  }
0x68: {  	s0 =	simm.s32 @!p0 $0x1  }
0x69: {  	_ =	swait.ge @!p0 [sflag:s0], s1  }
0x6a: {  	s1 =	ssub.s32 @!p0 $0x0, s1;
	[sflag:s0] =	ssyncset.done @!p0 $0x0  }
0x6b: {  	[sflag:s0] =	ssyncadd.s32 @!p0 s1  }
0x6c: {  	[bflag:$0x3] =	sbarrier.arrive $0xFFFF  }
0x6d: {  	_ =	shalt  }

</sc_bundles>
